<compile_context>
chip_gen: v7x
topology: tpu7x:2x2x1
jax: 0.10.2.dev20260603
libtpu: 0.0.44.dev20260713+nightly
codegen_flags: <defaults>
</compile_context>

<pallas_src>
import functools

import jax
import jax.numpy as jnp
from jax.experimental import pallas as pl
from jax.experimental.pallas import tpu as pltpu

BT = 32
T = 512
R = 128
H = 128
NEG = -3.0e38


def _lstm_body(xs_ref, w1_ref, w2_ref, b_ref, att_ref, fc1_ref, fc1b_ref,
               out_ref, h_ref, c_ref, m_ref, z_ref, a_ref, gx_ref):
    i = pl.program_id(0)

    @pl.when(i == 0)
    def _init():
        h_ref[...] = jnp.zeros((R, H), jnp.float32)
        c_ref[...] = jnp.zeros((R, H), jnp.float32)
        m_ref[...] = jnp.full((R, 1), NEG, jnp.float32)
        z_ref[...] = jnp.zeros((R, 1), jnp.float32)
        a_ref[...] = jnp.zeros((R, H), jnp.float32)

    xflat = xs_ref[...].reshape(BT * R, H)
    gx_ref[...] = jax.lax.dot(xflat, w1_ref[...],
                              preferred_element_type=jnp.float32)

    def step(t, _):
        h = h_ref[...]
        c = c_ref[...]
        gates = (gx_ref[pl.ds(t * R, R), :]
                 + jax.lax.dot(h, w2_ref[...],
                               preferred_element_type=jnp.float32)
                 + b_ref[...])
        i_g = jax.nn.sigmoid(gates[:, 0:H])
        f_g = jax.nn.sigmoid(gates[:, H:2 * H])
        g_g = jnp.tanh(gates[:, 2 * H:3 * H])
        o_g = jax.nn.sigmoid(gates[:, 3 * H:4 * H])
        c = f_g * c + i_g * g_g
        h = o_g * jnp.tanh(c)
        c_ref[...] = c
        h_ref[...] = h
        s = jax.lax.dot(h, att_ref[...], preferred_element_type=jnp.float32)
        m_old = m_ref[...]
        m_new = jnp.maximum(m_old, s)
        alpha = jnp.exp(m_old - m_new)
        p = jnp.exp(s - m_new)
        m_ref[...] = m_new
        z_ref[...] = z_ref[...] * alpha + p
        a_ref[...] = a_ref[...] * alpha + p * h
        return 0

    jax.lax.fori_loop(0, BT, step, 0, unroll=True)

    @pl.when(i == (T // BT) - 1)
    def _finish():
        attended = a_ref[...] / z_ref[...]
        h1 = jax.lax.dot(attended, fc1_ref[...],
                         preferred_element_type=jnp.float32) + fc1b_ref[...]
        out_ref[...] = jnp.maximum(h1, 0.0)


def _pool_body(f_ref, pool_ref, fc2_ref, fc2b_ref, out_ref):
    f = f_ref[...]
    ps = jnp.sum(f * pool_ref[...], axis=-1)
    ps = ps - jnp.max(ps, axis=1, keepdims=True)
    e = jnp.exp(ps)
    pw = e / jnp.sum(e, axis=1, keepdims=True)
    pooled = jnp.sum(f * pw[..., None], axis=1)
    out_ref[...] = (jax.lax.dot(pooled, fc2_ref[...],
                                preferred_element_type=jnp.float32)
                    + fc2b_ref[...])


@functools.partial(jax.jit, static_argnames=())
def kernel(x, mask, W_ih, W_hh, b_ih, b_hh, att_w, fc1_w, fc1_b, fc2_w,
           fc2_b, pool_w):
    B, _, O, D = x.shape
    xs = jnp.transpose(x.reshape(B * O, T, D), (1, 0, 2))
    w1 = W_ih.T
    w2 = W_hh.T
    b = (b_ih + b_hh).reshape(1, 4 * H)
    att = att_w.reshape(H, 1)
    fc1t = fc1_w.T
    fc1b = fc1_b.reshape(1, H)

    final = pl.pallas_call(
        _lstm_body,
        grid=(T // BT,),
        in_specs=[
            pl.BlockSpec((BT, R, D), lambda i: (i, 0, 0)),
            pl.BlockSpec((D, 4 * H), lambda i: (0, 0)),
            pl.BlockSpec((H, 4 * H), lambda i: (0, 0)),
            pl.BlockSpec((1, 4 * H), lambda i: (0, 0)),
            pl.BlockSpec((H, 1), lambda i: (0, 0)),
            pl.BlockSpec((H, H), lambda i: (0, 0)),
            pl.BlockSpec((1, H), lambda i: (0, 0)),
        ],
        out_specs=pl.BlockSpec((R, H), lambda i: (0, 0)),
        out_shape=jax.ShapeDtypeStruct((R, H), jnp.float32),
        scratch_shapes=[
            pltpu.VMEM((R, H), jnp.float32),
            pltpu.VMEM((R, H), jnp.float32),
            pltpu.VMEM((R, 1), jnp.float32),
            pltpu.VMEM((R, 1), jnp.float32),
            pltpu.VMEM((R, H), jnp.float32),
            pltpu.VMEM((BT * R, 4 * H), jnp.float32),
        ],
        compiler_params=pltpu.CompilerParams(
            dimension_semantics=("arbitrary",),
        ),
    )(xs, w1, w2, b, att, fc1t, fc1b)

    f3 = final.reshape(B, O, H)
    logits = pl.pallas_call(
        _pool_body,
        in_specs=[
            pl.BlockSpec((B, O, H), lambda: (0, 0, 0)),
            pl.BlockSpec((1, 1, H), lambda: (0, 0, 0)),
            pl.BlockSpec((H, 10), lambda: (0, 0)),
            pl.BlockSpec((1, 10), lambda: (0, 0)),
        ],
        out_specs=pl.BlockSpec((B, 10), lambda: (0, 0)),
        out_shape=jax.ShapeDtypeStruct((B, 10), jnp.float32),
    )(f3, pool_w.reshape(1, 1, H), fc2_w.T, fc2_b.reshape(1, 10))
    return logits

# --- scband reference (transcript-rebuilt; emitter-appended) ---
"""Pipeline reference for scband-lstmclassifier-86088324481686 (READ-ONLY COPY).

The authoritative reference and input builder live on the scoring server;
editing this copy changes nothing except your own understanding.
"""

import jax, jax.numpy as jnp
import numpy as np


def setup_inputs(seed: int = 0) -> dict:
    key = jax.random.key(seed)
    ks = jax.random.split(key, 12)
    s = 0.05
    H = 128
    D = 128
    C = 10
    return {
        "x": jax.random.normal(ks[0], (8, 512, 16, 128), dtype=jnp.float32),
        "mask": jnp.ones((8, 512, 16), dtype=jnp.float32),
        "W_ih": jax.random.normal(ks[1], (4 * H, D), dtype=jnp.float32) * s,
        "W_hh": jax.random.normal(ks[2], (4 * H, H), dtype=jnp.float32) * s,
        "b_ih": jnp.zeros((4 * H,), dtype=jnp.float32),
        "b_hh": jnp.zeros((4 * H,), dtype=jnp.float32),
        "att_w": jax.random.normal(ks[3], (1, H), dtype=jnp.float32) * s,
        "fc1_w": jax.random.normal(ks[4], (H, H), dtype=jnp.float32) * s,
        "fc1_b": jnp.zeros((H,), dtype=jnp.float32),
        "fc2_w": jax.random.normal(ks[5], (C, H), dtype=jnp.float32) * s,
        "fc2_b": jnp.zeros((C,), dtype=jnp.float32),
        "pool_w": jax.random.normal(ks[6], (1, H), dtype=jnp.float32) * s,
    }


def reference(x, mask, W_ih, W_hh, b_ih, b_hh, att_w, fc1_w, fc1_b, fc2_w, fc2_b, pool_w):
    B, T, O, D = x.shape
    H = W_hh.shape[1]
    # torch .view reinterprets memory order; jnp.reshape is identical
    x2 = x.reshape(B * O, T, D)
    m2 = mask.reshape(B * O, T)

    def step(carry, xt):
        h, c = carry
        gates = xt @ W_ih.T + h @ W_hh.T + b_ih + b_hh
        i, f, g, o = jnp.split(gates, 4, axis=-1)
        i = jax.nn.sigmoid(i)
        f = jax.nn.sigmoid(f)
        g = jnp.tanh(g)
        o = jax.nn.sigmoid(o)
        c = f * c + i * g
        h = o * jnp.tanh(c)
        return (h, c), h

    h0 = jnp.zeros((B * O, H), dtype=x.dtype)
    c0 = jnp.zeros((B * O, H), dtype=x.dtype)
    xs = jnp.transpose(x2, (1, 0, 2))
    _, hs = jax.lax.scan(step, (h0, c0), xs)
    out = jnp.transpose(hs, (1, 0, 2))  # [B*O, T, H]
    # packed/pad_packed zeroes outputs past each sequence length
    out = out * m2[..., None]
    # Attention over time with mask
    scores = jnp.einsum('bth,h->bt', out, att_w[0])
    scores = jnp.where(m2 == 0, -jnp.inf, scores)
    aw = jax.nn.softmax(scores, axis=1)
    attended = jnp.sum(out * aw[..., None], axis=1)
    h1 = jax.nn.relu(attended @ fc1_w.T + fc1_b)  # dropout_rate=0.0 -> identity
    # scatter of nonzero-length rows into zeros buffer
    lengths = m2.sum(axis=1)
    final = h1 * (lengths > 0).astype(h1.dtype)[:, None]
    final = final.reshape(B, O, H)
    # attention pooling over objects
    ps = jnp.einsum('boh,h->bo', final, pool_w[0])
    pw = jax.nn.softmax(ps, axis=1)
    pooled = jnp.sum(final * pw[..., None], axis=1)
    logits = pooled @ fc2_w.T + fc2_b
    return logits

if __name__ == "__main__":
    import jax
    _d = setup_inputs()
    print(jax.jit(kernel)(*tuple(_d.values())))

</pallas_src>

<mosaic_0001>
module attributes {stable_mosaic.version = 14 : i64} {
  func.func @_pool_body(%arg0: memref<8x16x128xf32, #tpu.memory_space<vmem>>, %arg1: memref<1x1x128xf32, #tpu.memory_space<vmem>>, %arg2: memref<128x10xf32, #tpu.memory_space<vmem>>, %arg3: memref<1x10xf32, #tpu.memory_space<vmem>>, %arg4: memref<8x10xf32, #tpu.memory_space<vmem>>) attributes {dimension_semantics = [], scalar_prefetch = 0 : i64, scratch_operands = 0 : i64, tpu.core_type = #tpu.core_type<tc>} {
    %get3A = arith.constant 0 : index
    %get3A_0 = arith.constant 0 : index
    %get3A_1 = arith.constant 0 : index
    %get3A_2 = vector.load %arg0[%get3A, %get3A_0, %get3A_1] : memref<8x16x128xf32, #tpu.memory_space<vmem>>, vector<8x16x128xf32>
    %get3A_3 = arith.constant 0 : index
    %get3A_4 = arith.constant 0 : index
    %get3A_5 = arith.constant 0 : index
    %get3A_6 = vector.load %arg1[%get3A_3, %get3A_4, %get3A_5] : memref<1x1x128xf32, #tpu.memory_space<vmem>>, vector<1x1x128xf32>
    %mul3A = vector.broadcast %get3A_6 : vector<1x1x128xf32> to vector<8x16x128xf32>
    %mul3A_7 = arith.mulf %get3A_2, %mul3A : vector<8x16x128xf32>
    %reduce_sum3A = arith.constant dense<0.000000e+00> : vector<8x16xf32>
    %reduce_sum3A_8 = vector.multi_reduction <add>, %mul3A_7, %reduce_sum3A [2] : vector<8x16x128xf32> to vector<8x16xf32>
    %reduce_max3A = arith.constant dense<0xFF800000> : vector<8xf32>
    %reduce_max3A_9 = vector.multi_reduction <maximumf>, %reduce_sum3A_8, %reduce_max3A [1] : vector<8x16xf32> to vector<8xf32>
    %broadcast_in_dim3A = vector.shape_cast %reduce_max3A_9 : vector<8xf32> to vector<8x1xf32>
    %sub3A = vector.broadcast %broadcast_in_dim3A : vector<8x1xf32> to vector<8x16xf32>
    %sub3A_10 = arith.subf %reduce_sum3A_8, %sub3A : vector<8x16xf32>
    %exp3A = math.exp %sub3A_10 : vector<8x16xf32>
    %reduce_sum3A_11 = arith.constant dense<0.000000e+00> : vector<8xf32>
    %reduce_sum3A_12 = vector.multi_reduction <add>, %exp3A, %reduce_sum3A_11 [1] : vector<8x16xf32> to vector<8xf32>
    %broadcast_in_dim3A_13 = vector.shape_cast %reduce_sum3A_12 : vector<8xf32> to vector<8x1xf32>
    %div3A = vector.broadcast %broadcast_in_dim3A_13 : vector<8x1xf32> to vector<8x16xf32>
    %div3A_14 = arith.divf %exp3A, %div3A : vector<8x16xf32>
    %broadcast_in_dim3A_15 = vector.shape_cast %div3A_14 : vector<8x16xf32> to vector<8x16x1xf32>
    %mul3A_16 = vector.broadcast %broadcast_in_dim3A_15 : vector<8x16x1xf32> to vector<8x16x128xf32>
    %mul3A_17 = arith.mulf %get3A_2, %mul3A_16 : vector<8x16x128xf32>
    %reduce_sum3A_18 = arith.constant dense<0.000000e+00> : vector<8x128xf32>
    %reduce_sum3A_19 = vector.multi_reduction <add>, %mul3A_17, %reduce_sum3A_18 [1] : vector<8x16x128xf32> to vector<8x128xf32>
    %get3A_20 = arith.constant 0 : index
    %get3A_21 = arith.constant 0 : index
    %get3A_22 = vector.load %arg2[%get3A_20, %get3A_21] : memref<128x10xf32, #tpu.memory_space<vmem>>, vector<128x10xf32>
    %dot_general3A = arith.constant dense<0.000000e+00> : vector<8x10xf32>
    %dot_general3A_23 = tpu.matmul %reduce_sum3A_19, %get3A_22, %dot_general3A {dimension_numbers = #tpu.dot_dimension_numbers<[1], [0], [0], [1], [0, 0, 1, 1], [], []>, transpose_lhs_hint = false} : vector<8x128xf32>, vector<128x10xf32>, vector<8x10xf32> -> vector<8x10xf32>
    %get3A_24 = arith.constant 0 : index
    %get3A_25 = arith.constant 0 : index
    %get3A_26 = vector.load %arg3[%get3A_24, %get3A_25] : memref<1x10xf32, #tpu.memory_space<vmem>>, vector<1x10xf32>
    %add3A = vector.broadcast %get3A_26 : vector<1x10xf32> to vector<8x10xf32>
    %add3A_27 = arith.addf %dot_general3A_23, %add3A : vector<8x10xf32>
    %swap3A = arith.constant 0 : index
    %swap3A_28 = arith.constant 0 : index
    %swap3A_29 = vector.load %arg4[%swap3A, %swap3A_28] : memref<8x10xf32, #tpu.memory_space<vmem>>, vector<8x10xf32>
    tpu.vector_store %arg4[%swap3A, %swap3A_28], %add3A_27 {strides = array<i32>} : memref<8x10xf32, #tpu.memory_space<vmem>>, vector<8x10xf32>,
    return
  }
}

module attributes {stable_mosaic.version = 14 : i64} {
  func.func @_lstm_body(%arg0: i32, %arg1: memref<32x128x128xf32, #tpu.memory_space<vmem>>, %arg2: memref<128x512xf32, #tpu.memory_space<vmem>>, %arg3: memref<128x512xf32, #tpu.memory_space<vmem>>, %arg4: memref<1x512xf32, #tpu.memory_space<vmem>>, %arg5: memref<128x1xf32, #tpu.memory_space<vmem>>, %arg6: memref<128x128xf32, #tpu.memory_space<vmem>>, %arg7: memref<1x128xf32, #tpu.memory_space<vmem>>, %arg8: memref<128x128xf32, #tpu.memory_space<vmem>>, %arg9: memref<128x128xf32, #tpu.memory_space<vmem>>, %arg10: memref<128x128xf32, #tpu.memory_space<vmem>>, %arg11: memref<128x1xf32, #tpu.memory_space<vmem>>, %arg12: memref<128x1xf32, #tpu.memory_space<vmem>>, %arg13: memref<128x128xf32, #tpu.memory_space<vmem>>, %arg14: memref<4096x512xf32, #tpu.memory_space<vmem>>) attributes {dimension_semantics = [#tpu.dimension_semantics<arbitrary>], iteration_bounds = array<i64: 16>, scalar_prefetch = 0 : i64, scratch_operands = 6 : i64, tpu.core_type = #tpu.core_type<tc>, window_params = [{transform_indices = @transform_0, window_bounds = array<i64: 32, 128, 128>}, {pipeline_mode = #tpu.pipeline_mode<synchronous>, transform_indices = @transform_1, window_bounds = array<i64: 128, 512>}, {pipeline_mode = #tpu.pipeline_mode<synchronous>, transform_indices = @transform_2, window_bounds = array<i64: 128, 512>}, {pipeline_mode = #tpu.pipeline_mode<synchronous>, transform_indices = @transform_3, window_bounds = array<i64: 1, 512>}, {pipeline_mode = #tpu.pipeline_mode<synchronous>, transform_indices = @transform_4, window_bounds = array<i64: 128, 1>}, {pipeline_mode = #tpu.pipeline_mode<synchronous>, transform_indices = @transform_5, window_bounds = array<i64: 128, 128>}, {pipeline_mode = #tpu.pipeline_mode<synchronous>, transform_indices = @transform_6, window_bounds = array<i64: 1, 128>}, {pipeline_mode = #tpu.pipeline_mode<synchronous>, transform_indices = @transform_7, window_bounds = array<i64: 128, 128>}]} {
    %eq3A = arith.constant 0 : i32
    %eq3A_0 = arith.cmpi eq, %arg0, %eq3A : i32
    %convert_element_type3A = arith.extui %eq3A_0 : i1 to i32
    %cond3A = arith.constant 0 : i32
    %cond3A_1 = arith.cmpi ne, %convert_element_type3A, %cond3A : i32
    scf.if %cond3A_1 {
      %broadcast_in_dim3A = arith.constant 0.000000e+00 : f32
      %broadcast_in_dim3A_2952 = vector.broadcast %broadcast_in_dim3A : f32 to vector<128x128xf32>
      %swap3A_2953 = arith.constant 0 : index
      %swap3A_2954 = arith.constant 0 : index
      %swap3A_2955 = vector.load %arg9[%swap3A_2953, %swap3A_2954] : memref<128x128xf32, #tpu.memory_space<vmem>>, vector<128x128xf32>
      tpu.vector_store %arg9[%swap3A_2953, %swap3A_2954], %broadcast_in_dim3A_2952 {strides = array<i32>} : memref<128x128xf32, #tpu.memory_space<vmem>>, vector<128x128xf32>,
      %broadcast_in_dim3A_2956 = arith.constant 0.000000e+00 : f32
      %broadcast_in_dim3A_2957 = vector.broadcast %broadcast_in_dim3A_2956 : f32 to vector<128x128xf32>
      %swap3A_2958 = arith.constant 0 : index
      %swap3A_2959 = arith.constant 0 : index
      %swap3A_2960 = vector.load %arg10[%swap3A_2958, %swap3A_2959] : memref<128x128xf32, #tpu.memory_space<vmem>>, vector<128x128xf32>
      tpu.vector_store %arg10[%swap3A_2958, %swap3A_2959], %broadcast_in_dim3A_2957 {strides = array<i32>} : memref<128x128xf32, #tpu.memory_space<vmem>>, vector<128x128xf32>,
      %broadcast_in_dim3A_2961 = arith.constant -3.000000e+38 : f32
      %broadcast_in_dim3A_2962 = vector.broadcast %broadcast_in_dim3A_2961 : f32 to vector<128x1xf32>
      %swap3A_2963 = arith.constant 0 : index
      %swap3A_2964 = arith.constant 0 : index
      %swap3A_2965 = vector.load %arg11[%swap3A_2963, %swap3A_2964] : memref<128x1xf32, #tpu.memory_space<vmem>>, vector<128x1xf32>
      tpu.vector_store %arg11[%swap3A_2963, %swap3A_2964], %broadcast_in_dim3A_2962 {strides = array<i32>} : memref<128x1xf32, #tpu.memory_space<vmem>>, vector<128x1xf32>,
      %broadcast_in_dim3A_2966 = arith.constant 0.000000e+00 : f32
      %broadcast_in_dim3A_2967 = vector.broadcast %broadcast_in_dim3A_2966 : f32 to vector<128x1xf32>
      %swap3A_2968 = arith.constant 0 : index
      %swap3A_2969 = arith.constant 0 : index
      %swap3A_2970 = vector.load %arg12[%swap3A_2968, %swap3A_2969] : memref<128x1xf32, #tpu.memory_space<vmem>>, vector<128x1xf32>
      tpu.vector_store %arg12[%swap3A_2968, %swap3A_2969], %broadcast_in_dim3A_2967 {strides = array<i32>} : memref<128x1xf32, #tpu.memory_space<vmem>>, vector<128x1xf32>,
      %broadcast_in_dim3A_2971 = arith.constant 0.000000e+00 : f32
      %broadcast_in_dim3A_2972 = vector.broadcast %broadcast_in_dim3A_2971 : f32 to vector<128x128xf32>
      %swap3A_2973 = arith.constant 0 : index
      %swap3A_2974 = arith.constant 0 : index
      %swap3A_2975 = vector.load %arg13[%swap3A_2973, %swap3A_2974] : memref<128x128xf32, #tpu.memory_space<vmem>>, vector<128x128xf32>
      tpu.vector_store %arg13[%swap3A_2973, %swap3A_2974], %broadcast_in_dim3A_2972 {strides = array<i32>} : memref<128x128xf32, #tpu.memory_space<vmem>>, vector<128x128xf32>,
    } else {
    }
    %get3A = arith.constant 0 : index
    %get3A_2 = arith.constant 0 : index
    %get3A_3 = arith.constant 0 : index
    %get3A_4 = vector.load %arg1[%get3A, %get3A_2, %get3A_3] : memref<32x128x128xf32, #tpu.memory_space<vmem>>, vector<32x128x128xf32>
    %reshape3A = vector.shape_cast %get3A_4 : vector<32x128x128xf32> to vector<4096x128xf32>
    %get3A_5 = arith.constant 0 : index
    %get3A_6 = arith.constant 0 : index
    %get3A_7 = vector.load %arg2[%get3A_5, %get3A_6] : memref<128x512xf32, #tpu.memory_space<vmem>>, vector<128x512xf32>
    %dot_general3A = arith.constant dense<0.000000e+00> : vector<4096x512xf32>
    %dot_general3A_8 = tpu.matmul %reshape3A, %get3A_7, %dot_general3A {dimension_numbers = #tpu.dot_dimension_numbers<[1], [0], [0], [1], [0, 0, 1, 1], [], []>, transpose_lhs_hint = false} : vector<4096x128xf32>, vector<128x512xf32>, vector<4096x512xf32> -> vector<4096x512xf32>
    %swap3A = arith.constant 0 : index
    %swap3A_9 = arith.constant 0 : index
    %swap3A_10 = vector.load %arg14[%swap3A, %swap3A_9] : memref<4096x512xf32, #tpu.memory_space<vmem>>, vector<4096x512xf32>
    tpu.vector_store %arg14[%swap3A, %swap3A_9], %dot_general3A_8 {strides = array<i32>} : memref<4096x512xf32, #tpu.memory_space<vmem>>, vector<4096x512xf32>,
    %scan3A = arith.constant 0 : i32
    %get3A_11 = arith.constant 0 : index
    %get3A_12 = arith.constant 0 : index
    %get3A_13 = vector.load %arg9[%get3A_11, %get3A_12] : memref<128x128xf32, #tpu.memory_space<vmem>>, vector<128x128xf32>
    %get3A_14 = arith.constant 0 : index
    %get3A_15 = arith.constant 0 : index
    %get3A_16 = vector.load %arg10[%get3A_14, %get3A_15] : memref<128x128xf32, #tpu.memory_space<vmem>>, vector<128x128xf32>
    %mul3A = arith.constant 128 : i32
    %mul3A_17 = arith.muli %scan3A, %mul3A : i32
    %get3A_18 = arith.index_cast %mul3A_17 : i32 to index
    %get3A_19 = arith.constant 0 : index
    %get3A_20 = vector.load %arg14[%get3A_18, %get3A_19] : memref<4096x512xf32, #tpu.memory_space<vmem>>, vector<128x512xf32>
    %get3A_21 = arith.constant 0 : index
    %get3A_22 = arith.constant 0 : index
    %get3A_23 = vector.load %arg3[%get3A_21, %get3A_22] : memref<128x512xf32, #tpu.memory_space<vmem>>, vector<128x512xf32>
    %dot_general3A_24 = arith.constant dense<0.000000e+00> : vector<128x512xf32>
    %dot_general3A_25 = tpu.matmul %get3A_13, %get3A_23, %dot_general3A_24 {dimension_numbers = #tpu.dot_dimension_numbers<[1], [0], [0], [1], [0, 0, 1, 1], [], []>, transpose_lhs_hint = false} : vector<128x128xf32>, vector<128x512xf32>, vector<128x512xf32> -> vector<128x512xf32>
    %add3A = arith.addf %get3A_20, %dot_general3A_25 : vector<128x512xf32>
    %get3A_26 = arith.constant 0 : index
    %get3A_27 = arith.constant 0 : index
    %get3A_28 = vector.load %arg4[%get3A_26, %get3A_27] : memref<1x512xf32, #tpu.memory_space<vmem>>, vector<1x512xf32>
    %add3A_29 = vector.broadcast %get3A_28 : vector<1x512xf32> to vector<128x512xf32>
    %add3A_30 = arith.addf %add3A, %add3A_29 : vector<128x512xf32>
    %slice3A = vector.extract_strided_slice %add3A_30 {offsets = [0, 0], sizes = [128, 128], strides = [1, 1]} : vector<128x512xf32> to vector<128x128xf32>
    %logistic3A = arith.negf %slice3A : vector<128x128xf32>
    %logistic3A_31 = math.exp %logistic3A : vector<128x128xf32>
    %logistic3A_32 = arith.constant 1.000000e+00 : f32
    %logistic3A_33 = vector.broadcast %logistic3A_32 : f32 to vector<128x128xf32>
    %logistic3A_34 = arith.addf %logistic3A_33, %logistic3A_31 : vector<128x128xf32>
    %logistic3A_35 = arith.divf %logistic3A_33, %logistic3A_34 : vector<128x128xf32>
    %slice3A_36 = vector.extract_strided_slice %add3A_30 {offsets = [0, 128], sizes = [128, 128], strides = [1, 1]} : vector<128x512xf32> to vector<128x128xf32>
    %logistic3A_37 = arith.negf %slice3A_36 : vector<128x128xf32>
    %logistic3A_38 = math.exp %logistic3A_37 : vector<128x128xf32>
    %logistic3A_39 = arith.constant 1.000000e+00 : f32
    %logistic3A_40 = vector.broadcast %logistic3A_39 : f32 to vector<128x128xf32>
    %logistic3A_41 = arith.addf %logistic3A_40, %logistic3A_38 : vector<128x128xf32>
    %logistic3A_42 = arith.divf %logistic3A_40, %logistic3A_41 : vector<128x128xf32>
    %slice3A_43 = vector.extract_strided_slice %add3A_30 {offsets = [0, 256], sizes = [128, 128], strides = [1, 1]} : vector<128x512xf32> to vector<128x128xf32>
    %tanh3A = math.tanh %slice3A_43 : vector<128x128xf32>
    %slice3A_44 = vector.extract_strided_slice %add3A_30 {offsets = [0, 384], sizes = [128, 128], strides = [1, 1]} : vector<128x512xf32> to vector<128x128xf32>
    %logistic3A_45 = arith.negf %slice3A_44 : vector<128x128xf32>
    %logistic3A_46 = math.exp %logistic3A_45 : vector<128x128xf32>
    %logistic3A_47 = arith.constant 1.000000e+00 : f32
    %logistic3A_48 = vector.broadcast %logistic3A_47 : f32 to vector<128x128xf32>
    %logistic3A_49 = arith.addf %logistic3A_48, %logistic3A_46 : vector<128x128xf32>
    %logistic3A_50 = arith.divf %logistic3A_48, %logistic3A_49 : vector<128x128xf32>
    %mul3A_51 = arith.mulf %logistic3A_42, %get3A_16 : vector<128x128xf32>
    %mul3A_52 = arith.mulf %logistic3A_35, %tanh3A : vector<128x128xf32>
    %add3A_53 = arith.addf %mul3A_51, %mul3A_52 : vector<128x128xf32>
    %tanh3A_54 = math.tanh %add3A_53 : vector<128x128xf32>
    %mul3A_55 = arith.mulf %logistic3A_50, %tanh3A_54 : vector<128x128xf32>
    %swap3A_56 = arith.constant 0 : index
    %swap3A_57 = arith.constant 0 : index
    %swap3A_58 = vector.load %arg10[%swap3A_56, %swap3A_57] : memref<128x128xf32, #tpu.memory_space<vmem>>, vector<128x128xf32>
    tpu.vector_store %arg10[%swap3A_56, %swap3A_57], %add3A_53 {strides = array<i32>} : memref<128x128xf32, #tpu.memory_space<vmem>>, vector<128x128xf32>,
    %swap3A_59 = arith.constant 0 : index
    %swap3A_60 = arith.constant 0 : index
    %swap3A_61 = vector.load %arg9[%swap3A_59, %swap3A_60] : memref<128x128xf32, #tpu.memory_space<vmem>>, vector<128x128xf32>
    tpu.vector_store %arg9[%swap3A_59, %swap3A_60], %mul3A_55 {strides = array<i32>} : memref<128x128xf32, #tpu.memory_space<vmem>>, vector<128x128xf32>,
    %get3A_62 = arith.constant 0 : index
    %get3A_63 = arith.constant 0 : index
    %get3A_64 = vector.load %arg5[%get3A_62, %get3A_63] : memref<128x1xf32, #tpu.memory_space<vmem>>, vector<128x1xf32>
    %dot_general3A_65 = arith.constant dense<0.000000e+00> : vector<128x1xf32>
    %dot_general3A_66 = tpu.matmul %mul3A_55, %get3A_64, %dot_general3A_65 {dimension_numbers = #tpu.dot_dimension_numbers<[1], [0], [0], [1], [0, 0, 1, 1], [], []>, transpose_lhs_hint = false} : vector<128x128xf32>, vector<128x1xf32>, vector<128x1xf32> -> vector<128x1xf32>
    %get3A_67 = arith.constant 0 : index
    %get3A_68 = arith.constant 0 : index
    %get3A_69 = vector.load %arg11[%get3A_67, %get3A_68] : memref<128x1xf32, #tpu.memory_space<vmem>>, vector<128x1xf32>
    %max3A = arith.maximumf %get3A_69, %dot_general3A_66 : vector<128x1xf32>
    %sub3A = arith.subf %get3A_69, %max3A : vector<128x1xf32>
    %exp3A = math.exp %sub3A : vector<128x1xf32>
    %sub3A_70 = arith.subf %dot_general3A_66, %max3A : vector<128x1xf32>
    %exp3A_71 = math.exp %sub3A_70 : vector<128x1xf32>
    %swap3A_72 = arith.constant 0 : index
    %swap3A_73 = arith.constant 0 : index
    %swap3A_74 = vector.load %arg11[%swap3A_72, %swap3A_73] : memref<128x1xf32, #tpu.memory_space<vmem>>, vector<128x1xf32>
    tpu.vector_store %arg11[%swap3A_72, %swap3A_73], %max3A {strides = array<i32>} : memref<128x1xf32, #tpu.memory_space<vmem>>, vector<128x1xf32>,
    %get3A_75 = arith.constant 0 : index
    %get3A_76 = arith.constant 0 : index
    %get3A_77 = vector.load %arg12[%get3A_75, %get3A_76] : memref<128x1xf32, #tpu.memory_space<vmem>>, vector<128x1xf32>
    %mul3A_78 = arith.mulf %get3A_77, %exp3A : vector<128x1xf32>
    %add3A_79 = arith.addf %mul3A_78, %exp3A_71 : vector<128x1xf32>
    %swap3A_80 = arith.constant 0 : index
    %swap3A_81 = arith.constant 0 : index
    %swap3A_82 = vector.load %arg12[%swap3A_80, %swap3A_81] : memref<128x1xf32, #tpu.memory_space<vmem>>, vector<128x1xf32>
    tpu.vector_store %arg12[%swap3A_80, %swap3A_81], %add3A_79 {strides = array<i32>} : memref<128x1xf32, #tpu.memory_space<vmem>>, vector<128x1xf32>,
    %get3A_83 = arith.constant 0 : index
    %get3A_84 = arith.constant 0 : index
    %get3A_85 = vector.load %arg13[%get3A_83, %get3A_84] : memref<128x128xf32, #tpu.memory_space<vmem>>, vector<128x128xf32>
    %mul3A_86 = vector.broadcast %exp3A : vector<128x1xf32> to vector<128x128xf32>
    %mul3A_87 = arith.mulf %get3A_85, %mul3A_86 : vector<128x128xf32>
    %mul3A_88 = vector.broadcast %exp3A_71 : vector<128x1xf32> to vector<128x128xf32>
    %mul3A_89 = arith.mulf %mul3A_88, %mul3A_55 : vector<128x128xf32>
    %add3A_90 = arith.addf %mul3A_87, %mul3A_89 : vector<128x128xf32>
    %swap3A_91 = arith.constant 0 : index
    %swap3A_92 = arith.constant 0 : index
    %swap3A_93 = vector.load %arg13[%swap3A_91, %swap3A_92] : memref<128x128xf32, #tpu.memory_space<vmem>>, vector<128x128xf32>
    tpu.vector_store %arg13[%swap3A_91, %swap3A_92], %add3A_90 {strides = array<i32>} : memref<128x128xf32, #tpu.memory_space<vmem>>, vector<128x128xf32>,
    %scan3A_94 = arith.constant 1 : i32
    %get3A_95 = arith.constant 0 : index
    %get3A_96 = arith.constant 0 : index
    %get3A_97 = vector.load %arg9[%get3A_95, %get3A_96] : memref<128x128xf32, #tpu.memory_space<vmem>>, vector<128x128xf32>
    %get3A_98 = arith.constant 0 : index
    %get3A_99 = arith.constant 0 : index
    %get3A_100 = vector.load %arg10[%get3A_98, %get3A_99] : memref<128x128xf32, #tpu.memory_space<vmem>>, vector<128x128xf32>
    %mul3A_101 = arith.constant 128 : i32
    %mul3A_102 = arith.muli %scan3A_94, %mul3A_101 : i32
    %get3A_103 = arith.index_cast %mul3A_102 : i32 to index
    %get3A_104 = arith.constant 0 : index
    %get3A_105 = vector.load %arg14[%get3A_103, %get3A_104] : memref<4096x512xf32, #tpu.memory_space<vmem>>, vector<128x512xf32>
    %get3A_106 = arith.constant 0 : index
    %get3A_107 = arith.constant 0 : index
    %get3A_108 = vector.load %arg3[%get3A_106, %get3A_107] : memref<128x512xf32, #tpu.memory_space<vmem>>, vector<128x512xf32>
    %dot_general3A_109 = arith.constant dense<0.000000e+00> : vector<128x512xf32>
    %dot_general3A_110 = tpu.matmul %get3A_97, %get3A_108, %dot_general3A_109 {dimension_numbers = #tpu.dot_dimension_numbers<[1], [0], [0], [1], [0, 0, 1, 1], [], []>, transpose_lhs_hint = false} : vector<128x128xf32>, vector<128x512xf32>, vector<128x512xf32> -> vector<128x512xf32>
    %add3A_111 = arith.addf %get3A_105, %dot_general3A_110 : vector<128x512xf32>
    %get3A_112 = arith.constant 0 : index
    %get3A_113 = arith.constant 0 : index
    %get3A_114 = vector.load %arg4[%get3A_112, %get3A_113] : memref<1x512xf32, #tpu.memory_space<vmem>>, vector<1x512xf32>
    %add3A_115 = vector.broadcast %get3A_114 : vector<1x512xf32> to vector<128x512xf32>
    %add3A_116 = arith.addf %add3A_111, %add3A_115 : vector<128x512xf32>
    %slice3A_117 = vector.extract_strided_slice %add3A_116 {offsets = [0, 0], sizes = [128, 128], strides = [1, 1]} : vector<128x512xf32> to vector<128x128xf32>
    %logistic3A_118 = arith.negf %slice3A_117 : vector<128x128xf32>
    %logistic3A_119 = math.exp %logistic3A_118 : vector<128x128xf32>
    %logistic3A_120 = arith.constant 1.000000e+00 : f32
    %logistic3A_121 = vector.broadcast %logistic3A_120 : f32 to vector<128x128xf32>
    %logistic3A_122 = arith.addf %logistic3A_121, %logistic3A_119 : vector<128x128xf32>
    %logistic3A_123 = arith.divf %logistic3A_121, %logistic3A_122 : vector<128x128xf32>
    %slice3A_124 = vector.extract_strided_slice %add3A_116 {offsets = [0, 128], sizes = [128, 128], strides = [1, 1]} : vector<128x512xf32> to vector<128x128xf32>
    %logistic3A_125 = arith.negf %slice3A_124 : vector<128x128xf32>
    %logistic3A_126 = math.exp %logistic3A_125 : vector<128x128xf32>
    %logistic3A_127 = arith.constant 1.000000e+00 : f32
    %logistic3A_128 = vector.broadcast %logistic3A_127 : f32 to vector<128x128xf32>
    %logistic3A_129 = arith.addf %logistic3A_128, %logistic3A_126 : vector<128x128xf32>
    %logistic3A_130 = arith.divf %logistic3A_128, %logistic3A_129 : vector<128x128xf32>
    %slice3A_131 = vector.extract_strided_slice %add3A_116 {offsets = [0, 256], sizes = [128, 128], strides = [1, 1]} : vector<128x512xf32> to vector<128x128xf32>
    %tanh3A_132 = math.tanh %slice3A_131 : vector<128x128xf32>
    %slice3A_133 = vector.extract_strided_slice %add3A_116 {offsets = [0, 384], sizes = [128, 128], strides = [1, 1]} : vector<128x512xf32> to vector<128x128xf32>
    %logistic3A_134 = arith.negf %slice3A_133 : vector<128x128xf32>
    %logistic3A_135 = math.exp %logistic3A_134 : vector<128x128xf32>
    %logistic3A_136 = arith.constant 1.000000e+00 : f32
    %logistic3A_137 = vector.broadcast %logistic3A_136 : f32 to vector<128x128xf32>
    %logistic3A_138 = arith.addf %logistic3A_137, %logistic3A_135 : vector<128x128xf32>
    %logistic3A_139 = arith.divf %logistic3A_137, %logistic3A_138 : vector<128x128xf32>
    %mul3A_140 = arith.mulf %logistic3A_130, %get3A_100 : vector<128x128xf32>
    %mul3A_141 = arith.mulf %logistic3A_123, %tanh3A_132 : vector<128x128xf32>
    %add3A_142 = arith.addf %mul3A_140, %mul3A_141 : vector<128x128xf32>
    %tanh3A_143 = math.tanh %add3A_142 : vector<128x128xf32>
    %mul3A_144 = arith.mulf %logistic3A_139, %tanh3A_143 : vector<128x128xf32>
    %swap3A_145 = arith.constant 0 : index
    %swap3A_146 = arith.constant 0 : index
    %swap3A_147 = vector.load %arg10[%swap3A_145, %swap3A_146] : memref<128x128xf32, #tpu.memory_space<vmem>>, vector<128x128xf32>
    tpu.vector_store %arg10[%swap3A_145, %swap3A_146], %add3A_142 {strides = array<i32>} : memref<128x128xf32, #tpu.memory_space<vmem>>, vector<128x128xf32>,
    %swap3A_148 = arith.constant 0 : index
    %swap3A_149 = arith.constant 0 : index
    %swap3A_150 = vector.load %arg9[%swap3A_148, %swap3A_149] : memref<128x128xf32, #tpu.memory_space<vmem>>, vector<128x128xf32>
    tpu.vector_store %arg9[%swap3A_148, %swap3A_149], %mul3A_144 {strides = array<i32>} : memref<128x128xf32, #tpu.memory_space<vmem>>, vector<128x128xf32>,
    %get3A_151 = arith.constant 0 : index
    %get3A_152 = arith.constant 0 : index
    %get3A_153 = vector.load %arg5[%get3A_151, %get3A_152] : memref<128x1xf32, #tpu.memory_space<vmem>>, vector<128x1xf32>
    %dot_general3A_154 = arith.constant dense<0.000000e+00> : vector<128x1xf32>
    %dot_general3A_155 = tpu.matmul %mul3A_144, %get3A_153, %dot_general3A_154 {dimension_numbers = #tpu.dot_dimension_numbers<[1], [0], [0], [1], [0, 0, 1, 1], [], []>, transpose_lhs_hint = false} : vector<128x128xf32>, vector<128x1xf32>, vector<128x1xf32> -> vector<128x1xf32>
    %get3A_156 = arith.constant 0 : index
    %get3A_157 = arith.constant 0 : index
    %get3A_158 = vector.load %arg11[%get3A_156, %get3A_157] : memref<128x1xf32, #tpu.memory_space<vmem>>, vector<128x1xf32>
    %max3A_159 = arith.maximumf %get3A_158, %dot_general3A_155 : vector<128x1xf32>
    %sub3A_160 = arith.subf %get3A_158, %max3A_159 : vector<128x1xf32>
    %exp3A_161 = math.exp %sub3A_160 : vector<128x1xf32>
    %sub3A_162 = arith.subf %dot_general3A_155, %max3A_159 : vector<128x1xf32>
    %exp3A_163 = math.exp %sub3A_162 : vector<128x1xf32>
    %swap3A_164 = arith.constant 0 : index
    %swap3A_165 = arith.constant 0 : index
    %swap3A_166 = vector.load %arg11[%swap3A_164, %swap3A_165] : memref<128x1xf32, #tpu.memory_space<vmem>>, vector<128x1xf32>
    tpu.vector_store %arg11[%swap3A_164, %swap3A_165], %max3A_159 {strides = array<i32>} : memref<128x1xf32, #tpu.memory_space<vmem>>, vector<128x1xf32>,
    %get3A_167 = arith.constant 0 : index
    %get3A_168 = arith.constant 0 : index
    %get3A_169 = vector.load %arg12[%get3A_167, %get3A_168] : memref<128x1xf32, #tpu.memory_space<vmem>>, vector<128x1xf32>
    %mul3A_170 = arith.mulf %get3A_169, %exp3A_161 : vector<128x1xf32>
    %add3A_171 = arith.addf %mul3A_170, %exp3A_163 : vector<128x1xf32>
    %swap3A_172 = arith.constant 0 : index
    %swap3A_173 = arith.constant 0 : index
    %swap3A_174 = vector.load %arg12[%swap3A_172, %swap3A_173] : memref<128x1xf32, #tpu.memory_space<vmem>>, vector<128x1xf32>
    tpu.vector_store %arg12[%swap3A_172, %swap3A_173], %add3A_171 {strides = array<i32>} : memref<128x1xf32, #tpu.memory_space<vmem>>, vector<128x1xf32>,
    %get3A_175 = arith.constant 0 : index
    %get3A_176 = arith.constant 0 : index
    %get3A_177 = vector.load %arg13[%get3A_175, %get3A_176] : memref<128x128xf32, #tpu.memory_space<vmem>>, vector<128x128xf32>
    %mul3A_178 = vector.broadcast %exp3A_161 : vector<128x1xf32> to vector<128x128xf32>
    %mul3A_179 = arith.mulf %get3A_177, %mul3A_178 : vector<128x128xf32>
    %mul3A_180 = vector.broadcast %exp3A_163 : vector<128x1xf32> to vector<128x128xf32>
    %mul3A_181 = arith.mulf %mul3A_180, %mul3A_144 : vector<128x128xf32>
    %add3A_182 = arith.addf %mul3A_179, %mul3A_181 : vector<128x128xf32>
    %swap3A_183 = arith.constant 0 : index
    %swap3A_184 = arith.constant 0 : index
    %swap3A_185 = vector.load %arg13[%swap3A_183, %swap3A_184] : memref<128x128xf32, #tpu.memory_space<vmem>>, vector<128x128xf32>
    tpu.vector_store %arg13[%swap3A_183, %swap3A_184], %add3A_182 {strides = array<i32>} : memref<128x128xf32, #tpu.memory_space<vmem>>, vector<128x128xf32>,
    %scan3A_186 = arith.constant 2 : i32
    %get3A_187 = arith.constant 0 : index
    %get3A_188 = arith.constant 0 : index
    %get3A_189 = vector.load %arg9[%get3A_187, %get3A_188] : memref<128x128xf32, #tpu.memory_space<vmem>>, vector<128x128xf32>
    %get3A_190 = arith.constant 0 : index
    %get3A_191 = arith.constant 0 : index
    %get3A_192 = vector.load %arg10[%get3A_190, %get3A_191] : memref<128x128xf32, #tpu.memory_space<vmem>>, vector<128x128xf32>
    %mul3A_193 = arith.constant 128 : i32
    %mul3A_194 = arith.muli %scan3A_186, %mul3A_193 : i32
    %get3A_195 = arith.index_cast %mul3A_194 : i32 to index
    %get3A_196 = arith.constant 0 : index
    %get3A_197 = vector.load %arg14[%get3A_195, %get3A_196] : memref<4096x512xf32, #tpu.memory_space<vmem>>, vector<128x512xf32>
    %get3A_198 = arith.constant 0 : index
    %get3A_199 = arith.constant 0 : index
    %get3A_200 = vector.load %arg3[%get3A_198, %get3A_199] : memref<128x512xf32, #tpu.memory_space<vmem>>, vector<128x512xf32>
    %dot_general3A_201 = arith.constant dense<0.000000e+00> : vector<128x512xf32>
    %dot_general3A_202 = tpu.matmul %get3A_189, %get3A_200, %dot_general3A_201 {dimension_numbers = #tpu.dot_dimension_numbers<[1], [0], [0], [1], [0, 0, 1, 1], [], []>, transpose_lhs_hint = false} : vector<128x128xf32>, vector<128x512xf32>, vector<128x512xf32> -> vector<128x512xf32>
    %add3A_203 = arith.addf %get3A_197, %dot_general3A_202 : vector<128x512xf32>
    %get3A_204 = arith.constant 0 : index
    %get3A_205 = arith.constant 0 : index
    %get3A_206 = vector.load %arg4[%get3A_204, %get3A_205] : memref<1x512xf32, #tpu.memory_space<vmem>>, vector<1x512xf32>
    %add3A_207 = vector.broadcast %get3A_206 : vector<1x512xf32> to vector<128x512xf32>
    %add3A_208 = arith.addf %add3A_203, %add3A_207 : vector<128x512xf32>
    %slice3A_209 = vector.extract_strided_slice %add3A_208 {offsets = [0, 0], sizes = [128, 128], strides = [1, 1]} : vector<128x512xf32> to vector<128x128xf32>
    %logistic3A_210 = arith.negf %slice3A_209 : vector<128x128xf32>
    %logistic3A_211 = math.exp %logistic3A_210 : vector<128x128xf32>
    %logistic3A_212 = arith.constant 1.000000e+00 : f32
    %logistic3A_213 = vector.broadcast %logistic3A_212 : f32 to vector<128x128xf32>
    %logistic3A_214 = arith.addf %logistic3A_213, %logistic3A_211 : vector<128x128xf32>
    %logistic3A_215 = arith.divf %logistic3A_213, %logistic3A_214 : vector<128x128xf32>
    %slice3A_216 = vector.extract_strided_slice %add3A_208 {offsets = [0, 128], sizes = [128, 128], strides = [1, 1]} : vector<128x512xf32> to vector<128x128xf32>
    %logistic3A_217 = arith.negf %slice3A_216 : vector<128x128xf32>
    %logistic3A_218 = math.exp %logistic3A_217 : vector<128x128xf32>
    %logistic3A_219 = arith.constant 1.000000e+00 : f32
    %logistic3A_220 = vector.broadcast %logistic3A_219 : f32 to vector<128x128xf32>
    %logistic3A_221 = arith.addf %logistic3A_220, %logistic3A_218 : vector<128x128xf32>
    %logistic3A_222 = arith.divf %logistic3A_220, %logistic3A_221 : vector<128x128xf32>
    %slice3A_223 = vector.extract_strided_slice %add3A_208 {offsets = [0, 256], sizes = [128, 128], strides = [1, 1]} : vector<128x512xf32> to vector<128x128xf32>
    %tanh3A_224 = math.tanh %slice3A_223 : vector<128x128xf32>
    %slice3A_225 = vector.extract_strided_slice %add3A_208 {offsets = [0, 384], sizes = [128, 128], strides = [1, 1]} : vector<128x512xf32> to vector<128x128xf32>
    %logistic3A_226 = arith.negf %slice3A_225 : vector<128x128xf32>
    %logistic3A_227 = math.exp %logistic3A_226 : vector<128x128xf32>
    %logistic3A_228 = arith.constant 1.000000e+00 : f32
    %logistic3A_229 = vector.broadcast %logistic3A_228 : f32 to vector<128x128xf32>
    %logistic3A_230 = arith.addf %logistic3A_229, %logistic3A_227 : vector<128x128xf32>
    %logistic3A_231 = arith.divf %logistic3A_229, %logistic3A_230 : vector<128x128xf32>
    %mul3A_232 = arith.mulf %logistic3A_222, %get3A_192 : vector<128x128xf32>
    %mul3A_233 = arith.mulf %logistic3A_215, %tanh3A_224 : vector<128x128xf32>
    %add3A_234 = arith.addf %mul3A_232, %mul3A_233 : vector<128x128xf32>
    %tanh3A_235 = math.tanh %add3A_234 : vector<128x128xf32>
    %mul3A_236 = arith.mulf %logistic3A_231, %tanh3A_235 : vector<128x128xf32>
    %swap3A_237 = arith.constant 0 : index
    %swap3A_238 = arith.constant 0 : index
    %swap3A_239 = vector.load %arg10[%swap3A_237, %swap3A_238] : memref<128x128xf32, #tpu.memory_space<vmem>>, vector<128x128xf32>
    tpu.vector_store %arg10[%swap3A_237, %swap3A_238], %add3A_234 {strides = array<i32>} : memref<128x128xf32, #tpu.memory_space<vmem>>, vector<128x128xf32>,
    %swap3A_240 = arith.constant 0 : index
    %swap3A_241 = arith.constant 0 : index
    %swap3A_242 = vector.load %arg9[%swap3A_240, %swap3A_241] : memref<128x128xf32, #tpu.memory_space<vmem>>, vector<128x128xf32>
    tpu.vector_store %arg9[%swap3A_240, %swap3A_241], %mul3A_236 {strides = array<i32>} : memref<128x128xf32, #tpu.memory_space<vmem>>, vector<128x128xf32>,
    %get3A_243 = arith.constant 0 : index
    %get3A_244 = arith.constant 0 : index
    %get3A_245 = vector.load %arg5[%get3A_243, %get3A_244] : memref<128x1xf32, #tpu.memory_space<vmem>>, vector<128x1xf32>
    %dot_general3A_246 = arith.constant dense<0.000000e+00> : vector<128x1xf32>
    %dot_general3A_247 = tpu.matmul %mul3A_236, %get3A_245, %dot_general3A_246 {dimension_numbers = #tpu.dot_dimension_numbers<[1], [0], [0], [1], [0, 0, 1, 1], [], []>, transpose_lhs_hint = false} : vector<128x128xf32>, vector<128x1xf32>, vector<128x1xf32> -> vector<128x1xf32>
    %get3A_248 = arith.constant 0 : index
    %get3A_249 = arith.constant 0 : index
    %get3A_250 = vector.load %arg11[%get3A_248, %get3A_249] : memref<128x1xf32, #tpu.memory_space<vmem>>, vector<128x1xf32>
    %max3A_251 = arith.maximumf %get3A_250, %dot_general3A_247 : vector<128x1xf32>
    %sub3A_252 = arith.subf %get3A_250, %max3A_251 : vector<128x1xf32>
    %exp3A_253 = math.exp %sub3A_252 : vector<128x1xf32>
    %sub3A_254 = arith.subf %dot_general3A_247, %max3A_251 : vector<128x1xf32>
    %exp3A_255 = math.exp %sub3A_254 : vector<128x1xf32>
    %swap3A_256 = arith.constant 0 : index
    %swap3A_257 = arith.constant 0 : index
    %swap3A_258 = vector.load %arg11[%swap3A_256, %swap3A_257] : memref<128x1xf32, #tpu.memory_space<vmem>>, vector<128x1xf32>
    tpu.vector_store %arg11[%swap3A_256, %swap3A_257], %max3A_251 {strides = array<i32>} : memref<128x1xf32, #tpu.memory_space<vmem>>, vector<128x1xf32>,
    %get3A_259 = arith.constant 0 : index
    %get3A_260 = arith.constant 0 : index
    %get3A_261 = vector.load %arg12[%get3A_259, %get3A_260] : memref<128x1xf32, #tpu.memory_space<vmem>>, vector<128x1xf32>
    %mul3A_262 = arith.mulf %get3A_261, %exp3A_253 : vector<128x1xf32>
    %add3A_263 = arith.addf %mul3A_262, %exp3A_255 : vector<128x1xf32>
    %swap3A_264 = arith.constant 0 : index
    %swap3A_265 = arith.constant 0 : index
    %swap3A_266 = vector.load %arg12[%swap3A_264, %swap3A_265] : memref<128x1xf32, #tpu.memory_space<vmem>>, vector<128x1xf32>
    tpu.vector_store %arg12[%swap3A_264, %swap3A_265], %add3A_263 {strides = array<i32>} : memref<128x1xf32, #tpu.memory_space<vmem>>, vector<128x1xf32>,
    %get3A_267 = arith.constant 0 : index
    %get3A_268 = arith.constant 0 : index
    %get3A_269 = vector.load %arg13[%get3A_267, %get3A_268] : memref<128x128xf32, #tpu.memory_space<vmem>>, vector<128x128xf32>
    %mul3A_270 = vector.broadcast %exp3A_253 : vector<128x1xf32> to vector<128x128xf32>
    %mul3A_271 = arith.mulf %get3A_269, %mul3A_270 : vector<128x128xf32>
    %mul3A_272 = vector.broadcast %exp3A_255 : vector<128x1xf32> to vector<128x128xf32>
    %mul3A_273 = arith.mulf %mul3A_272, %mul3A_236 : vector<128x128xf32>
    %add3A_274 = arith.addf %mul3A_271, %mul3A_273 : vector<128x128xf32>
    %swap3A_275 = arith.constant 0 : index
    %swap3A_276 = arith.constant 0 : index
    %swap3A_277 = vector.load %arg13[%swap3A_275, %swap3A_276] : memref<128x128xf32, #tpu.memory_space<vmem>>, vector<128x128xf32>
    tpu.vector_store %arg13[%swap3A_275, %swap3A_276], %add3A_274 {strides = array<i32>} : memref<128x128xf32, #tpu.memory_space<vmem>>, vector<128x128xf32>,
    %scan3A_278 = arith.constant 3 : i32
    %get3A_279 = arith.constant 0 : index
    %get3A_280 = arith.constant 0 : index
    %get3A_281 = vector.load %arg9[%get3A_279, %get3A_280] : memref<128x128xf32, #tpu.memory_space<vmem>>, vector<128x128xf32>
    %get3A_282 = arith.constant 0 : index
    %get3A_283 = arith.constant 0 : index
    %get3A_284 = vector.load %arg10[%get3A_282, %get3A_283] : memref<128x128xf32, #tpu.memory_space<vmem>>, vector<128x128xf32>
    %mul3A_285 = arith.constant 128 : i32
    %mul3A_286 = arith.muli %scan3A_278, %mul3A_285 : i32
    %get3A_287 = arith.index_cast %mul3A_286 : i32 to index
    %get3A_288 = arith.constant 0 : index
    %get3A_289 = vector.load %arg14[%get3A_287, %get3A_288] : memref<4096x512xf32, #tpu.memory_space<vmem>>, vector<128x512xf32>
    %get3A_290 = arith.constant 0 : index
    %get3A_291 = arith.constant 0 : index
    %get3A_292 = vector.load %arg3[%get3A_290, %get3A_291] : memref<128x512xf32, #tpu.memory_space<vmem>>, vector<128x512xf32>
    %dot_general3A_293 = arith.constant dense<0.000000e+00> : vector<128x512xf32>
    %dot_general3A_294 = tpu.matmul %get3A_281, %get3A_292, %dot_general3A_293 {dimension_numbers = #tpu.dot_dimension_numbers<[1], [0], [0], [1], [0, 0, 1, 1], [], []>, transpose_lhs_hint = false} : vector<128x128xf32>, vector<128x512xf32>, vector<128x512xf32> -> vector<128x512xf32>
    %add3A_295 = arith.addf %get3A_289, %dot_general3A_294 : vector<128x512xf32>
    %get3A_296 = arith.constant 0 : index
    %get3A_297 = arith.constant 0 : index
    %get3A_298 = vector.load %arg4[%get3A_296, %get3A_297] : memref<1x512xf32, #tpu.memory_space<vmem>>, vector<1x512xf32>
    %add3A_299 = vector.broadcast %get3A_298 : vector<1x512xf32> to vector<128x512xf32>
    %add3A_300 = arith.addf %add3A_295, %add3A_299 : vector<128x512xf32>
    %slice3A_301 = vector.extract_strided_slice %add3A_300 {offsets = [0, 0], sizes = [128, 128], strides = [1, 1]} : vector<128x512xf32> to vector<128x128xf32>
    %logistic3A_302 = arith.negf %slice3A_301 : vector<128x128xf32>
    %logistic3A_303 = math.exp %logistic3A_302 : vector<128x128xf32>
    %logistic3A_304 = arith.constant 1.000000e+00 : f32
    %logistic3A_305 = vector.broadcast %logistic3A_304 : f32 to vector<128x128xf32>
    %logistic3A_306 = arith.addf %logistic3A_305, %logistic3A_303 : vector<128x128xf32>
    %logistic3A_307 = arith.divf %logistic3A_305, %logistic3A_306 : vector<128x128xf32>
    %slice3A_308 = vector.extract_strided_slice %add3A_300 {offsets = [0, 128], sizes = [128, 128], strides = [1, 1]} : vector<128x512xf32> to vector<128x128xf32>
    %logistic3A_309 = arith.negf %slice3A_308 : vector<128x128xf32>
    %logistic3A_310 = math.exp %logistic3A_309 : vector<128x128xf32>
    %logistic3A_311 = arith.constant 1.000000e+00 : f32
    %logistic3A_312 = vector.broadcast %logistic3A_311 : f32 to vector<128x128xf32>
    %logistic3A_313 = arith.addf %logistic3A_312, %logistic3A_310 : vector<128x128xf32>
    %logistic3A_314 = arith.divf %logistic3A_312, %logistic3A_313 : vector<128x128xf32>
    %slice3A_315 = vector.extract_strided_slice %add3A_300 {offsets = [0, 256], sizes = [128, 128], strides = [1, 1]} : vector<128x512xf32> to vector<128x128xf32>
    %tanh3A_316 = math.tanh %slice3A_315 : vector<128x128xf32>
    %slice3A_317 = vector.extract_strided_slice %add3A_300 {offsets = [0, 384], sizes = [128, 128], strides = [1, 1]} : vector<128x512xf32> to vector<128x128xf32>
    %logistic3A_318 = arith.negf %slice3A_317 : vector<128x128xf32>
    %logistic3A_319 = math.exp %logistic3A_318 : vector<128x128xf32>
    %logistic3A_320 = arith.constant 1.000000e+00 : f32
    %logistic3A_321 = vector.broadcast %logistic3A_320 : f32 to vector<128x128xf32>
    %logistic3A_322 = arith.addf %logistic3A_321, %logistic3A_319 : vector<128x128xf32>
    %logistic3A_323 = arith.divf %logistic3A_321, %logistic3A_322 : vector<128x128xf32>
    %mul3A_324 = arith.mulf %logistic3A_314, %get3A_284 : vector<128x128xf32>
    %mul3A_325 = arith.mulf %logistic3A_307, %tanh3A_316 : vector<128x128xf32>
    %add3A_326 = arith.addf %mul3A_324, %mul3A_325 : vector<128x128xf32>
    %tanh3A_327 = math.tanh %add3A_326 : vector<128x128xf32>
    %mul3A_328 = arith.mulf %logistic3A_323, %tanh3A_327 : vector<128x128xf32>
    %swap3A_329 = arith.constant 0 : index
    %swap3A_330 = arith.constant 0 : index
    %swap3A_331 = vector.load %arg10[%swap3A_329, %swap3A_330] : memref<128x128xf32, #tpu.memory_space<vmem>>, vector<128x128xf32>
    tpu.vector_store %arg10[%swap3A_329, %swap3A_330], %add3A_326 {strides = array<i32>} : memref<128x128xf32, #tpu.memory_space<vmem>>, vector<128x128xf32>,
    %swap3A_332 = arith.constant 0 : index
    %swap3A_333 = arith.constant 0 : index
    %swap3A_334 = vector.load %arg9[%swap3A_332, %swap3A_333] : memref<128x128xf32, #tpu.memory_space<vmem>>, vector<128x128xf32>
    tpu.vector_store %arg9[%swap3A_332, %swap3A_333], %mul3A_328 {strides = array<i32>} : memref<128x128xf32, #tpu.memory_space<vmem>>, vector<128x128xf32>,
    %get3A_335 = arith.constant 0 : index
    %get3A_336 = arith.constant 0 : index
    %get3A_337 = vector.load %arg5[%get3A_335, %get3A_336] : memref<128x1xf32, #tpu.memory_space<vmem>>, vector<128x1xf32>
    %dot_general3A_338 = arith.constant dense<0.000000e+00> : vector<128x1xf32>
    %dot_general3A_339 = tpu.matmul %mul3A_328, %get3A_337, %dot_general3A_338 {dimension_numbers = #tpu.dot_dimension_numbers<[1], [0], [0], [1], [0, 0, 1, 1], [], []>, transpose_lhs_hint = false} : vector<128x128xf32>, vector<128x1xf32>, vector<128x1xf32> -> vector<128x1xf32>
    %get3A_340 = arith.constant 0 : index
    %get3A_341 = arith.constant 0 : index
    %get3A_342 = vector.load %arg11[%get3A_340, %get3A_341] : memref<128x1xf32, #tpu.memory_space<vmem>>, vector<128x1xf32>
    %max3A_343 = arith.maximumf %get3A_342, %dot_general3A_339 : vector<128x1xf32>
    %sub3A_344 = arith.subf %get3A_342, %max3A_343 : vector<128x1xf32>
    %exp3A_345 = math.exp %sub3A_344 : vector<128x1xf32>
    %sub3A_346 = arith.subf %dot_general3A_339, %max3A_343 : vector<128x1xf32>
    %exp3A_347 = math.exp %sub3A_346 : vector<128x1xf32>
    %swap3A_348 = arith.constant 0 : index
    %swap3A_349 = arith.constant 0 : index
    %swap3A_350 = vector.load %arg11[%swap3A_348, %swap3A_349] : memref<128x1xf32, #tpu.memory_space<vmem>>, vector<128x1xf32>
    tpu.vector_store %arg11[%swap3A_348, %swap3A_349], %max3A_343 {strides = array<i32>} : memref<128x1xf32, #tpu.memory_space<vmem>>, vector<128x1xf32>,
    %get3A_351 = arith.constant 0 : index
    %get3A_352 = arith.constant 0 : index
    %get3A_353 = vector.load %arg12[%get3A_351, %get3A_352] : memref<128x1xf32, #tpu.memory_space<vmem>>, vector<128x1xf32>
    %mul3A_354 = arith.mulf %get3A_353, %exp3A_345 : vector<128x1xf32>
    %add3A_355 = arith.addf %mul3A_354, %exp3A_347 : vector<128x1xf32>
    %swap3A_356 = arith.constant 0 : index
    %swap3A_357 = arith.constant 0 : index
    %swap3A_358 = vector.load %arg12[%swap3A_356, %swap3A_357] : memref<128x1xf32, #tpu.memory_space<vmem>>, vector<128x1xf32>
    tpu.vector_store %arg12[%swap3A_356, %swap3A_357], %add3A_355 {strides = array<i32>} : memref<128x1xf32, #tpu.memory_space<vmem>>, vector<128x1xf32>,
    %get3A_359 = arith.constant 0 : index
    %get3A_360 = arith.constant 0 : index
    %get3A_361 = vector.load %arg13[%get3A_359, %get3A_360] : memref<128x128xf32, #tpu.memory_space<vmem>>, vector<128x128xf32>
    %mul3A_362 = vector.broadcast %exp3A_345 : vector<128x1xf32> to vector<128x128xf32>
    %mul3A_363 = arith.mulf %get3A_361, %mul3A_362 : vector<128x128xf32>
    %mul3A_364 = vector.broadcast %exp3A_347 : vector<128x1xf32> to vector<128x128xf32>
    %mul3A_365 = arith.mulf %mul3A_364, %mul3A_328 : vector<128x128xf32>
    %add3A_366 = arith.addf %mul3A_363, %mul3A_365 : vector<128x128xf32>
    %swap3A_367 = arith.constant 0 : index
    %swap3A_368 = arith.constant 0 : index
    %swap3A_369 = vector.load %arg13[%swap3A_367, %swap3A_368] : memref<128x128xf32, #tpu.memory_space<vmem>>, vector<128x128xf32>
    tpu.vector_store %arg13[%swap3A_367, %swap3A_368], %add3A_366 {strides = array<i32>} : memref<128x128xf32, #tpu.memory_space<vmem>>, vector<128x128xf32>,
    %scan3A_370 = arith.constant 4 : i32
    %get3A_371 = arith.constant 0 : index
    %get3A_372 = arith.constant 0 : index
    %get3A_373 = vector.load %arg9[%get3A_371, %get3A_372] : memref<128x128xf32, #tpu.memory_space<vmem>>, vector<128x128xf32>
    %get3A_374 = arith.constant 0 : index
    %get3A_375 = arith.constant 0 : index
    %get3A_376 = vector.load %arg10[%get3A_374, %get3A_375] : memref<128x128xf32, #tpu.memory_space<vmem>>, vector<128x128xf32>
    %mul3A_377 = arith.constant 128 : i32
    %mul3A_378 = arith.muli %scan3A_370, %mul3A_377 : i32
    %get3A_379 = arith.index_cast %mul3A_378 : i32 to index
    %get3A_380 = arith.constant 0 : index
    %get3A_381 = vector.load %arg14[%get3A_379, %get3A_380] : memref<4096x512xf32, #tpu.memory_space<vmem>>, vector<128x512xf32>
    %get3A_382 = arith.constant 0 : index
    %get3A_383 = arith.constant 0 : index
    %get3A_384 = vector.load %arg3[%get3A_382, %get3A_383] : memref<128x512xf32, #tpu.memory_space<vmem>>, vector<128x512xf32>
    %dot_general3A_385 = arith.constant dense<0.000000e+00> : vector<128x512xf32>
    %dot_general3A_386 = tpu.matmul %get3A_373, %get3A_384, %dot_general3A_385 {dimension_numbers = #tpu.dot_dimension_numbers<[1], [0], [0], [1], [0, 0, 1, 1], [], []>, transpose_lhs_hint = false} : vector<128x128xf32>, vector<128x512xf32>, vector<128x512xf32> -> vector<128x512xf32>
    %add3A_387 = arith.addf %get3A_381, %dot_general3A_386 : vector<128x512xf32>
    %get3A_388 = arith.constant 0 : index
    %get3A_389 = arith.constant 0 : index
    %get3A_390 = vector.load %arg4[%get3A_388, %get3A_389] : memref<1x512xf32, #tpu.memory_space<vmem>>, vector<1x512xf32>
    %add3A_391 = vector.broadcast %get3A_390 : vector<1x512xf32> to vector<128x512xf32>
    %add3A_392 = arith.addf %add3A_387, %add3A_391 : vector<128x512xf32>
    %slice3A_393 = vector.extract_strided_slice %add3A_392 {offsets = [0, 0], sizes = [128, 128], strides = [1, 1]} : vector<128x512xf32> to vector<128x128xf32>
    %logistic3A_394 = arith.negf %slice3A_393 : vector<128x128xf32>
    %logistic3A_395 = math.exp %logistic3A_394 : vector<128x128xf32>
    %logistic3A_396 = arith.constant 1.000000e+00 : f32
    %logistic3A_397 = vector.broadcast %logistic3A_396 : f32 to vector<128x128xf32>
    %logistic3A_398 = arith.addf %logistic3A_397, %logistic3A_395 : vector<128x128xf32>
    %logistic3A_399 = arith.divf %logistic3A_397, %logistic3A_398 : vector<128x128xf32>
    %slice3A_400 = vector.extract_strided_slice %add3A_392 {offsets = [0, 128], sizes = [128, 128], strides = [1, 1]} : vector<128x512xf32> to vector<128x128xf32>
    %logistic3A_401 = arith.negf %slice3A_400 : vector<128x128xf32>
    %logistic3A_402 = math.exp %logistic3A_401 : vector<128x128xf32>
    %logistic3A_403 = arith.constant 1.000000e+00 : f32
    %logistic3A_404 = vector.broadcast %logistic3A_403 : f32 to vector<128x128xf32>
    %logistic3A_405 = arith.addf %logistic3A_404, %logistic3A_402 : vector<128x128xf32>
    %logistic3A_406 = arith.divf %logistic3A_404, %logistic3A_405 : vector<128x128xf32>
    %slice3A_407 = vector.extract_strided_slice %add3A_392 {offsets = [0, 256], sizes = [128, 128], strides = [1, 1]} : vector<128x512xf32> to vector<128x128xf32>
    %tanh3A_408 = math.tanh %slice3A_407 : vector<128x128xf32>
    %slice3A_409 = vector.extract_strided_slice %add3A_392 {offsets = [0, 384], sizes = [128, 128], strides = [1, 1]} : vector<128x512xf32> to vector<128x128xf32>
    %logistic3A_410 = arith.negf %slice3A_409 : vector<128x128xf32>
    %logistic3A_411 = math.exp %logistic3A_410 : vector<128x128xf32>
    %logistic3A_412 = arith.constant 1.000000e+00 : f32
    %logistic3A_413 = vector.broadcast %logistic3A_412 : f32 to vector<128x128xf32>
    %logistic3A_414 = arith.addf %logistic3A_413, %logistic3A_411 : vector<128x128xf32>
    %logistic3A_415 = arith.divf %logistic3A_413, %logistic3A_414 : vector<128x128xf32>
    %mul3A_416 = arith.mulf %logistic3A_406, %get3A_376 : vector<128x128xf32>
    %mul3A_417 = arith.mulf %logistic3A_399, %tanh3A_408 : vector<128x128xf32>
    %add3A_418 = arith.addf %mul3A_416, %mul3A_417 : vector<128x128xf32>
    %tanh3A_419 = math.tanh %add3A_418 : vector<128x128xf32>
    %mul3A_420 = arith.mulf %logistic3A_415, %tanh3A_419 : vector<128x128xf32>
    %swap3A_421 = arith.constant 0 : index
    %swap3A_422 = arith.constant 0 : index
    %swap3A_423 = vector.load %arg10[%swap3A_421, %swap3A_422] : memref<128x128xf32, #tpu.memory_space<vmem>>, vector<128x128xf32>
    tpu.vector_store %arg10[%swap3A_421, %swap3A_422], %add3A_418 {strides = array<i32>} : memref<128x128xf32, #tpu.memory_space<vmem>>, vector<128x128xf32>,
    %swap3A_424 = arith.constant 0 : index
    %swap3A_425 = arith.constant 0 : index
    %swap3A_426 = vector.load %arg9[%swap3A_424, %swap3A_425] : memref<128x128xf32, #tpu.memory_space<vmem>>, vector<128x128xf32>
    tpu.vector_store %arg9[%swap3A_424, %swap3A_425], %mul3A_420 {strides = array<i32>} : memref<128x128xf32, #tpu.memory_space<vmem>>, vector<128x128xf32>,
    %get3A_427 = arith.constant 0 : index
    %get3A_428 = arith.constant 0 : index
    %get3A_429 = vector.load %arg5[%get3A_427, %get3A_428] : memref<128x1xf32, #tpu.memory_space<vmem>>, vector<128x1xf32>
    %dot_general3A_430 = arith.constant dense<0.000000e+00> : vector<128x1xf32>
    %dot_general3A_431 = tpu.matmul %mul3A_420, %get3A_429, %dot_general3A_430 {dimension_numbers = #tpu.dot_dimension_numbers<[1], [0], [0], [1], [0, 0, 1, 1], [], []>, transpose_lhs_hint = false} : vector<128x128xf32>, vector<128x1xf32>, vector<128x1xf32> -> vector<128x1xf32>
    %get3A_432 = arith.constant 0 : index
    %get3A_433 = arith.constant 0 : index
    %get3A_434 = vector.load %arg11[%get3A_432, %get3A_433] : memref<128x1xf32, #tpu.memory_space<vmem>>, vector<128x1xf32>
    %max3A_435 = arith.maximumf %get3A_434, %dot_general3A_431 : vector<128x1xf32>
    %sub3A_436 = arith.subf %get3A_434, %max3A_435 : vector<128x1xf32>
    %exp3A_437 = math.exp %sub3A_436 : vector<128x1xf32>
    %sub3A_438 = arith.subf %dot_general3A_431, %max3A_435 : vector<128x1xf32>
    %exp3A_439 = math.exp %sub3A_438 : vector<128x1xf32>
    %swap3A_440 = arith.constant 0 : index
    %swap3A_441 = arith.constant 0 : index
    %swap3A_442 = vector.load %arg11[%swap3A_440, %swap3A_441] : memref<128x1xf32, #tpu.memory_space<vmem>>, vector<128x1xf32>
    tpu.vector_store %arg11[%swap3A_440, %swap3A_441], %max3A_435 {strides = array<i32>} : memref<128x1xf32, #tpu.memory_space<vmem>>, vector<128x1xf32>,
    %get3A_443 = arith.constant 0 : index
    %get3A_444 = arith.constant 0 : index
    %get3A_445 = vector.load %arg12[%get3A_443, %get3A_444] : memref<128x1xf32, #tpu.memory_space<vmem>>, vector<128x1xf32>
    %mul3A_446 = arith.mulf %get3A_445, %exp3A_437 : vector<128x1xf32>
    %add3A_447 = arith.addf %mul3A_446, %exp3A_439 : vector<128x1xf32>
    %swap3A_448 = arith.constant 0 : index
    %swap3A_449 = arith.constant 0 : index
    %swap3A_450 = vector.load %arg12[%swap3A_448, %swap3A_449] : memref<128x1xf32, #tpu.memory_space<vmem>>, vector<128x1xf32>
    tpu.vector_store %arg12[%swap3A_448, %swap3A_449], %add3A_447 {strides = array<i32>} : memref<128x1xf32, #tpu.memory_space<vmem>>, vector<128x1xf32>,
    %get3A_451 = arith.constant 0 : index
    %get3A_452 = arith.constant 0 : index
    %get3A_453 = vector.load %arg13[%get3A_451, %get3A_452] : memref<128x128xf32, #tpu.memory_space<vmem>>, vector<128x128xf32>
    %mul3A_454 = vector.broadcast %exp3A_437 : vector<128x1xf32> to vector<128x128xf32>
    %mul3A_455 = arith.mulf %get3A_453, %mul3A_454 : vector<128x128xf32>
    %mul3A_456 = vector.broadcast %exp3A_439 : vector<128x1xf32> to vector<128x128xf32>
    %mul3A_457 = arith.mulf %mul3A_456, %mul3A_420 : vector<128x128xf32>
    %add3A_458 = arith.addf %mul3A_455, %mul3A_457 : vector<128x128xf32>
    %swap3A_459 = arith.constant 0 : index
    %swap3A_460 = arith.constant 0 : index
    %swap3A_461 = vector.load %arg13[%swap3A_459, %swap3A_460] : memref<128x128xf32, #tpu.memory_space<vmem>>, vector<128x128xf32>
    tpu.vector_store %arg13[%swap3A_459, %swap3A_460], %add3A_458 {strides = array<i32>} : memref<128x128xf32, #tpu.memory_space<vmem>>, vector<128x128xf32>,
    %scan3A_462 = arith.constant 5 : i32
    %get3A_463 = arith.constant 0 : index
    %get3A_464 = arith.constant 0 : index
    %get3A_465 = vector.load %arg9[%get3A_463, %get3A_464] : memref<128x128xf32, #tpu.memory_space<vmem>>, vector<128x128xf32>
    %get3A_466 = arith.constant 0 : index
    %get3A_467 = arith.constant 0 : index
    %get3A_468 = vector.load %arg10[%get3A_466, %get3A_467] : memref<128x128xf32, #tpu.memory_space<vmem>>, vector<128x128xf32>
    %mul3A_469 = arith.constant 128 : i32
    %mul3A_470 = arith.muli %scan3A_462, %mul3A_469 : i32
    %get3A_471 = arith.index_cast %mul3A_470 : i32 to index
    %get3A_472 = arith.constant 0 : index
    %get3A_473 = vector.load %arg14[%get3A_471, %get3A_472] : memref<4096x512xf32, #tpu.memory_space<vmem>>, vector<128x512xf32>
    %get3A_474 = arith.constant 0 : index
    %get3A_475 = arith.constant 0 : index
    %get3A_476 = vector.load %arg3[%get3A_474, %get3A_475] : memref<128x512xf32, #tpu.memory_space<vmem>>, vector<128x512xf32>
    %dot_general3A_477 = arith.constant dense<0.000000e+00> : vector<128x512xf32>
    %dot_general3A_478 = tpu.matmul %get3A_465, %get3A_476, %dot_general3A_477 {dimension_numbers = #tpu.dot_dimension_numbers<[1], [0], [0], [1], [0, 0, 1, 1], [], []>, transpose_lhs_hint = false} : vector<128x128xf32>, vector<128x512xf32>, vector<128x512xf32> -> vector<128x512xf32>
    %add3A_479 = arith.addf %get3A_473, %dot_general3A_478 : vector<128x512xf32>
    %get3A_480 = arith.constant 0 : index
    %get3A_481 = arith.constant 0 : index
    %get3A_482 = vector.load %arg4[%get3A_480, %get3A_481] : memref<1x512xf32, #tpu.memory_space<vmem>>, vector<1x512xf32>
    %add3A_483 = vector.broadcast %get3A_482 : vector<1x512xf32> to vector<128x512xf32>
    %add3A_484 = arith.addf %add3A_479, %add3A_483 : vector<128x512xf32>
    %slice3A_485 = vector.extract_strided_slice %add3A_484 {offsets = [0, 0], sizes = [128, 128], strides = [1, 1]} : vector<128x512xf32> to vector<128x128xf32>
    %logistic3A_486 = arith.negf %slice3A_485 : vector<128x128xf32>
    %logistic3A_487 = math.exp %logistic3A_486 : vector<128x128xf32>
    %logistic3A_488 = arith.constant 1.000000e+00 : f32
    %logistic3A_489 = vector.broadcast %logistic3A_488 : f32 to vector<128x128xf32>
    %logistic3A_490 = arith.addf %logistic3A_489, %logistic3A_487 : vector<128x128xf32>
    %logistic3A_491 = arith.divf %logistic3A_489, %logistic3A_490 : vector<128x128xf32>
    %slice3A_492 = vector.extract_strided_slice %add3A_484 {offsets = [0, 128], sizes = [128, 128], strides = [1, 1]} : vector<128x512xf32> to vector<128x128xf32>
    %logistic3A_493 = arith.negf %slice3A_492 : vector<128x128xf32>
    %logistic3A_494 = math.exp %logistic3A_493 : vector<128x128xf32>
    %logistic3A_495 = arith.constant 1.000000e+00 : f32
    %logistic3A_496 = vector.broadcast %logistic3A_495 : f32 to vector<128x128xf32>
    %logistic3A_497 = arith.addf %logistic3A_496, %logistic3A_494 : vector<128x128xf32>
    %logistic3A_498 = arith.divf %logistic3A_496, %logistic3A_497 : vector<128x128xf32>
    %slice3A_499 = vector.extract_strided_slice %add3A_484 {offsets = [0, 256], sizes = [128, 128], strides = [1, 1]} : vector<128x512xf32> to vector<128x128xf32>
    %tanh3A_500 = math.tanh %slice3A_499 : vector<128x128xf32>
    %slice3A_501 = vector.extract_strided_slice %add3A_484 {offsets = [0, 384], sizes = [128, 128], strides = [1, 1]} : vector<128x512xf32> to vector<128x128xf32>
    %logistic3A_502 = arith.negf %slice3A_501 : vector<128x128xf32>
    %logistic3A_503 = math.exp %logistic3A_502 : vector<128x128xf32>
    %logistic3A_504 = arith.constant 1.000000e+00 : f32
    %logistic3A_505 = vector.broadcast %logistic3A_504 : f32 to vector<128x128xf32>
    %logistic3A_506 = arith.addf %logistic3A_505, %logistic3A_503 : vector<128x128xf32>
    %logistic3A_507 = arith.divf %logistic3A_505, %logistic3A_506 : vector<128x128xf32>
    %mul3A_508 = arith.mulf %logistic3A_498, %get3A_468 : vector<128x128xf32>
    %mul3A_509 = arith.mulf %logistic3A_491, %tanh3A_500 : vector<128x128xf32>
    %add3A_510 = arith.addf %mul3A_508, %mul3A_509 : vector<128x128xf32>
    %tanh3A_511 = math.tanh %add3A_510 : vector<128x128xf32>
    %mul3A_512 = arith.mulf %logistic3A_507, %tanh3A_511 : vector<128x128xf32>
    %swap3A_513 = arith.constant 0 : index
    %swap3A_514 = arith.constant 0 : index
    %swap3A_515 = vector.load %arg10[%swap3A_513, %swap3A_514] : memref<128x128xf32, #tpu.memory_space<vmem>>, vector<128x128xf32>
    tpu.vector_store %arg10[%swap3A_513, %swap3A_514], %add3A_510 {strides = array<i32>} : memref<128x128xf32, #tpu.memory_space<vmem>>, vector<128x128xf32>,
    %swap3A_516 = arith.constant 0 : index
    %swap3A_517 = arith.constant 0 : index
    %swap3A_518 = vector.load %arg9[%swap3A_516, %swap3A_517] : memref<128x128xf32, #tpu.memory_space<vmem>>, vector<128x128xf32>
    tpu.vector_store %arg9[%swap3A_516, %swap3A_517], %mul3A_512 {strides = array<i32>} : memref<128x128xf32, #tpu.memory_space<vmem>>, vector<128x128xf32>,
    %get3A_519 = arith.constant 0 : index
    %get3A_520 = arith.constant 0 : index
    %get3A_521 = vector.load %arg5[%get3A_519, %get3A_520] : memref<128x1xf32, #tpu.memory_space<vmem>>, vector<128x1xf32>
    %dot_general3A_522 = arith.constant dense<0.000000e+00> : vector<128x1xf32>
    %dot_general3A_523 = tpu.matmul %mul3A_512, %get3A_521, %dot_general3A_522 {dimension_numbers = #tpu.dot_dimension_numbers<[1], [0], [0], [1], [0, 0, 1, 1], [], []>, transpose_lhs_hint = false} : vector<128x128xf32>, vector<128x1xf32>, vector<128x1xf32> -> vector<128x1xf32>
    %get3A_524 = arith.constant 0 : index
    %get3A_525 = arith.constant 0 : index
    %get3A_526 = vector.load %arg11[%get3A_524, %get3A_525] : memref<128x1xf32, #tpu.memory_space<vmem>>, vector<128x1xf32>
    %max3A_527 = arith.maximumf %get3A_526, %dot_general3A_523 : vector<128x1xf32>
    %sub3A_528 = arith.subf %get3A_526, %max3A_527 : vector<128x1xf32>
    %exp3A_529 = math.exp %sub3A_528 : vector<128x1xf32>
    %sub3A_530 = arith.subf %dot_general3A_523, %max3A_527 : vector<128x1xf32>
    %exp3A_531 = math.exp %sub3A_530 : vector<128x1xf32>
    %swap3A_532 = arith.constant 0 : index
    %swap3A_533 = arith.constant 0 : index
    %swap3A_534 = vector.load %arg11[%swap3A_532, %swap3A_533] : memref<128x1xf32, #tpu.memory_space<vmem>>, vector<128x1xf32>
    tpu.vector_store %arg11[%swap3A_532, %swap3A_533], %max3A_527 {strides = array<i32>} : memref<128x1xf32, #tpu.memory_space<vmem>>, vector<128x1xf32>,
    %get3A_535 = arith.constant 0 : index
    %get3A_536 = arith.constant 0 : index
    %get3A_537 = vector.load %arg12[%get3A_535, %get3A_536] : memref<128x1xf32, #tpu.memory_space<vmem>>, vector<128x1xf32>
    %mul3A_538 = arith.mulf %get3A_537, %exp3A_529 : vector<128x1xf32>
    %add3A_539 = arith.addf %mul3A_538, %exp3A_531 : vector<128x1xf32>
    %swap3A_540 = arith.constant 0 : index
    %swap3A_541 = arith.constant 0 : index
    %swap3A_542 = vector.load %arg12[%swap3A_540, %swap3A_541] : memref<128x1xf32, #tpu.memory_space<vmem>>, vector<128x1xf32>
    tpu.vector_store %arg12[%swap3A_540, %swap3A_541], %add3A_539 {strides = array<i32>} : memref<128x1xf32, #tpu.memory_space<vmem>>, vector<128x1xf32>,
    %get3A_543 = arith.constant 0 : index
    %get3A_544 = arith.constant 0 : index
    %get3A_545 = vector.load %arg13[%get3A_543, %get3A_544] : memref<128x128xf32, #tpu.memory_space<vmem>>, vector<128x128xf32>
    %mul3A_546 = vector.broadcast %exp3A_529 : vector<128x1xf32> to vector<128x128xf32>
    %mul3A_547 = arith.mulf %get3A_545, %mul3A_546 : vector<128x128xf32>
    %mul3A_548 = vector.broadcast %exp3A_531 : vector<128x1xf32> to vector<128x128xf32>
    %mul3A_549 = arith.mulf %mul3A_548, %mul3A_512 : vector<128x128xf32>
    %add3A_550 = arith.addf %mul3A_547, %mul3A_549 : vector<128x128xf32>
    %swap3A_551 = arith.constant 0 : index
    %swap3A_552 = arith.constant 0 : index
    %swap3A_553 = vector.load %arg13[%swap3A_551, %swap3A_552] : memref<128x128xf32, #tpu.memory_space<vmem>>, vector<128x128xf32>
    tpu.vector_store %arg13[%swap3A_551, %swap3A_552], %add3A_550 {strides = array<i32>} : memref<128x128xf32, #tpu.memory_space<vmem>>, vector<128x128xf32>,
    %scan3A_554 = arith.constant 6 : i32
    %get3A_555 = arith.constant 0 : index
    %get3A_556 = arith.constant 0 : index
    %get3A_557 = vector.load %arg9[%get3A_555, %get3A_556] : memref<128x128xf32, #tpu.memory_space<vmem>>, vector<128x128xf32>
    %get3A_558 = arith.constant 0 : index
    %get3A_559 = arith.constant 0 : index
    %get3A_560 = vector.load %arg10[%get3A_558, %get3A_559] : memref<128x128xf32, #tpu.memory_space<vmem>>, vector<128x128xf32>
    %mul3A_561 = arith.constant 128 : i32
    %mul3A_562 = arith.muli %scan3A_554, %mul3A_561 : i32
    %get3A_563 = arith.index_cast %mul3A_562 : i32 to index
    %get3A_564 = arith.constant 0 : index
    %get3A_565 = vector.load %arg14[%get3A_563, %get3A_564] : memref<4096x512xf32, #tpu.memory_space<vmem>>, vector<128x512xf32>
    %get3A_566 = arith.constant 0 : index
    %get3A_567 = arith.constant 0 : index
    %get3A_568 = vector.load %arg3[%get3A_566, %get3A_567] : memref<128x512xf32, #tpu.memory_space<vmem>>, vector<128x512xf32>
    %dot_general3A_569 = arith.constant dense<0.000000e+00> : vector<128x512xf32>
    %dot_general3A_570 = tpu.matmul %get3A_557, %get3A_568, %dot_general3A_569 {dimension_numbers = #tpu.dot_dimension_numbers<[1], [0], [0], [1], [0, 0, 1, 1], [], []>, transpose_lhs_hint = false} : vector<128x128xf32>, vector<128x512xf32>, vector<128x512xf32> -> vector<128x512xf32>
    %add3A_571 = arith.addf %get3A_565, %dot_general3A_570 : vector<128x512xf32>
    %get3A_572 = arith.constant 0 : index
    %get3A_573 = arith.constant 0 : index
    %get3A_574 = vector.load %arg4[%get3A_572, %get3A_573] : memref<1x512xf32, #tpu.memory_space<vmem>>, vector<1x512xf32>
    %add3A_575 = vector.broadcast %get3A_574 : vector<1x512xf32> to vector<128x512xf32>
    %add3A_576 = arith.addf %add3A_571, %add3A_575 : vector<128x512xf32>
    %slice3A_577 = vector.extract_strided_slice %add3A_576 {offsets = [0, 0], sizes = [128, 128], strides = [1, 1]} : vector<128x512xf32> to vector<128x128xf32>
    %logistic3A_578 = arith.negf %slice3A_577 : vector<128x128xf32>
    %logistic3A_579 = math.exp %logistic3A_578 : vector<128x128xf32>
    %logistic3A_580 = arith.constant 1.000000e+00 : f32
    %logistic3A_581 = vector.broadcast %logistic3A_580 : f32 to vector<128x128xf32>
    %logistic3A_582 = arith.addf %logistic3A_581, %logistic3A_579 : vector<128x128xf32>
    %logistic3A_583 = arith.divf %logistic3A_581, %logistic3A_582 : vector<128x128xf32>
    %slice3A_584 = vector.extract_strided_slice %add3A_576 {offsets = [0, 128], sizes = [128, 128], strides = [1, 1]} : vector<128x512xf32> to vector<128x128xf32>
    %logistic3A_585 = arith.negf %slice3A_584 : vector<128x128xf32>
    %logistic3A_586 = math.exp %logistic3A_585 : vector<128x128xf32>
    %logistic3A_587 = arith.constant 1.000000e+00 : f32
    %logistic3A_588 = vector.broadcast %logistic3A_587 : f32 to vector<128x128xf32>
    %logistic3A_589 = arith.addf %logistic3A_588, %logistic3A_586 : vector<128x128xf32>
    %logistic3A_590 = arith.divf %logistic3A_588, %logistic3A_589 : vector<128x128xf32>
    %slice3A_591 = vector.extract_strided_slice %add3A_576 {offsets = [0, 256], sizes = [128, 128], strides = [1, 1]} : vector<128x512xf32> to vector<128x128xf32>
    %tanh3A_592 = math.tanh %slice3A_591 : vector<128x128xf32>
    %slice3A_593 = vector.extract_strided_slice %add3A_576 {offsets = [0, 384], sizes = [128, 128], strides = [1, 1]} : vector<128x512xf32> to vector<128x128xf32>
    %logistic3A_594 = arith.negf %slice3A_593 : vector<128x128xf32>
    %logistic3A_595 = math.exp %logistic3A_594 : vector<128x128xf32>
    %logistic3A_596 = arith.constant 1.000000e+00 : f32
    %logistic3A_597 = vector.broadcast %logistic3A_596 : f32 to vector<128x128xf32>
    %logistic3A_598 = arith.addf %logistic3A_597, %logistic3A_595 : vector<128x128xf32>
    %logistic3A_599 = arith.divf %logistic3A_597, %logistic3A_598 : vector<128x128xf32>
    %mul3A_600 = arith.mulf %logistic3A_590, %get3A_560 : vector<128x128xf32>
    %mul3A_601 = arith.mulf %logistic3A_583, %tanh3A_592 : vector<128x128xf32>
    %add3A_602 = arith.addf %mul3A_600, %mul3A_601 : vector<128x128xf32>
    %tanh3A_603 = math.tanh %add3A_602 : vector<128x128xf32>
    %mul3A_604 = arith.mulf %logistic3A_599, %tanh3A_603 : vector<128x128xf32>
    %swap3A_605 = arith.constant 0 : index
    %swap3A_606 = arith.constant 0 : index
    %swap3A_607 = vector.load %arg10[%swap3A_605, %swap3A_606] : memref<128x128xf32, #tpu.memory_space<vmem>>, vector<128x128xf32>
    tpu.vector_store %arg10[%swap3A_605, %swap3A_606], %add3A_602 {strides = array<i32>} : memref<128x128xf32, #tpu.memory_space<vmem>>, vector<128x128xf32>,
    %swap3A_608 = arith.constant 0 : index
    %swap3A_609 = arith.constant 0 : index
    %swap3A_610 = vector.load %arg9[%swap3A_608, %swap3A_609] : memref<128x128xf32, #tpu.memory_space<vmem>>, vector<128x128xf32>
    tpu.vector_store %arg9[%swap3A_608, %swap3A_609], %mul3A_604 {strides = array<i32>} : memref<128x128xf32, #tpu.memory_space<vmem>>, vector<128x128xf32>,
    %get3A_611 = arith.constant 0 : index
    %get3A_612 = arith.constant 0 : index
    %get3A_613 = vector.load %arg5[%get3A_611, %get3A_612] : memref<128x1xf32, #tpu.memory_space<vmem>>, vector<128x1xf32>
    %dot_general3A_614 = arith.constant dense<0.000000e+00> : vector<128x1xf32>
    %dot_general3A_615 = tpu.matmul %mul3A_604, %get3A_613, %dot_general3A_614 {dimension_numbers = #tpu.dot_dimension_numbers<[1], [0], [0], [1], [0, 0, 1, 1], [], []>, transpose_lhs_hint = false} : vector<128x128xf32>, vector<128x1xf32>, vector<128x1xf32> -> vector<128x1xf32>
    %get3A_616 = arith.constant 0 : index
    %get3A_617 = arith.constant 0 : index
    %get3A_618 = vector.load %arg11[%get3A_616, %get3A_617] : memref<128x1xf32, #tpu.memory_space<vmem>>, vector<128x1xf32>
    %max3A_619 = arith.maximumf %get3A_618, %dot_general3A_615 : vector<128x1xf32>
    %sub3A_620 = arith.subf %get3A_618, %max3A_619 : vector<128x1xf32>
    %exp3A_621 = math.exp %sub3A_620 : vector<128x1xf32>
    %sub3A_622 = arith.subf %dot_general3A_615, %max3A_619 : vector<128x1xf32>
    %exp3A_623 = math.exp %sub3A_622 : vector<128x1xf32>
    %swap3A_624 = arith.constant 0 : index
    %swap3A_625 = arith.constant 0 : index
    %swap3A_626 = vector.load %arg11[%swap3A_624, %swap3A_625] : memref<128x1xf32, #tpu.memory_space<vmem>>, vector<128x1xf32>
    tpu.vector_store %arg11[%swap3A_624, %swap3A_625], %max3A_619 {strides = array<i32>} : memref<128x1xf32, #tpu.memory_space<vmem>>, vector<128x1xf32>,
    %get3A_627 = arith.constant 0 : index
    %get3A_628 = arith.constant 0 : index
    %get3A_629 = vector.load %arg12[%get3A_627, %get3A_628] : memref<128x1xf32, #tpu.memory_space<vmem>>, vector<128x1xf32>
    %mul3A_630 = arith.mulf %get3A_629, %exp3A_621 : vector<128x1xf32>
    %add3A_631 = arith.addf %mul3A_630, %exp3A_623 : vector<128x1xf32>
    %swap3A_632 = arith.constant 0 : index
    %swap3A_633 = arith.constant 0 : index
    %swap3A_634 = vector.load %arg12[%swap3A_632, %swap3A_633] : memref<128x1xf32, #tpu.memory_space<vmem>>, vector<128x1xf32>
    tpu.vector_store %arg12[%swap3A_632, %swap3A_633], %add3A_631 {strides = array<i32>} : memref<128x1xf32, #tpu.memory_space<vmem>>, vector<128x1xf32>,
    %get3A_635 = arith.constant 0 : index
    %get3A_636 = arith.constant 0 : index
    %get3A_637 = vector.load %arg13[%get3A_635, %get3A_636] : memref<128x128xf32, #tpu.memory_space<vmem>>, vector<128x128xf32>
    %mul3A_638 = vector.broadcast %exp3A_621 : vector<128x1xf32> to vector<128x128xf32>
    %mul3A_639 = arith.mulf %get3A_637, %mul3A_638 : vector<128x128xf32>
    %mul3A_640 = vector.broadcast %exp3A_623 : vector<128x1xf32> to vector<128x128xf32>
    %mul3A_641 = arith.mulf %mul3A_640, %mul3A_604 : vector<128x128xf32>
    %add3A_642 = arith.addf %mul3A_639, %mul3A_641 : vector<128x128xf32>
    %swap3A_643 = arith.constant 0 : index
    %swap3A_644 = arith.constant 0 : index
    %swap3A_645 = vector.load %arg13[%swap3A_643, %swap3A_644] : memref<128x128xf32, #tpu.memory_space<vmem>>, vector<128x128xf32>
    tpu.vector_store %arg13[%swap3A_643, %swap3A_644], %add3A_642 {strides = array<i32>} : memref<128x128xf32, #tpu.memory_space<vmem>>, vector<128x128xf32>,
    %scan3A_646 = arith.constant 7 : i32
    %get3A_647 = arith.constant 0 : index
    %get3A_648 = arith.constant 0 : index
    %get3A_649 = vector.load %arg9[%get3A_647, %get3A_648] : memref<128x128xf32, #tpu.memory_space<vmem>>, vector<128x128xf32>
    %get3A_650 = arith.constant 0 : index
    %get3A_651 = arith.constant 0 : index
    %get3A_652 = vector.load %arg10[%get3A_650, %get3A_651] : memref<128x128xf32, #tpu.memory_space<vmem>>, vector<128x128xf32>
    %mul3A_653 = arith.constant 128 : i32
    %mul3A_654 = arith.muli %scan3A_646, %mul3A_653 : i32
    %get3A_655 = arith.index_cast %mul3A_654 : i32 to index
    %get3A_656 = arith.constant 0 : index
    %get3A_657 = vector.load %arg14[%get3A_655, %get3A_656] : memref<4096x512xf32, #tpu.memory_space<vmem>>, vector<128x512xf32>
    %get3A_658 = arith.constant 0 : index
    %get3A_659 = arith.constant 0 : index
    %get3A_660 = vector.load %arg3[%get3A_658, %get3A_659] : memref<128x512xf32, #tpu.memory_space<vmem>>, vector<128x512xf32>
    %dot_general3A_661 = arith.constant dense<0.000000e+00> : vector<128x512xf32>
    %dot_general3A_662 = tpu.matmul %get3A_649, %get3A_660, %dot_general3A_661 {dimension_numbers = #tpu.dot_dimension_numbers<[1], [0], [0], [1], [0, 0, 1, 1], [], []>, transpose_lhs_hint = false} : vector<128x128xf32>, vector<128x512xf32>, vector<128x512xf32> -> vector<128x512xf32>
    %add3A_663 = arith.addf %get3A_657, %dot_general3A_662 : vector<128x512xf32>
    %get3A_664 = arith.constant 0 : index
    %get3A_665 = arith.constant 0 : index
    %get3A_666 = vector.load %arg4[%get3A_664, %get3A_665] : memref<1x512xf32, #tpu.memory_space<vmem>>, vector<1x512xf32>
    %add3A_667 = vector.broadcast %get3A_666 : vector<1x512xf32> to vector<128x512xf32>
    %add3A_668 = arith.addf %add3A_663, %add3A_667 : vector<128x512xf32>
    %slice3A_669 = vector.extract_strided_slice %add3A_668 {offsets = [0, 0], sizes = [128, 128], strides = [1, 1]} : vector<128x512xf32> to vector<128x128xf32>
    %logistic3A_670 = arith.negf %slice3A_669 : vector<128x128xf32>
    %logistic3A_671 = math.exp %logistic3A_670 : vector<128x128xf32>
    %logistic3A_672 = arith.constant 1.000000e+00 : f32
    %logistic3A_673 = vector.broadcast %logistic3A_672 : f32 to vector<128x128xf32>
    %logistic3A_674 = arith.addf %logistic3A_673, %logistic3A_671 : vector<128x128xf32>
    %logistic3A_675 = arith.divf %logistic3A_673, %logistic3A_674 : vector<128x128xf32>
    %slice3A_676 = vector.extract_strided_slice %add3A_668 {offsets = [0, 128], sizes = [128, 128], strides = [1, 1]} : vector<128x512xf32> to vector<128x128xf32>
    %logistic3A_677 = arith.negf %slice3A_676 : vector<128x128xf32>
    %logistic3A_678 = math.exp %logistic3A_677 : vector<128x128xf32>
    %logistic3A_679 = arith.constant 1.000000e+00 : f32
    %logistic3A_680 = vector.broadcast %logistic3A_679 : f32 to vector<128x128xf32>
    %logistic3A_681 = arith.addf %logistic3A_680, %logistic3A_678 : vector<128x128xf32>
    %logistic3A_682 = arith.divf %logistic3A_680, %logistic3A_681 : vector<128x128xf32>
    %slice3A_683 = vector.extract_strided_slice %add3A_668 {offsets = [0, 256], sizes = [128, 128], strides = [1, 1]} : vector<128x512xf32> to vector<128x128xf32>
    %tanh3A_684 = math.tanh %slice3A_683 : vector<128x128xf32>
    %slice3A_685 = vector.extract_strided_slice %add3A_668 {offsets = [0, 384], sizes = [128, 128], strides = [1, 1]} : vector<128x512xf32> to vector<128x128xf32>
    %logistic3A_686 = arith.negf %slice3A_685 : vector<128x128xf32>
    %logistic3A_687 = math.exp %logistic3A_686 : vector<128x128xf32>
    %logistic3A_688 = arith.constant 1.000000e+00 : f32
    %logistic3A_689 = vector.broadcast %logistic3A_688 : f32 to vector<128x128xf32>
    %logistic3A_690 = arith.addf %logistic3A_689, %logistic3A_687 : vector<128x128xf32>
    %logistic3A_691 = arith.divf %logistic3A_689, %logistic3A_690 : vector<128x128xf32>
    %mul3A_692 = arith.mulf %logistic3A_682, %get3A_652 : vector<128x128xf32>
    %mul3A_693 = arith.mulf %logistic3A_675, %tanh3A_684 : vector<128x128xf32>
    %add3A_694 = arith.addf %mul3A_692, %mul3A_693 : vector<128x128xf32>
    %tanh3A_695 = math.tanh %add3A_694 : vector<128x128xf32>
    %mul3A_696 = arith.mulf %logistic3A_691, %tanh3A_695 : vector<128x128xf32>
    %swap3A_697 = arith.constant 0 : index
    %swap3A_698 = arith.constant 0 : index
    %swap3A_699 = vector.load %arg10[%swap3A_697, %swap3A_698] : memref<128x128xf32, #tpu.memory_space<vmem>>, vector<128x128xf32>
    tpu.vector_store %arg10[%swap3A_697, %swap3A_698], %add3A_694 {strides = array<i32>} : memref<128x128xf32, #tpu.memory_space<vmem>>, vector<128x128xf32>,
    %swap3A_700 = arith.constant 0 : index
    %swap3A_701 = arith.constant 0 : index
    %swap3A_702 = vector.load %arg9[%swap3A_700, %swap3A_701] : memref<128x128xf32, #tpu.memory_space<vmem>>, vector<128x128xf32>
    tpu.vector_store %arg9[%swap3A_700, %swap3A_701], %mul3A_696 {strides = array<i32>} : memref<128x128xf32, #tpu.memory_space<vmem>>, vector<128x128xf32>,
    %get3A_703 = arith.constant 0 : index
    %get3A_704 = arith.constant 0 : index
    %get3A_705 = vector.load %arg5[%get3A_703, %get3A_704] : memref<128x1xf32, #tpu.memory_space<vmem>>, vector<128x1xf32>
    %dot_general3A_706 = arith.constant dense<0.000000e+00> : vector<128x1xf32>
    %dot_general3A_707 = tpu.matmul %mul3A_696, %get3A_705, %dot_general3A_706 {dimension_numbers = #tpu.dot_dimension_numbers<[1], [0], [0], [1], [0, 0, 1, 1], [], []>, transpose_lhs_hint = false} : vector<128x128xf32>, vector<128x1xf32>, vector<128x1xf32> -> vector<128x1xf32>
    %get3A_708 = arith.constant 0 : index
    %get3A_709 = arith.constant 0 : index
    %get3A_710 = vector.load %arg11[%get3A_708, %get3A_709] : memref<128x1xf32, #tpu.memory_space<vmem>>, vector<128x1xf32>
    %max3A_711 = arith.maximumf %get3A_710, %dot_general3A_707 : vector<128x1xf32>
    %sub3A_712 = arith.subf %get3A_710, %max3A_711 : vector<128x1xf32>
    %exp3A_713 = math.exp %sub3A_712 : vector<128x1xf32>
    %sub3A_714 = arith.subf %dot_general3A_707, %max3A_711 : vector<128x1xf32>
    %exp3A_715 = math.exp %sub3A_714 : vector<128x1xf32>
    %swap3A_716 = arith.constant 0 : index
    %swap3A_717 = arith.constant 0 : index
    %swap3A_718 = vector.load %arg11[%swap3A_716, %swap3A_717] : memref<128x1xf32, #tpu.memory_space<vmem>>, vector<128x1xf32>
    tpu.vector_store %arg11[%swap3A_716, %swap3A_717], %max3A_711 {strides = array<i32>} : memref<128x1xf32, #tpu.memory_space<vmem>>, vector<128x1xf32>,
    %get3A_719 = arith.constant 0 : index
    %get3A_720 = arith.constant 0 : index
    %get3A_721 = vector.load %arg12[%get3A_719, %get3A_720] : memref<128x1xf32, #tpu.memory_space<vmem>>, vector<128x1xf32>
    %mul3A_722 = arith.mulf %get3A_721, %exp3A_713 : vector<128x1xf32>
    %add3A_723 = arith.addf %mul3A_722, %exp3A_715 : vector<128x1xf32>
    %swap3A_724 = arith.constant 0 : index
    %swap3A_725 = arith.constant 0 : index
    %swap3A_726 = vector.load %arg12[%swap3A_724, %swap3A_725] : memref<128x1xf32, #tpu.memory_space<vmem>>, vector<128x1xf32>
    tpu.vector_store %arg12[%swap3A_724, %swap3A_725], %add3A_723 {strides = array<i32>} : memref<128x1xf32, #tpu.memory_space<vmem>>, vector<128x1xf32>,
    %get3A_727 = arith.constant 0 : index
    %get3A_728 = arith.constant 0 : index
    %get3A_729 = vector.load %arg13[%get3A_727, %get3A_728] : memref<128x128xf32, #tpu.memory_space<vmem>>, vector<128x128xf32>
    %mul3A_730 = vector.broadcast %exp3A_713 : vector<128x1xf32> to vector<128x128xf32>
    %mul3A_731 = arith.mulf %get3A_729, %mul3A_730 : vector<128x128xf32>
    %mul3A_732 = vector.broadcast %exp3A_715 : vector<128x1xf32> to vector<128x128xf32>
    %mul3A_733 = arith.mulf %mul3A_732, %mul3A_696 : vector<128x128xf32>
    %add3A_734 = arith.addf %mul3A_731, %mul3A_733 : vector<128x128xf32>
    %swap3A_735 = arith.constant 0 : index
    %swap3A_736 = arith.constant 0 : index
    %swap3A_737 = vector.load %arg13[%swap3A_735, %swap3A_736] : memref<128x128xf32, #tpu.memory_space<vmem>>, vector<128x128xf32>
    tpu.vector_store %arg13[%swap3A_735, %swap3A_736], %add3A_734 {strides = array<i32>} : memref<128x128xf32, #tpu.memory_space<vmem>>, vector<128x128xf32>,
    %scan3A_738 = arith.constant 8 : i32
    %get3A_739 = arith.constant 0 : index
    %get3A_740 = arith.constant 0 : index
    %get3A_741 = vector.load %arg9[%get3A_739, %get3A_740] : memref<128x128xf32, #tpu.memory_space<vmem>>, vector<128x128xf32>
    %get3A_742 = arith.constant 0 : index
    %get3A_743 = arith.constant 0 : index
    %get3A_744 = vector.load %arg10[%get3A_742, %get3A_743] : memref<128x128xf32, #tpu.memory_space<vmem>>, vector<128x128xf32>
    %mul3A_745 = arith.constant 128 : i32
    %mul3A_746 = arith.muli %scan3A_738, %mul3A_745 : i32
    %get3A_747 = arith.index_cast %mul3A_746 : i32 to index
    %get3A_748 = arith.constant 0 : index
    %get3A_749 = vector.load %arg14[%get3A_747, %get3A_748] : memref<4096x512xf32, #tpu.memory_space<vmem>>, vector<128x512xf32>
    %get3A_750 = arith.constant 0 : index
    %get3A_751 = arith.constant 0 : index
    %get3A_752 = vector.load %arg3[%get3A_750, %get3A_751] : memref<128x512xf32, #tpu.memory_space<vmem>>, vector<128x512xf32>
    %dot_general3A_753 = arith.constant dense<0.000000e+00> : vector<128x512xf32>
    %dot_general3A_754 = tpu.matmul %get3A_741, %get3A_752, %dot_general3A_753 {dimension_numbers = #tpu.dot_dimension_numbers<[1], [0], [0], [1], [0, 0, 1, 1], [], []>, transpose_lhs_hint = false} : vector<128x128xf32>, vector<128x512xf32>, vector<128x512xf32> -> vector<128x512xf32>
    %add3A_755 = arith.addf %get3A_749, %dot_general3A_754 : vector<128x512xf32>
    %get3A_756 = arith.constant 0 : index
    %get3A_757 = arith.constant 0 : index
    %get3A_758 = vector.load %arg4[%get3A_756, %get3A_757] : memref<1x512xf32, #tpu.memory_space<vmem>>, vector<1x512xf32>
    %add3A_759 = vector.broadcast %get3A_758 : vector<1x512xf32> to vector<128x512xf32>
    %add3A_760 = arith.addf %add3A_755, %add3A_759 : vector<128x512xf32>
    %slice3A_761 = vector.extract_strided_slice %add3A_760 {offsets = [0, 0], sizes = [128, 128], strides = [1, 1]} : vector<128x512xf32> to vector<128x128xf32>
    %logistic3A_762 = arith.negf %slice3A_761 : vector<128x128xf32>
    %logistic3A_763 = math.exp %logistic3A_762 : vector<128x128xf32>
    %logistic3A_764 = arith.constant 1.000000e+00 : f32
    %logistic3A_765 = vector.broadcast %logistic3A_764 : f32 to vector<128x128xf32>
    %logistic3A_766 = arith.addf %logistic3A_765, %logistic3A_763 : vector<128x128xf32>
    %logistic3A_767 = arith.divf %logistic3A_765, %logistic3A_766 : vector<128x128xf32>
    %slice3A_768 = vector.extract_strided_slice %add3A_760 {offsets = [0, 128], sizes = [128, 128], strides = [1, 1]} : vector<128x512xf32> to vector<128x128xf32>
    %logistic3A_769 = arith.negf %slice3A_768 : vector<128x128xf32>
    %logistic3A_770 = math.exp %logistic3A_769 : vector<128x128xf32>
    %logistic3A_771 = arith.constant 1.000000e+00 : f32
    %logistic3A_772 = vector.broadcast %logistic3A_771 : f32 to vector<128x128xf32>
    %logistic3A_773 = arith.addf %logistic3A_772, %logistic3A_770 : vector<128x128xf32>
    %logistic3A_774 = arith.divf %logistic3A_772, %logistic3A_773 : vector<128x128xf32>
    %slice3A_775 = vector.extract_strided_slice %add3A_760 {offsets = [0, 256], sizes = [128, 128], strides = [1, 1]} : vector<128x512xf32> to vector<128x128xf32>
    %tanh3A_776 = math.tanh %slice3A_775 : vector<128x128xf32>
    %slice3A_777 = vector.extract_strided_slice %add3A_760 {offsets = [0, 384], sizes = [128, 128], strides = [1, 1]} : vector<128x512xf32> to vector<128x128xf32>
    %logistic3A_778 = arith.negf %slice3A_777 : vector<128x128xf32>
    %logistic3A_779 = math.exp %logistic3A_778 : vector<128x128xf32>
    %logistic3A_780 = arith.constant 1.000000e+00 : f32
    %logistic3A_781 = vector.broadcast %logistic3A_780 : f32 to vector<128x128xf32>
    %logistic3A_782 = arith.addf %logistic3A_781, %logistic3A_779 : vector<128x128xf32>
    %logistic3A_783 = arith.divf %logistic3A_781, %logistic3A_782 : vector<128x128xf32>
    %mul3A_784 = arith.mulf %logistic3A_774, %get3A_744 : vector<128x128xf32>
    %mul3A_785 = arith.mulf %logistic3A_767, %tanh3A_776 : vector<128x128xf32>
    %add3A_786 = arith.addf %mul3A_784, %mul3A_785 : vector<128x128xf32>
    %tanh3A_787 = math.tanh %add3A_786 : vector<128x128xf32>
    %mul3A_788 = arith.mulf %logistic3A_783, %tanh3A_787 : vector<128x128xf32>
    %swap3A_789 = arith.constant 0 : index
    %swap3A_790 = arith.constant 0 : index
    %swap3A_791 = vector.load %arg10[%swap3A_789, %swap3A_790] : memref<128x128xf32, #tpu.memory_space<vmem>>, vector<128x128xf32>
    tpu.vector_store %arg10[%swap3A_789, %swap3A_790], %add3A_786 {strides = array<i32>} : memref<128x128xf32, #tpu.memory_space<vmem>>, vector<128x128xf32>,
    %swap3A_792 = arith.constant 0 : index
    %swap3A_793 = arith.constant 0 : index
    %swap3A_794 = vector.load %arg9[%swap3A_792, %swap3A_793] : memref<128x128xf32, #tpu.memory_space<vmem>>, vector<128x128xf32>
    tpu.vector_store %arg9[%swap3A_792, %swap3A_793], %mul3A_788 {strides = array<i32>} : memref<128x128xf32, #tpu.memory_space<vmem>>, vector<128x128xf32>,
    %get3A_795 = arith.constant 0 : index
    %get3A_796 = arith.constant 0 : index
    %get3A_797 = vector.load %arg5[%get3A_795, %get3A_796] : memref<128x1xf32, #tpu.memory_space<vmem>>, vector<128x1xf32>
    %dot_general3A_798 = arith.constant dense<0.000000e+00> : vector<128x1xf32>
    %dot_general3A_799 = tpu.matmul %mul3A_788, %get3A_797, %dot_general3A_798 {dimension_numbers = #tpu.dot_dimension_numbers<[1], [0], [0], [1], [0, 0, 1, 1], [], []>, transpose_lhs_hint = false} : vector<128x128xf32>, vector<128x1xf32>, vector<128x1xf32> -> vector<128x1xf32>
    %get3A_800 = arith.constant 0 : index
    %get3A_801 = arith.constant 0 : index
    %get3A_802 = vector.load %arg11[%get3A_800, %get3A_801] : memref<128x1xf32, #tpu.memory_space<vmem>>, vector<128x1xf32>
    %max3A_803 = arith.maximumf %get3A_802, %dot_general3A_799 : vector<128x1xf32>
    %sub3A_804 = arith.subf %get3A_802, %max3A_803 : vector<128x1xf32>
    %exp3A_805 = math.exp %sub3A_804 : vector<128x1xf32>
    %sub3A_806 = arith.subf %dot_general3A_799, %max3A_803 : vector<128x1xf32>
    %exp3A_807 = math.exp %sub3A_806 : vector<128x1xf32>
    %swap3A_808 = arith.constant 0 : index
    %swap3A_809 = arith.constant 0 : index
    %swap3A_810 = vector.load %arg11[%swap3A_808, %swap3A_809] : memref<128x1xf32, #tpu.memory_space<vmem>>, vector<128x1xf32>
    tpu.vector_store %arg11[%swap3A_808, %swap3A_809], %max3A_803 {strides = array<i32>} : memref<128x1xf32, #tpu.memory_space<vmem>>, vector<128x1xf32>,
    %get3A_811 = arith.constant 0 : index
    %get3A_812 = arith.constant 0 : index
    %get3A_813 = vector.load %arg12[%get3A_811, %get3A_812] : memref<128x1xf32, #tpu.memory_space<vmem>>, vector<128x1xf32>
    %mul3A_814 = arith.mulf %get3A_813, %exp3A_805 : vector<128x1xf32>
    %add3A_815 = arith.addf %mul3A_814, %exp3A_807 : vector<128x1xf32>
    %swap3A_816 = arith.constant 0 : index
    %swap3A_817 = arith.constant 0 : index
    %swap3A_818 = vector.load %arg12[%swap3A_816, %swap3A_817] : memref<128x1xf32, #tpu.memory_space<vmem>>, vector<128x1xf32>
    tpu.vector_store %arg12[%swap3A_816, %swap3A_817], %add3A_815 {strides = array<i32>} : memref<128x1xf32, #tpu.memory_space<vmem>>, vector<128x1xf32>,
    %get3A_819 = arith.constant 0 : index
    %get3A_820 = arith.constant 0 : index
    %get3A_821 = vector.load %arg13[%get3A_819, %get3A_820] : memref<128x128xf32, #tpu.memory_space<vmem>>, vector<128x128xf32>
    %mul3A_822 = vector.broadcast %exp3A_805 : vector<128x1xf32> to vector<128x128xf32>
    %mul3A_823 = arith.mulf %get3A_821, %mul3A_822 : vector<128x128xf32>
    %mul3A_824 = vector.broadcast %exp3A_807 : vector<128x1xf32> to vector<128x128xf32>
    %mul3A_825 = arith.mulf %mul3A_824, %mul3A_788 : vector<128x128xf32>
    %add3A_826 = arith.addf %mul3A_823, %mul3A_825 : vector<128x128xf32>
    %swap3A_827 = arith.constant 0 : index
    %swap3A_828 = arith.constant 0 : index
    %swap3A_829 = vector.load %arg13[%swap3A_827, %swap3A_828] : memref<128x128xf32, #tpu.memory_space<vmem>>, vector<128x128xf32>
    tpu.vector_store %arg13[%swap3A_827, %swap3A_828], %add3A_826 {strides = array<i32>} : memref<128x128xf32, #tpu.memory_space<vmem>>, vector<128x128xf32>,
    %scan3A_830 = arith.constant 9 : i32
    %get3A_831 = arith.constant 0 : index
    %get3A_832 = arith.constant 0 : index
    %get3A_833 = vector.load %arg9[%get3A_831, %get3A_832] : memref<128x128xf32, #tpu.memory_space<vmem>>, vector<128x128xf32>
    %get3A_834 = arith.constant 0 : index
    %get3A_835 = arith.constant 0 : index
    %get3A_836 = vector.load %arg10[%get3A_834, %get3A_835] : memref<128x128xf32, #tpu.memory_space<vmem>>, vector<128x128xf32>
    %mul3A_837 = arith.constant 128 : i32
    %mul3A_838 = arith.muli %scan3A_830, %mul3A_837 : i32
    %get3A_839 = arith.index_cast %mul3A_838 : i32 to index
    %get3A_840 = arith.constant 0 : index
    %get3A_841 = vector.load %arg14[%get3A_839, %get3A_840] : memref<4096x512xf32, #tpu.memory_space<vmem>>, vector<128x512xf32>
    %get3A_842 = arith.constant 0 : index
    %get3A_843 = arith.constant 0 : index
    %get3A_844 = vector.load %arg3[%get3A_842, %get3A_843] : memref<128x512xf32, #tpu.memory_space<vmem>>, vector<128x512xf32>
    %dot_general3A_845 = arith.constant dense<0.000000e+00> : vector<128x512xf32>
    %dot_general3A_846 = tpu.matmul %get3A_833, %get3A_844, %dot_general3A_845 {dimension_numbers = #tpu.dot_dimension_numbers<[1], [0], [0], [1], [0, 0, 1, 1], [], []>, transpose_lhs_hint = false} : vector<128x128xf32>, vector<128x512xf32>, vector<128x512xf32> -> vector<128x512xf32>
    %add3A_847 = arith.addf %get3A_841, %dot_general3A_846 : vector<128x512xf32>
    %get3A_848 = arith.constant 0 : index
    %get3A_849 = arith.constant 0 : index
    %get3A_850 = vector.load %arg4[%get3A_848, %get3A_849] : memref<1x512xf32, #tpu.memory_space<vmem>>, vector<1x512xf32>
    %add3A_851 = vector.broadcast %get3A_850 : vector<1x512xf32> to vector<128x512xf32>
    %add3A_852 = arith.addf %add3A_847, %add3A_851 : vector<128x512xf32>
    %slice3A_853 = vector.extract_strided_slice %add3A_852 {offsets = [0, 0], sizes = [128, 128], strides = [1, 1]} : vector<128x512xf32> to vector<128x128xf32>
    %logistic3A_854 = arith.negf %slice3A_853 : vector<128x128xf32>
    %logistic3A_855 = math.exp %logistic3A_854 : vector<128x128xf32>
    %logistic3A_856 = arith.constant 1.000000e+00 : f32
    %logistic3A_857 = vector.broadcast %logistic3A_856 : f32 to vector<128x128xf32>
    %logistic3A_858 = arith.addf %logistic3A_857, %logistic3A_855 : vector<128x128xf32>
    %logistic3A_859 = arith.divf %logistic3A_857, %logistic3A_858 : vector<128x128xf32>
    %slice3A_860 = vector.extract_strided_slice %add3A_852 {offsets = [0, 128], sizes = [128, 128], strides = [1, 1]} : vector<128x512xf32> to vector<128x128xf32>
    %logistic3A_861 = arith.negf %slice3A_860 : vector<128x128xf32>
    %logistic3A_862 = math.exp %logistic3A_861 : vector<128x128xf32>
    %logistic3A_863 = arith.constant 1.000000e+00 : f32
    %logistic3A_864 = vector.broadcast %logistic3A_863 : f32 to vector<128x128xf32>
    %logistic3A_865 = arith.addf %logistic3A_864, %logistic3A_862 : vector<128x128xf32>
    %logistic3A_866 = arith.divf %logistic3A_864, %logistic3A_865 : vector<128x128xf32>
    %slice3A_867 = vector.extract_strided_slice %add3A_852 {offsets = [0, 256], sizes = [128, 128], strides = [1, 1]} : vector<128x512xf32> to vector<128x128xf32>
    %tanh3A_868 = math.tanh %slice3A_867 : vector<128x128xf32>
    %slice3A_869 = vector.extract_strided_slice %add3A_852 {offsets = [0, 384], sizes = [128, 128], strides = [1, 1]} : vector<128x512xf32> to vector<128x128xf32>
    %logistic3A_870 = arith.negf %slice3A_869 : vector<128x128xf32>
    %logistic3A_871 = math.exp %logistic3A_870 : vector<128x128xf32>
    %logistic3A_872 = arith.constant 1.000000e+00 : f32
    %logistic3A_873 = vector.broadcast %logistic3A_872 : f32 to vector<128x128xf32>
    %logistic3A_874 = arith.addf %logistic3A_873, %logistic3A_871 : vector<128x128xf32>
    %logistic3A_875 = arith.divf %logistic3A_873, %logistic3A_874 : vector<128x128xf32>
    %mul3A_876 = arith.mulf %logistic3A_866, %get3A_836 : vector<128x128xf32>
    %mul3A_877 = arith.mulf %logistic3A_859, %tanh3A_868 : vector<128x128xf32>
    %add3A_878 = arith.addf %mul3A_876, %mul3A_877 : vector<128x128xf32>
    %tanh3A_879 = math.tanh %add3A_878 : vector<128x128xf32>
    %mul3A_880 = arith.mulf %logistic3A_875, %tanh3A_879 : vector<128x128xf32>
    %swap3A_881 = arith.constant 0 : index
    %swap3A_882 = arith.constant 0 : index
    %swap3A_883 = vector.load %arg10[%swap3A_881, %swap3A_882] : memref<128x128xf32, #tpu.memory_space<vmem>>, vector<128x128xf32>
    tpu.vector_store %arg10[%swap3A_881, %swap3A_882], %add3A_878 {strides = array<i32>} : memref<128x128xf32, #tpu.memory_space<vmem>>, vector<128x128xf32>,
    %swap3A_884 = arith.constant 0 : index
    %swap3A_885 = arith.constant 0 : index
    %swap3A_886 = vector.load %arg9[%swap3A_884, %swap3A_885] : memref<128x128xf32, #tpu.memory_space<vmem>>, vector<128x128xf32>
    tpu.vector_store %arg9[%swap3A_884, %swap3A_885], %mul3A_880 {strides = array<i32>} : memref<128x128xf32, #tpu.memory_space<vmem>>, vector<128x128xf32>,
    %get3A_887 = arith.constant 0 : index
    %get3A_888 = arith.constant 0 : index
    %get3A_889 = vector.load %arg5[%get3A_887, %get3A_888] : memref<128x1xf32, #tpu.memory_space<vmem>>, vector<128x1xf32>
    %dot_general3A_890 = arith.constant dense<0.000000e+00> : vector<128x1xf32>
    %dot_general3A_891 = tpu.matmul %mul3A_880, %get3A_889, %dot_general3A_890 {dimension_numbers = #tpu.dot_dimension_numbers<[1], [0], [0], [1], [0, 0, 1, 1], [], []>, transpose_lhs_hint = false} : vector<128x128xf32>, vector<128x1xf32>, vector<128x1xf32> -> vector<128x1xf32>
    %get3A_892 = arith.constant 0 : index
    %get3A_893 = arith.constant 0 : index
    %get3A_894 = vector.load %arg11[%get3A_892, %get3A_893] : memref<128x1xf32, #tpu.memory_space<vmem>>, vector<128x1xf32>
    %max3A_895 = arith.maximumf %get3A_894, %dot_general3A_891 : vector<128x1xf32>
    %sub3A_896 = arith.subf %get3A_894, %max3A_895 : vector<128x1xf32>
    %exp3A_897 = math.exp %sub3A_896 : vector<128x1xf32>
    %sub3A_898 = arith.subf %dot_general3A_891, %max3A_895 : vector<128x1xf32>
    %exp3A_899 = math.exp %sub3A_898 : vector<128x1xf32>
    %swap3A_900 = arith.constant 0 : index
    %swap3A_901 = arith.constant 0 : index
    %swap3A_902 = vector.load %arg11[%swap3A_900, %swap3A_901] : memref<128x1xf32, #tpu.memory_space<vmem>>, vector<128x1xf32>
    tpu.vector_store %arg11[%swap3A_900, %swap3A_901], %max3A_895 {strides = array<i32>} : memref<128x1xf32, #tpu.memory_space<vmem>>, vector<128x1xf32>,
    %get3A_903 = arith.constant 0 : index
    %get3A_904 = arith.constant 0 : index
    %get3A_905 = vector.load %arg12[%get3A_903, %get3A_904] : memref<128x1xf32, #tpu.memory_space<vmem>>, vector<128x1xf32>
    %mul3A_906 = arith.mulf %get3A_905, %exp3A_897 : vector<128x1xf32>
    %add3A_907 = arith.addf %mul3A_906, %exp3A_899 : vector<128x1xf32>
    %swap3A_908 = arith.constant 0 : index
    %swap3A_909 = arith.constant 0 : index
    %swap3A_910 = vector.load %arg12[%swap3A_908, %swap3A_909] : memref<128x1xf32, #tpu.memory_space<vmem>>, vector<128x1xf32>
    tpu.vector_store %arg12[%swap3A_908, %swap3A_909], %add3A_907 {strides = array<i32>} : memref<128x1xf32, #tpu.memory_space<vmem>>, vector<128x1xf32>,
    %get3A_911 = arith.constant 0 : index
    %get3A_912 = arith.constant 0 : index
    %get3A_913 = vector.load %arg13[%get3A_911, %get3A_912] : memref<128x128xf32, #tpu.memory_space<vmem>>, vector<128x128xf32>
    %mul3A_914 = vector.broadcast %exp3A_897 : vector<128x1xf32> to vector<128x128xf32>
    %mul3A_915 = arith.mulf %get3A_913, %mul3A_914 : vector<128x128xf32>
    %mul3A_916 = vector.broadcast %exp3A_899 : vector<128x1xf32> to vector<128x128xf32>
    %mul3A_917 = arith.mulf %mul3A_916, %mul3A_880 : vector<128x128xf32>
    %add3A_918 = arith.addf %mul3A_915, %mul3A_917 : vector<128x128xf32>
    %swap3A_919 = arith.constant 0 : index
    %swap3A_920 = arith.constant 0 : index
    %swap3A_921 = vector.load %arg13[%swap3A_919, %swap3A_920] : memref<128x128xf32, #tpu.memory_space<vmem>>, vector<128x128xf32>
    tpu.vector_store %arg13[%swap3A_919, %swap3A_920], %add3A_918 {strides = array<i32>} : memref<128x128xf32, #tpu.memory_space<vmem>>, vector<128x128xf32>,
    %scan3A_922 = arith.constant 10 : i32
    %get3A_923 = arith.constant 0 : index
    %get3A_924 = arith.constant 0 : index
    %get3A_925 = vector.load %arg9[%get3A_923, %get3A_924] : memref<128x128xf32, #tpu.memory_space<vmem>>, vector<128x128xf32>
    %get3A_926 = arith.constant 0 : index
    %get3A_927 = arith.constant 0 : index
    %get3A_928 = vector.load %arg10[%get3A_926, %get3A_927] : memref<128x128xf32, #tpu.memory_space<vmem>>, vector<128x128xf32>
    %mul3A_929 = arith.constant 128 : i32
    %mul3A_930 = arith.muli %scan3A_922, %mul3A_929 : i32
    %get3A_931 = arith.index_cast %mul3A_930 : i32 to index
    %get3A_932 = arith.constant 0 : index
    %get3A_933 = vector.load %arg14[%get3A_931, %get3A_932] : memref<4096x512xf32, #tpu.memory_space<vmem>>, vector<128x512xf32>
    %get3A_934 = arith.constant 0 : index
    %get3A_935 = arith.constant 0 : index
    %get3A_936 = vector.load %arg3[%get3A_934, %get3A_935] : memref<128x512xf32, #tpu.memory_space<vmem>>, vector<128x512xf32>
    %dot_general3A_937 = arith.constant dense<0.000000e+00> : vector<128x512xf32>
    %dot_general3A_938 = tpu.matmul %get3A_925, %get3A_936, %dot_general3A_937 {dimension_numbers = #tpu.dot_dimension_numbers<[1], [0], [0], [1], [0, 0, 1, 1], [], []>, transpose_lhs_hint = false} : vector<128x128xf32>, vector<128x512xf32>, vector<128x512xf32> -> vector<128x512xf32>
    %add3A_939 = arith.addf %get3A_933, %dot_general3A_938 : vector<128x512xf32>
    %get3A_940 = arith.constant 0 : index
    %get3A_941 = arith.constant 0 : index
    %get3A_942 = vector.load %arg4[%get3A_940, %get3A_941] : memref<1x512xf32, #tpu.memory_space<vmem>>, vector<1x512xf32>
    %add3A_943 = vector.broadcast %get3A_942 : vector<1x512xf32> to vector<128x512xf32>
    %add3A_944 = arith.addf %add3A_939, %add3A_943 : vector<128x512xf32>
    %slice3A_945 = vector.extract_strided_slice %add3A_944 {offsets = [0, 0], sizes = [128, 128], strides = [1, 1]} : vector<128x512xf32> to vector<128x128xf32>
    %logistic3A_946 = arith.negf %slice3A_945 : vector<128x128xf32>
    %logistic3A_947 = math.exp %logistic3A_946 : vector<128x128xf32>
    %logistic3A_948 = arith.constant 1.000000e+00 : f32
    %logistic3A_949 = vector.broadcast %logistic3A_948 : f32 to vector<128x128xf32>
    %logistic3A_950 = arith.addf %logistic3A_949, %logistic3A_947 : vector<128x128xf32>
    %logistic3A_951 = arith.divf %logistic3A_949, %logistic3A_950 : vector<128x128xf32>
    %slice3A_952 = vector.extract_strided_slice %add3A_944 {offsets = [0, 128], sizes = [128, 128], strides = [1, 1]} : vector<128x512xf32> to vector<128x128xf32>
    %logistic3A_953 = arith.negf %slice3A_952 : vector<128x128xf32>
    %logistic3A_954 = math.exp %logistic3A_953 : vector<128x128xf32>
    %logistic3A_955 = arith.constant 1.000000e+00 : f32
    %logistic3A_956 = vector.broadcast %logistic3A_955 : f32 to vector<128x128xf32>
    %logistic3A_957 = arith.addf %logistic3A_956, %logistic3A_954 : vector<128x128xf32>
    %logistic3A_958 = arith.divf %logistic3A_956, %logistic3A_957 : vector<128x128xf32>
    %slice3A_959 = vector.extract_strided_slice %add3A_944 {offsets = [0, 256], sizes = [128, 128], strides = [1, 1]} : vector<128x512xf32> to vector<128x128xf32>
    %tanh3A_960 = math.tanh %slice3A_959 : vector<128x128xf32>
    %slice3A_961 = vector.extract_strided_slice %add3A_944 {offsets = [0, 384], sizes = [128, 128], strides = [1, 1]} : vector<128x512xf32> to vector<128x128xf32>
    %logistic3A_962 = arith.negf %slice3A_961 : vector<128x128xf32>
    %logistic3A_963 = math.exp %logistic3A_962 : vector<128x128xf32>
    %logistic3A_964 = arith.constant 1.000000e+00 : f32
    %logistic3A_965 = vector.broadcast %logistic3A_964 : f32 to vector<128x128xf32>
    %logistic3A_966 = arith.addf %logistic3A_965, %logistic3A_963 : vector<128x128xf32>
    %logistic3A_967 = arith.divf %logistic3A_965, %logistic3A_966 : vector<128x128xf32>
    %mul3A_968 = arith.mulf %logistic3A_958, %get3A_928 : vector<128x128xf32>
    %mul3A_969 = arith.mulf %logistic3A_951, %tanh3A_960 : vector<128x128xf32>
    %add3A_970 = arith.addf %mul3A_968, %mul3A_969 : vector<128x128xf32>
    %tanh3A_971 = math.tanh %add3A_970 : vector<128x128xf32>
    %mul3A_972 = arith.mulf %logistic3A_967, %tanh3A_971 : vector<128x128xf32>
    %swap3A_973 = arith.constant 0 : index
    %swap3A_974 = arith.constant 0 : index
    %swap3A_975 = vector.load %arg10[%swap3A_973, %swap3A_974] : memref<128x128xf32, #tpu.memory_space<vmem>>, vector<128x128xf32>
    tpu.vector_store %arg10[%swap3A_973, %swap3A_974], %add3A_970 {strides = array<i32>} : memref<128x128xf32, #tpu.memory_space<vmem>>, vector<128x128xf32>,
    %swap3A_976 = arith.constant 0 : index
    %swap3A_977 = arith.constant 0 : index
    %swap3A_978 = vector.load %arg9[%swap3A_976, %swap3A_977] : memref<128x128xf32, #tpu.memory_space<vmem>>, vector<128x128xf32>
    tpu.vector_store %arg9[%swap3A_976, %swap3A_977], %mul3A_972 {strides = array<i32>} : memref<128x128xf32, #tpu.memory_space<vmem>>, vector<128x128xf32>,
    %get3A_979 = arith.constant 0 : index
    %get3A_980 = arith.constant 0 : index
    %get3A_981 = vector.load %arg5[%get3A_979, %get3A_980] : memref<128x1xf32, #tpu.memory_space<vmem>>, vector<128x1xf32>
    %dot_general3A_982 = arith.constant dense<0.000000e+00> : vector<128x1xf32>
    %dot_general3A_983 = tpu.matmul %mul3A_972, %get3A_981, %dot_general3A_982 {dimension_numbers = #tpu.dot_dimension_numbers<[1], [0], [0], [1], [0, 0, 1, 1], [], []>, transpose_lhs_hint = false} : vector<128x128xf32>, vector<128x1xf32>, vector<128x1xf32> -> vector<128x1xf32>
    %get3A_984 = arith.constant 0 : index
    %get3A_985 = arith.constant 0 : index
    %get3A_986 = vector.load %arg11[%get3A_984, %get3A_985] : memref<128x1xf32, #tpu.memory_space<vmem>>, vector<128x1xf32>
    %max3A_987 = arith.maximumf %get3A_986, %dot_general3A_983 : vector<128x1xf32>
    %sub3A_988 = arith.subf %get3A_986, %max3A_987 : vector<128x1xf32>
    %exp3A_989 = math.exp %sub3A_988 : vector<128x1xf32>
    %sub3A_990 = arith.subf %dot_general3A_983, %max3A_987 : vector<128x1xf32>
    %exp3A_991 = math.exp %sub3A_990 : vector<128x1xf32>
    %swap3A_992 = arith.constant 0 : index
    %swap3A_993 = arith.constant 0 : index
    %swap3A_994 = vector.load %arg11[%swap3A_992, %swap3A_993] : memref<128x1xf32, #tpu.memory_space<vmem>>, vector<128x1xf32>
    tpu.vector_store %arg11[%swap3A_992, %swap3A_993], %max3A_987 {strides = array<i32>} : memref<128x1xf32, #tpu.memory_space<vmem>>, vector<128x1xf32>,
    %get3A_995 = arith.constant 0 : index
    %get3A_996 = arith.constant 0 : index
    %get3A_997 = vector.load %arg12[%get3A_995, %get3A_996] : memref<128x1xf32, #tpu.memory_space<vmem>>, vector<128x1xf32>
    %mul3A_998 = arith.mulf %get3A_997, %exp3A_989 : vector<128x1xf32>
    %add3A_999 = arith.addf %mul3A_998, %exp3A_991 : vector<128x1xf32>
    %swap3A_1000 = arith.constant 0 : index
    %swap3A_1001 = arith.constant 0 : index
    %swap3A_1002 = vector.load %arg12[%swap3A_1000, %swap3A_1001] : memref<128x1xf32, #tpu.memory_space<vmem>>, vector<128x1xf32>
    tpu.vector_store %arg12[%swap3A_1000, %swap3A_1001], %add3A_999 {strides = array<i32>} : memref<128x1xf32, #tpu.memory_space<vmem>>, vector<128x1xf32>,
    %get3A_1003 = arith.constant 0 : index
    %get3A_1004 = arith.constant 0 : index
    %get3A_1005 = vector.load %arg13[%get3A_1003, %get3A_1004] : memref<128x128xf32, #tpu.memory_space<vmem>>, vector<128x128xf32>
    %mul3A_1006 = vector.broadcast %exp3A_989 : vector<128x1xf32> to vector<128x128xf32>
    %mul3A_1007 = arith.mulf %get3A_1005, %mul3A_1006 : vector<128x128xf32>
    %mul3A_1008 = vector.broadcast %exp3A_991 : vector<128x1xf32> to vector<128x128xf32>
    %mul3A_1009 = arith.mulf %mul3A_1008, %mul3A_972 : vector<128x128xf32>
    %add3A_1010 = arith.addf %mul3A_1007, %mul3A_1009 : vector<128x128xf32>
    %swap3A_1011 = arith.constant 0 : index
    %swap3A_1012 = arith.constant 0 : index
    %swap3A_1013 = vector.load %arg13[%swap3A_1011, %swap3A_1012] : memref<128x128xf32, #tpu.memory_space<vmem>>, vector<128x128xf32>
    tpu.vector_store %arg13[%swap3A_1011, %swap3A_1012], %add3A_1010 {strides = array<i32>} : memref<128x128xf32, #tpu.memory_space<vmem>>, vector<128x128xf32>,
    %scan3A_1014 = arith.constant 11 : i32
    %get3A_1015 = arith.constant 0 : index
    %get3A_1016 = arith.constant 0 : index
    %get3A_1017 = vector.load %arg9[%get3A_1015, %get3A_1016] : memref<128x128xf32, #tpu.memory_space<vmem>>, vector<128x128xf32>
    %get3A_1018 = arith.constant 0 : index
    %get3A_1019 = arith.constant 0 : index
    %get3A_1020 = vector.load %arg10[%get3A_1018, %get3A_1019] : memref<128x128xf32, #tpu.memory_space<vmem>>, vector<128x128xf32>
    %mul3A_1021 = arith.constant 128 : i32
    %mul3A_1022 = arith.muli %scan3A_1014, %mul3A_1021 : i32
    %get3A_1023 = arith.index_cast %mul3A_1022 : i32 to index
    %get3A_1024 = arith.constant 0 : index
    %get3A_1025 = vector.load %arg14[%get3A_1023, %get3A_1024] : memref<4096x512xf32, #tpu.memory_space<vmem>>, vector<128x512xf32>
    %get3A_1026 = arith.constant 0 : index
    %get3A_1027 = arith.constant 0 : index
    %get3A_1028 = vector.load %arg3[%get3A_1026, %get3A_1027] : memref<128x512xf32, #tpu.memory_space<vmem>>, vector<128x512xf32>
    %dot_general3A_1029 = arith.constant dense<0.000000e+00> : vector<128x512xf32>
    %dot_general3A_1030 = tpu.matmul %get3A_1017, %get3A_1028, %dot_general3A_1029 {dimension_numbers = #tpu.dot_dimension_numbers<[1], [0], [0], [1], [0, 0, 1, 1], [], []>, transpose_lhs_hint = false} : vector<128x128xf32>, vector<128x512xf32>, vector<128x512xf32> -> vector<128x512xf32>
    %add3A_1031 = arith.addf %get3A_1025, %dot_general3A_1030 : vector<128x512xf32>
    %get3A_1032 = arith.constant 0 : index
    %get3A_1033 = arith.constant 0 : index
    %get3A_1034 = vector.load %arg4[%get3A_1032, %get3A_1033] : memref<1x512xf32, #tpu.memory_space<vmem>>, vector<1x512xf32>
    %add3A_1035 = vector.broadcast %get3A_1034 : vector<1x512xf32> to vector<128x512xf32>
    %add3A_1036 = arith.addf %add3A_1031, %add3A_1035 : vector<128x512xf32>
    %slice3A_1037 = vector.extract_strided_slice %add3A_1036 {offsets = [0, 0], sizes = [128, 128], strides = [1, 1]} : vector<128x512xf32> to vector<128x128xf32>
    %logistic3A_1038 = arith.negf %slice3A_1037 : vector<128x128xf32>
    %logistic3A_1039 = math.exp %logistic3A_1038 : vector<128x128xf32>
    %logistic3A_1040 = arith.constant 1.000000e+00 : f32
    %logistic3A_1041 = vector.broadcast %logistic3A_1040 : f32 to vector<128x128xf32>
    %logistic3A_1042 = arith.addf %logistic3A_1041, %logistic3A_1039 : vector<128x128xf32>
    %logistic3A_1043 = arith.divf %logistic3A_1041, %logistic3A_1042 : vector<128x128xf32>
    %slice3A_1044 = vector.extract_strided_slice %add3A_1036 {offsets = [0, 128], sizes = [128, 128], strides = [1, 1]} : vector<128x512xf32> to vector<128x128xf32>
    %logistic3A_1045 = arith.negf %slice3A_1044 : vector<128x128xf32>
    %logistic3A_1046 = math.exp %logistic3A_1045 : vector<128x128xf32>
    %logistic3A_1047 = arith.constant 1.000000e+00 : f32
    %logistic3A_1048 = vector.broadcast %logistic3A_1047 : f32 to vector<128x128xf32>
    %logistic3A_1049 = arith.addf %logistic3A_1048, %logistic3A_1046 : vector<128x128xf32>
    %logistic3A_1050 = arith.divf %logistic3A_1048, %logistic3A_1049 : vector<128x128xf32>
    %slice3A_1051 = vector.extract_strided_slice %add3A_1036 {offsets = [0, 256], sizes = [128, 128], strides = [1, 1]} : vector<128x512xf32> to vector<128x128xf32>
    %tanh3A_1052 = math.tanh %slice3A_1051 : vector<128x128xf32>
    %slice3A_1053 = vector.extract_strided_slice %add3A_1036 {offsets = [0, 384], sizes = [128, 128], strides = [1, 1]} : vector<128x512xf32> to vector<128x128xf32>
    %logistic3A_1054 = arith.negf %slice3A_1053 : vector<128x128xf32>
    %logistic3A_1055 = math.exp %logistic3A_1054 : vector<128x128xf32>
    %logistic3A_1056 = arith.constant 1.000000e+00 : f32
    %logistic3A_1057 = vector.broadcast %logistic3A_1056 : f32 to vector<128x128xf32>
    %logistic3A_1058 = arith.addf %logistic3A_1057, %logistic3A_1055 : vector<128x128xf32>
    %logistic3A_1059 = arith.divf %logistic3A_1057, %logistic3A_1058 : vector<128x128xf32>
    %mul3A_1060 = arith.mulf %logistic3A_1050, %get3A_1020 : vector<128x128xf32>
    %mul3A_1061 = arith.mulf %logistic3A_1043, %tanh3A_1052 : vector<128x128xf32>
    %add3A_1062 = arith.addf %mul3A_1060, %mul3A_1061 : vector<128x128xf32>
    %tanh3A_1063 = math.tanh %add3A_1062 : vector<128x128xf32>
    %mul3A_1064 = arith.mulf %logistic3A_1059, %tanh3A_1063 : vector<128x128xf32>
    %swap3A_1065 = arith.constant 0 : index
    %swap3A_1066 = arith.constant 0 : index
    %swap3A_1067 = vector.load %arg10[%swap3A_1065, %swap3A_1066] : memref<128x128xf32, #tpu.memory_space<vmem>>, vector<128x128xf32>
    tpu.vector_store %arg10[%swap3A_1065, %swap3A_1066], %add3A_1062 {strides = array<i32>} : memref<128x128xf32, #tpu.memory_space<vmem>>, vector<128x128xf32>,
    %swap3A_1068 = arith.constant 0 : index
    %swap3A_1069 = arith.constant 0 : index
    %swap3A_1070 = vector.load %arg9[%swap3A_1068, %swap3A_1069] : memref<128x128xf32, #tpu.memory_space<vmem>>, vector<128x128xf32>
    tpu.vector_store %arg9[%swap3A_1068, %swap3A_1069], %mul3A_1064 {strides = array<i32>} : memref<128x128xf32, #tpu.memory_space<vmem>>, vector<128x128xf32>,
    %get3A_1071 = arith.constant 0 : index
    %get3A_1072 = arith.constant 0 : index
    %get3A_1073 = vector.load %arg5[%get3A_1071, %get3A_1072] : memref<128x1xf32, #tpu.memory_space<vmem>>, vector<128x1xf32>
    %dot_general3A_1074 = arith.constant dense<0.000000e+00> : vector<128x1xf32>
    %dot_general3A_1075 = tpu.matmul %mul3A_1064, %get3A_1073, %dot_general3A_1074 {dimension_numbers = #tpu.dot_dimension_numbers<[1], [0], [0], [1], [0, 0, 1, 1], [], []>, transpose_lhs_hint = false} : vector<128x128xf32>, vector<128x1xf32>, vector<128x1xf32> -> vector<128x1xf32>
    %get3A_1076 = arith.constant 0 : index
    %get3A_1077 = arith.constant 0 : index
    %get3A_1078 = vector.load %arg11[%get3A_1076, %get3A_1077] : memref<128x1xf32, #tpu.memory_space<vmem>>, vector<128x1xf32>
    %max3A_1079 = arith.maximumf %get3A_1078, %dot_general3A_1075 : vector<128x1xf32>
    %sub3A_1080 = arith.subf %get3A_1078, %max3A_1079 : vector<128x1xf32>
    %exp3A_1081 = math.exp %sub3A_1080 : vector<128x1xf32>
    %sub3A_1082 = arith.subf %dot_general3A_1075, %max3A_1079 : vector<128x1xf32>
    %exp3A_1083 = math.exp %sub3A_1082 : vector<128x1xf32>
    %swap3A_1084 = arith.constant 0 : index
    %swap3A_1085 = arith.constant 0 : index
    %swap3A_1086 = vector.load %arg11[%swap3A_1084, %swap3A_1085] : memref<128x1xf32, #tpu.memory_space<vmem>>, vector<128x1xf32>
    tpu.vector_store %arg11[%swap3A_1084, %swap3A_1085], %max3A_1079 {strides = array<i32>} : memref<128x1xf32, #tpu.memory_space<vmem>>, vector<128x1xf32>,
    %get3A_1087 = arith.constant 0 : index
    %get3A_1088 = arith.constant 0 : index
    %get3A_1089 = vector.load %arg12[%get3A_1087, %get3A_1088] : memref<128x1xf32, #tpu.memory_space<vmem>>, vector<128x1xf32>
    %mul3A_1090 = arith.mulf %get3A_1089, %exp3A_1081 : vector<128x1xf32>
    %add3A_1091 = arith.addf %mul3A_1090, %exp3A_1083 : vector<128x1xf32>
    %swap3A_1092 = arith.constant 0 : index
    %swap3A_1093 = arith.constant 0 : index
    %swap3A_1094 = vector.load %arg12[%swap3A_1092, %swap3A_1093] : memref<128x1xf32, #tpu.memory_space<vmem>>, vector<128x1xf32>
    tpu.vector_store %arg12[%swap3A_1092, %swap3A_1093], %add3A_1091 {strides = array<i32>} : memref<128x1xf32, #tpu.memory_space<vmem>>, vector<128x1xf32>,
    %get3A_1095 = arith.constant 0 : index
    %get3A_1096 = arith.constant 0 : index
    %get3A_1097 = vector.load %arg13[%get3A_1095, %get3A_1096] : memref<128x128xf32, #tpu.memory_space<vmem>>, vector<128x128xf32>
    %mul3A_1098 = vector.broadcast %exp3A_1081 : vector<128x1xf32> to vector<128x128xf32>
    %mul3A_1099 = arith.mulf %get3A_1097, %mul3A_1098 : vector<128x128xf32>
    %mul3A_1100 = vector.broadcast %exp3A_1083 : vector<128x1xf32> to vector<128x128xf32>
    %mul3A_1101 = arith.mulf %mul3A_1100, %mul3A_1064 : vector<128x128xf32>
    %add3A_1102 = arith.addf %mul3A_1099, %mul3A_1101 : vector<128x128xf32>
    %swap3A_1103 = arith.constant 0 : index
    %swap3A_1104 = arith.constant 0 : index
    %swap3A_1105 = vector.load %arg13[%swap3A_1103, %swap3A_1104] : memref<128x128xf32, #tpu.memory_space<vmem>>, vector<128x128xf32>
    tpu.vector_store %arg13[%swap3A_1103, %swap3A_1104], %add3A_1102 {strides = array<i32>} : memref<128x128xf32, #tpu.memory_space<vmem>>, vector<128x128xf32>,
    %scan3A_1106 = arith.constant 12 : i32
    %get3A_1107 = arith.constant 0 : index
    %get3A_1108 = arith.constant 0 : index
    %get3A_1109 = vector.load %arg9[%get3A_1107, %get3A_1108] : memref<128x128xf32, #tpu.memory_space<vmem>>, vector<128x128xf32>
    %get3A_1110 = arith.constant 0 : index
    %get3A_1111 = arith.constant 0 : index
    %get3A_1112 = vector.load %arg10[%get3A_1110, %get3A_1111] : memref<128x128xf32, #tpu.memory_space<vmem>>, vector<128x128xf32>
    %mul3A_1113 = arith.constant 128 : i32
    %mul3A_1114 = arith.muli %scan3A_1106, %mul3A_1113 : i32
    %get3A_1115 = arith.index_cast %mul3A_1114 : i32 to index
    %get3A_1116 = arith.constant 0 : index
    %get3A_1117 = vector.load %arg14[%get3A_1115, %get3A_1116] : memref<4096x512xf32, #tpu.memory_space<vmem>>, vector<128x512xf32>
    %get3A_1118 = arith.constant 0 : index
    %get3A_1119 = arith.constant 0 : index
    %get3A_1120 = vector.load %arg3[%get3A_1118, %get3A_1119] : memref<128x512xf32, #tpu.memory_space<vmem>>, vector<128x512xf32>
    %dot_general3A_1121 = arith.constant dense<0.000000e+00> : vector<128x512xf32>
    %dot_general3A_1122 = tpu.matmul %get3A_1109, %get3A_1120, %dot_general3A_1121 {dimension_numbers = #tpu.dot_dimension_numbers<[1], [0], [0], [1], [0, 0, 1, 1], [], []>, transpose_lhs_hint = false} : vector<128x128xf32>, vector<128x512xf32>, vector<128x512xf32> -> vector<128x512xf32>
    %add3A_1123 = arith.addf %get3A_1117, %dot_general3A_1122 : vector<128x512xf32>
    %get3A_1124 = arith.constant 0 : index
    %get3A_1125 = arith.constant 0 : index
    %get3A_1126 = vector.load %arg4[%get3A_1124, %get3A_1125] : memref<1x512xf32, #tpu.memory_space<vmem>>, vector<1x512xf32>
    %add3A_1127 = vector.broadcast %get3A_1126 : vector<1x512xf32> to vector<128x512xf32>
    %add3A_1128 = arith.addf %add3A_1123, %add3A_1127 : vector<128x512xf32>
    %slice3A_1129 = vector.extract_strided_slice %add3A_1128 {offsets = [0, 0], sizes = [128, 128], strides = [1, 1]} : vector<128x512xf32> to vector<128x128xf32>
    %logistic3A_1130 = arith.negf %slice3A_1129 : vector<128x128xf32>
    %logistic3A_1131 = math.exp %logistic3A_1130 : vector<128x128xf32>
    %logistic3A_1132 = arith.constant 1.000000e+00 : f32
    %logistic3A_1133 = vector.broadcast %logistic3A_1132 : f32 to vector<128x128xf32>
    %logistic3A_1134 = arith.addf %logistic3A_1133, %logistic3A_1131 : vector<128x128xf32>
    %logistic3A_1135 = arith.divf %logistic3A_1133, %logistic3A_1134 : vector<128x128xf32>
    %slice3A_1136 = vector.extract_strided_slice %add3A_1128 {offsets = [0, 128], sizes = [128, 128], strides = [1, 1]} : vector<128x512xf32> to vector<128x128xf32>
    %logistic3A_1137 = arith.negf %slice3A_1136 : vector<128x128xf32>
    %logistic3A_1138 = math.exp %logistic3A_1137 : vector<128x128xf32>
    %logistic3A_1139 = arith.constant 1.000000e+00 : f32
    %logistic3A_1140 = vector.broadcast %logistic3A_1139 : f32 to vector<128x128xf32>
    %logistic3A_1141 = arith.addf %logistic3A_1140, %logistic3A_1138 : vector<128x128xf32>
    %logistic3A_1142 = arith.divf %logistic3A_1140, %logistic3A_1141 : vector<128x128xf32>
    %slice3A_1143 = vector.extract_strided_slice %add3A_1128 {offsets = [0, 256], sizes = [128, 128], strides = [1, 1]} : vector<128x512xf32> to vector<128x128xf32>
    %tanh3A_1144 = math.tanh %slice3A_1143 : vector<128x128xf32>
    %slice3A_1145 = vector.extract_strided_slice %add3A_1128 {offsets = [0, 384], sizes = [128, 128], strides = [1, 1]} : vector<128x512xf32> to vector<128x128xf32>
    %logistic3A_1146 = arith.negf %slice3A_1145 : vector<128x128xf32>
    %logistic3A_1147 = math.exp %logistic3A_1146 : vector<128x128xf32>
    %logistic3A_1148 = arith.constant 1.000000e+00 : f32
    %logistic3A_1149 = vector.broadcast %logistic3A_1148 : f32 to vector<128x128xf32>
    %logistic3A_1150 = arith.addf %logistic3A_1149, %logistic3A_1147 : vector<128x128xf32>
    %logistic3A_1151 = arith.divf %logistic3A_1149, %logistic3A_1150 : vector<128x128xf32>
    %mul3A_1152 = arith.mulf %logistic3A_1142, %get3A_1112 : vector<128x128xf32>
    %mul3A_1153 = arith.mulf %logistic3A_1135, %tanh3A_1144 : vector<128x128xf32>
    %add3A_1154 = arith.addf %mul3A_1152, %mul3A_1153 : vector<128x128xf32>
    %tanh3A_1155 = math.tanh %add3A_1154 : vector<128x128xf32>
    %mul3A_1156 = arith.mulf %logistic3A_1151, %tanh3A_1155 : vector<128x128xf32>
    %swap3A_1157 = arith.constant 0 : index
    %swap3A_1158 = arith.constant 0 : index
    %swap3A_1159 = vector.load %arg10[%swap3A_1157, %swap3A_1158] : memref<128x128xf32, #tpu.memory_space<vmem>>, vector<128x128xf32>
    tpu.vector_store %arg10[%swap3A_1157, %swap3A_1158], %add3A_1154 {strides = array<i32>} : memref<128x128xf32, #tpu.memory_space<vmem>>, vector<128x128xf32>,
    %swap3A_1160 = arith.constant 0 : index
    %swap3A_1161 = arith.constant 0 : index
    %swap3A_1162 = vector.load %arg9[%swap3A_1160, %swap3A_1161] : memref<128x128xf32, #tpu.memory_space<vmem>>, vector<128x128xf32>
    tpu.vector_store %arg9[%swap3A_1160, %swap3A_1161], %mul3A_1156 {strides = array<i32>} : memref<128x128xf32, #tpu.memory_space<vmem>>, vector<128x128xf32>,
    %get3A_1163 = arith.constant 0 : index
    %get3A_1164 = arith.constant 0 : index
    %get3A_1165 = vector.load %arg5[%get3A_1163, %get3A_1164] : memref<128x1xf32, #tpu.memory_space<vmem>>, vector<128x1xf32>
    %dot_general3A_1166 = arith.constant dense<0.000000e+00> : vector<128x1xf32>
    %dot_general3A_1167 = tpu.matmul %mul3A_1156, %get3A_1165, %dot_general3A_1166 {dimension_numbers = #tpu.dot_dimension_numbers<[1], [0], [0], [1], [0, 0, 1, 1], [], []>, transpose_lhs_hint = false} : vector<128x128xf32>, vector<128x1xf32>, vector<128x1xf32> -> vector<128x1xf32>
    %get3A_1168 = arith.constant 0 : index
    %get3A_1169 = arith.constant 0 : index
    %get3A_1170 = vector.load %arg11[%get3A_1168, %get3A_1169] : memref<128x1xf32, #tpu.memory_space<vmem>>, vector<128x1xf32>
    %max3A_1171 = arith.maximumf %get3A_1170, %dot_general3A_1167 : vector<128x1xf32>
    %sub3A_1172 = arith.subf %get3A_1170, %max3A_1171 : vector<128x1xf32>
    %exp3A_1173 = math.exp %sub3A_1172 : vector<128x1xf32>
    %sub3A_1174 = arith.subf %dot_general3A_1167, %max3A_1171 : vector<128x1xf32>
    %exp3A_1175 = math.exp %sub3A_1174 : vector<128x1xf32>
    %swap3A_1176 = arith.constant 0 : index
    %swap3A_1177 = arith.constant 0 : index
    %swap3A_1178 = vector.load %arg11[%swap3A_1176, %swap3A_1177] : memref<128x1xf32, #tpu.memory_space<vmem>>, vector<128x1xf32>
    tpu.vector_store %arg11[%swap3A_1176, %swap3A_1177], %max3A_1171 {strides = array<i32>} : memref<128x1xf32, #tpu.memory_space<vmem>>, vector<128x1xf32>,
    %get3A_1179 = arith.constant 0 : index
    %get3A_1180 = arith.constant 0 : index
    %get3A_1181 = vector.load %arg12[%get3A_1179, %get3A_1180] : memref<128x1xf32, #tpu.memory_space<vmem>>, vector<128x1xf32>
    %mul3A_1182 = arith.mulf %get3A_1181, %exp3A_1173 : vector<128x1xf32>
    %add3A_1183 = arith.addf %mul3A_1182, %exp3A_1175 : vector<128x1xf32>
    %swap3A_1184 = arith.constant 0 : index
    %swap3A_1185 = arith.constant 0 : index
    %swap3A_1186 = vector.load %arg12[%swap3A_1184, %swap3A_1185] : memref<128x1xf32, #tpu.memory_space<vmem>>, vector<128x1xf32>
    tpu.vector_store %arg12[%swap3A_1184, %swap3A_1185], %add3A_1183 {strides = array<i32>} : memref<128x1xf32, #tpu.memory_space<vmem>>, vector<128x1xf32>,
    %get3A_1187 = arith.constant 0 : index
    %get3A_1188 = arith.constant 0 : index
    %get3A_1189 = vector.load %arg13[%get3A_1187, %get3A_1188] : memref<128x128xf32, #tpu.memory_space<vmem>>, vector<128x128xf32>
    %mul3A_1190 = vector.broadcast %exp3A_1173 : vector<128x1xf32> to vector<128x128xf32>
    %mul3A_1191 = arith.mulf %get3A_1189, %mul3A_1190 : vector<128x128xf32>
    %mul3A_1192 = vector.broadcast %exp3A_1175 : vector<128x1xf32> to vector<128x128xf32>
    %mul3A_1193 = arith.mulf %mul3A_1192, %mul3A_1156 : vector<128x128xf32>
    %add3A_1194 = arith.addf %mul3A_1191, %mul3A_1193 : vector<128x128xf32>
    %swap3A_1195 = arith.constant 0 : index
    %swap3A_1196 = arith.constant 0 : index
    %swap3A_1197 = vector.load %arg13[%swap3A_1195, %swap3A_1196] : memref<128x128xf32, #tpu.memory_space<vmem>>, vector<128x128xf32>
    tpu.vector_store %arg13[%swap3A_1195, %swap3A_1196], %add3A_1194 {strides = array<i32>} : memref<128x128xf32, #tpu.memory_space<vmem>>, vector<128x128xf32>,
    %scan3A_1198 = arith.constant 13 : i32
    %get3A_1199 = arith.constant 0 : index
    %get3A_1200 = arith.constant 0 : index
    %get3A_1201 = vector.load %arg9[%get3A_1199, %get3A_1200] : memref<128x128xf32, #tpu.memory_space<vmem>>, vector<128x128xf32>
    %get3A_1202 = arith.constant 0 : index
    %get3A_1203 = arith.constant 0 : index
    %get3A_1204 = vector.load %arg10[%get3A_1202, %get3A_1203] : memref<128x128xf32, #tpu.memory_space<vmem>>, vector<128x128xf32>
    %mul3A_1205 = arith.constant 128 : i32
    %mul3A_1206 = arith.muli %scan3A_1198, %mul3A_1205 : i32
    %get3A_1207 = arith.index_cast %mul3A_1206 : i32 to index
    %get3A_1208 = arith.constant 0 : index
    %get3A_1209 = vector.load %arg14[%get3A_1207, %get3A_1208] : memref<4096x512xf32, #tpu.memory_space<vmem>>, vector<128x512xf32>
    %get3A_1210 = arith.constant 0 : index
    %get3A_1211 = arith.constant 0 : index
    %get3A_1212 = vector.load %arg3[%get3A_1210, %get3A_1211] : memref<128x512xf32, #tpu.memory_space<vmem>>, vector<128x512xf32>
    %dot_general3A_1213 = arith.constant dense<0.000000e+00> : vector<128x512xf32>
    %dot_general3A_1214 = tpu.matmul %get3A_1201, %get3A_1212, %dot_general3A_1213 {dimension_numbers = #tpu.dot_dimension_numbers<[1], [0], [0], [1], [0, 0, 1, 1], [], []>, transpose_lhs_hint = false} : vector<128x128xf32>, vector<128x512xf32>, vector<128x512xf32> -> vector<128x512xf32>
    %add3A_1215 = arith.addf %get3A_1209, %dot_general3A_1214 : vector<128x512xf32>
    %get3A_1216 = arith.constant 0 : index
    %get3A_1217 = arith.constant 0 : index
    %get3A_1218 = vector.load %arg4[%get3A_1216, %get3A_1217] : memref<1x512xf32, #tpu.memory_space<vmem>>, vector<1x512xf32>
    %add3A_1219 = vector.broadcast %get3A_1218 : vector<1x512xf32> to vector<128x512xf32>
    %add3A_1220 = arith.addf %add3A_1215, %add3A_1219 : vector<128x512xf32>
    %slice3A_1221 = vector.extract_strided_slice %add3A_1220 {offsets = [0, 0], sizes = [128, 128], strides = [1, 1]} : vector<128x512xf32> to vector<128x128xf32>
    %logistic3A_1222 = arith.negf %slice3A_1221 : vector<128x128xf32>
    %logistic3A_1223 = math.exp %logistic3A_1222 : vector<128x128xf32>
    %logistic3A_1224 = arith.constant 1.000000e+00 : f32
    %logistic3A_1225 = vector.broadcast %logistic3A_1224 : f32 to vector<128x128xf32>
    %logistic3A_1226 = arith.addf %logistic3A_1225, %logistic3A_1223 : vector<128x128xf32>
    %logistic3A_1227 = arith.divf %logistic3A_1225, %logistic3A_1226 : vector<128x128xf32>
    %slice3A_1228 = vector.extract_strided_slice %add3A_1220 {offsets = [0, 128], sizes = [128, 128], strides = [1, 1]} : vector<128x512xf32> to vector<128x128xf32>
    %logistic3A_1229 = arith.negf %slice3A_1228 : vector<128x128xf32>
    %logistic3A_1230 = math.exp %logistic3A_1229 : vector<128x128xf32>
    %logistic3A_1231 = arith.constant 1.000000e+00 : f32
    %logistic3A_1232 = vector.broadcast %logistic3A_1231 : f32 to vector<128x128xf32>
    %logistic3A_1233 = arith.addf %logistic3A_1232, %logistic3A_1230 : vector<128x128xf32>
    %logistic3A_1234 = arith.divf %logistic3A_1232, %logistic3A_1233 : vector<128x128xf32>
    %slice3A_1235 = vector.extract_strided_slice %add3A_1220 {offsets = [0, 256], sizes = [128, 128], strides = [1, 1]} : vector<128x512xf32> to vector<128x128xf32>
    %tanh3A_1236 = math.tanh %slice3A_1235 : vector<128x128xf32>
    %slice3A_1237 = vector.extract_strided_slice %add3A_1220 {offsets = [0, 384], sizes = [128, 128], strides = [1, 1]} : vector<128x512xf32> to vector<128x128xf32>
    %logistic3A_1238 = arith.negf %slice3A_1237 : vector<128x128xf32>
    %logistic3A_1239 = math.exp %logistic3A_1238 : vector<128x128xf32>
    %logistic3A_1240 = arith.constant 1.000000e+00 : f32
    %logistic3A_1241 = vector.broadcast %logistic3A_1240 : f32 to vector<128x128xf32>
    %logistic3A_1242 = arith.addf %logistic3A_1241, %logistic3A_1239 : vector<128x128xf32>
    %logistic3A_1243 = arith.divf %logistic3A_1241, %logistic3A_1242 : vector<128x128xf32>
    %mul3A_1244 = arith.mulf %logistic3A_1234, %get3A_1204 : vector<128x128xf32>
    %mul3A_1245 = arith.mulf %logistic3A_1227, %tanh3A_1236 : vector<128x128xf32>
    %add3A_1246 = arith.addf %mul3A_1244, %mul3A_1245 : vector<128x128xf32>
    %tanh3A_1247 = math.tanh %add3A_1246 : vector<128x128xf32>
    %mul3A_1248 = arith.mulf %logistic3A_1243, %tanh3A_1247 : vector<128x128xf32>
    %swap3A_1249 = arith.constant 0 : index
    %swap3A_1250 = arith.constant 0 : index
    %swap3A_1251 = vector.load %arg10[%swap3A_1249, %swap3A_1250] : memref<128x128xf32, #tpu.memory_space<vmem>>, vector<128x128xf32>
    tpu.vector_store %arg10[%swap3A_1249, %swap3A_1250], %add3A_1246 {strides = array<i32>} : memref<128x128xf32, #tpu.memory_space<vmem>>, vector<128x128xf32>,
    %swap3A_1252 = arith.constant 0 : index
    %swap3A_1253 = arith.constant 0 : index
    %swap3A_1254 = vector.load %arg9[%swap3A_1252, %swap3A_1253] : memref<128x128xf32, #tpu.memory_space<vmem>>, vector<128x128xf32>
    tpu.vector_store %arg9[%swap3A_1252, %swap3A_1253], %mul3A_1248 {strides = array<i32>} : memref<128x128xf32, #tpu.memory_space<vmem>>, vector<128x128xf32>,
    %get3A_1255 = arith.constant 0 : index
    %get3A_1256 = arith.constant 0 : index
    %get3A_1257 = vector.load %arg5[%get3A_1255, %get3A_1256] : memref<128x1xf32, #tpu.memory_space<vmem>>, vector<128x1xf32>
    %dot_general3A_1258 = arith.constant dense<0.000000e+00> : vector<128x1xf32>
    %dot_general3A_1259 = tpu.matmul %mul3A_1248, %get3A_1257, %dot_general3A_1258 {dimension_numbers = #tpu.dot_dimension_numbers<[1], [0], [0], [1], [0, 0, 1, 1], [], []>, transpose_lhs_hint = false} : vector<128x128xf32>, vector<128x1xf32>, vector<128x1xf32> -> vector<128x1xf32>
    %get3A_1260 = arith.constant 0 : index
    %get3A_1261 = arith.constant 0 : index
    %get3A_1262 = vector.load %arg11[%get3A_1260, %get3A_1261] : memref<128x1xf32, #tpu.memory_space<vmem>>, vector<128x1xf32>
    %max3A_1263 = arith.maximumf %get3A_1262, %dot_general3A_1259 : vector<128x1xf32>
    %sub3A_1264 = arith.subf %get3A_1262, %max3A_1263 : vector<128x1xf32>
    %exp3A_1265 = math.exp %sub3A_1264 : vector<128x1xf32>
    %sub3A_1266 = arith.subf %dot_general3A_1259, %max3A_1263 : vector<128x1xf32>
    %exp3A_1267 = math.exp %sub3A_1266 : vector<128x1xf32>
    %swap3A_1268 = arith.constant 0 : index
    %swap3A_1269 = arith.constant 0 : index
    %swap3A_1270 = vector.load %arg11[%swap3A_1268, %swap3A_1269] : memref<128x1xf32, #tpu.memory_space<vmem>>, vector<128x1xf32>
    tpu.vector_store %arg11[%swap3A_1268, %swap3A_1269], %max3A_1263 {strides = array<i32>} : memref<128x1xf32, #tpu.memory_space<vmem>>, vector<128x1xf32>,
    %get3A_1271 = arith.constant 0 : index
    %get3A_1272 = arith.constant 0 : index
    %get3A_1273 = vector.load %arg12[%get3A_1271, %get3A_1272] : memref<128x1xf32, #tpu.memory_space<vmem>>, vector<128x1xf32>
    %mul3A_1274 = arith.mulf %get3A_1273, %exp3A_1265 : vector<128x1xf32>
    %add3A_1275 = arith.addf %mul3A_1274, %exp3A_1267 : vector<128x1xf32>
    %swap3A_1276 = arith.constant 0 : index
    %swap3A_1277 = arith.constant 0 : index
    %swap3A_1278 = vector.load %arg12[%swap3A_1276, %swap3A_1277] : memref<128x1xf32, #tpu.memory_space<vmem>>, vector<128x1xf32>
    tpu.vector_store %arg12[%swap3A_1276, %swap3A_1277], %add3A_1275 {strides = array<i32>} : memref<128x1xf32, #tpu.memory_space<vmem>>, vector<128x1xf32>,
    %get3A_1279 = arith.constant 0 : index
    %get3A_1280 = arith.constant 0 : index
    %get3A_1281 = vector.load %arg13[%get3A_1279, %get3A_1280] : memref<128x128xf32, #tpu.memory_space<vmem>>, vector<128x128xf32>
    %mul3A_1282 = vector.broadcast %exp3A_1265 : vector<128x1xf32> to vector<128x128xf32>
    %mul3A_1283 = arith.mulf %get3A_1281, %mul3A_1282 : vector<128x128xf32>
    %mul3A_1284 = vector.broadcast %exp3A_1267 : vector<128x1xf32> to vector<128x128xf32>
    %mul3A_1285 = arith.mulf %mul3A_1284, %mul3A_1248 : vector<128x128xf32>
    %add3A_1286 = arith.addf %mul3A_1283, %mul3A_1285 : vector<128x128xf32>
    %swap3A_1287 = arith.constant 0 : index
    %swap3A_1288 = arith.constant 0 : index
    %swap3A_1289 = vector.load %arg13[%swap3A_1287, %swap3A_1288] : memref<128x128xf32, #tpu.memory_space<vmem>>, vector<128x128xf32>
    tpu.vector_store %arg13[%swap3A_1287, %swap3A_1288], %add3A_1286 {strides = array<i32>} : memref<128x128xf32, #tpu.memory_space<vmem>>, vector<128x128xf32>,
    %scan3A_1290 = arith.constant 14 : i32
    %get3A_1291 = arith.constant 0 : index
    %get3A_1292 = arith.constant 0 : index
    %get3A_1293 = vector.load %arg9[%get3A_1291, %get3A_1292] : memref<128x128xf32, #tpu.memory_space<vmem>>, vector<128x128xf32>
    %get3A_1294 = arith.constant 0 : index
    %get3A_1295 = arith.constant 0 : index
    %get3A_1296 = vector.load %arg10[%get3A_1294, %get3A_1295] : memref<128x128xf32, #tpu.memory_space<vmem>>, vector<128x128xf32>
    %mul3A_1297 = arith.constant 128 : i32
    %mul3A_1298 = arith.muli %scan3A_1290, %mul3A_1297 : i32
    %get3A_1299 = arith.index_cast %mul3A_1298 : i32 to index
    %get3A_1300 = arith.constant 0 : index
    %get3A_1301 = vector.load %arg14[%get3A_1299, %get3A_1300] : memref<4096x512xf32, #tpu.memory_space<vmem>>, vector<128x512xf32>
    %get3A_1302 = arith.constant 0 : index
    %get3A_1303 = arith.constant 0 : index
    %get3A_1304 = vector.load %arg3[%get3A_1302, %get3A_1303] : memref<128x512xf32, #tpu.memory_space<vmem>>, vector<128x512xf32>
    %dot_general3A_1305 = arith.constant dense<0.000000e+00> : vector<128x512xf32>
    %dot_general3A_1306 = tpu.matmul %get3A_1293, %get3A_1304, %dot_general3A_1305 {dimension_numbers = #tpu.dot_dimension_numbers<[1], [0], [0], [1], [0, 0, 1, 1], [], []>, transpose_lhs_hint = false} : vector<128x128xf32>, vector<128x512xf32>, vector<128x512xf32> -> vector<128x512xf32>
    %add3A_1307 = arith.addf %get3A_1301, %dot_general3A_1306 : vector<128x512xf32>
    %get3A_1308 = arith.constant 0 : index
    %get3A_1309 = arith.constant 0 : index
    %get3A_1310 = vector.load %arg4[%get3A_1308, %get3A_1309] : memref<1x512xf32, #tpu.memory_space<vmem>>, vector<1x512xf32>
    %add3A_1311 = vector.broadcast %get3A_1310 : vector<1x512xf32> to vector<128x512xf32>
    %add3A_1312 = arith.addf %add3A_1307, %add3A_1311 : vector<128x512xf32>
    %slice3A_1313 = vector.extract_strided_slice %add3A_1312 {offsets = [0, 0], sizes = [128, 128], strides = [1, 1]} : vector<128x512xf32> to vector<128x128xf32>
    %logistic3A_1314 = arith.negf %slice3A_1313 : vector<128x128xf32>
    %logistic3A_1315 = math.exp %logistic3A_1314 : vector<128x128xf32>
    %logistic3A_1316 = arith.constant 1.000000e+00 : f32
    %logistic3A_1317 = vector.broadcast %logistic3A_1316 : f32 to vector<128x128xf32>
    %logistic3A_1318 = arith.addf %logistic3A_1317, %logistic3A_1315 : vector<128x128xf32>
    %logistic3A_1319 = arith.divf %logistic3A_1317, %logistic3A_1318 : vector<128x128xf32>
    %slice3A_1320 = vector.extract_strided_slice %add3A_1312 {offsets = [0, 128], sizes = [128, 128], strides = [1, 1]} : vector<128x512xf32> to vector<128x128xf32>
    %logistic3A_1321 = arith.negf %slice3A_1320 : vector<128x128xf32>
    %logistic3A_1322 = math.exp %logistic3A_1321 : vector<128x128xf32>
    %logistic3A_1323 = arith.constant 1.000000e+00 : f32
    %logistic3A_1324 = vector.broadcast %logistic3A_1323 : f32 to vector<128x128xf32>
    %logistic3A_1325 = arith.addf %logistic3A_1324, %logistic3A_1322 : vector<128x128xf32>
    %logistic3A_1326 = arith.divf %logistic3A_1324, %logistic3A_1325 : vector<128x128xf32>
    %slice3A_1327 = vector.extract_strided_slice %add3A_1312 {offsets = [0, 256], sizes = [128, 128], strides = [1, 1]} : vector<128x512xf32> to vector<128x128xf32>
    %tanh3A_1328 = math.tanh %slice3A_1327 : vector<128x128xf32>
    %slice3A_1329 = vector.extract_strided_slice %add3A_1312 {offsets = [0, 384], sizes = [128, 128], strides = [1, 1]} : vector<128x512xf32> to vector<128x128xf32>
    %logistic3A_1330 = arith.negf %slice3A_1329 : vector<128x128xf32>
    %logistic3A_1331 = math.exp %logistic3A_1330 : vector<128x128xf32>
    %logistic3A_1332 = arith.constant 1.000000e+00 : f32
    %logistic3A_1333 = vector.broadcast %logistic3A_1332 : f32 to vector<128x128xf32>
    %logistic3A_1334 = arith.addf %logistic3A_1333, %logistic3A_1331 : vector<128x128xf32>
    %logistic3A_1335 = arith.divf %logistic3A_1333, %logistic3A_1334 : vector<128x128xf32>
    %mul3A_1336 = arith.mulf %logistic3A_1326, %get3A_1296 : vector<128x128xf32>
    %mul3A_1337 = arith.mulf %logistic3A_1319, %tanh3A_1328 : vector<128x128xf32>
    %add3A_1338 = arith.addf %mul3A_1336, %mul3A_1337 : vector<128x128xf32>
    %tanh3A_1339 = math.tanh %add3A_1338 : vector<128x128xf32>
    %mul3A_1340 = arith.mulf %logistic3A_1335, %tanh3A_1339 : vector<128x128xf32>
    %swap3A_1341 = arith.constant 0 : index
    %swap3A_1342 = arith.constant 0 : index
    %swap3A_1343 = vector.load %arg10[%swap3A_1341, %swap3A_1342] : memref<128x128xf32, #tpu.memory_space<vmem>>, vector<128x128xf32>
    tpu.vector_store %arg10[%swap3A_1341, %swap3A_1342], %add3A_1338 {strides = array<i32>} : memref<128x128xf32, #tpu.memory_space<vmem>>, vector<128x128xf32>,
    %swap3A_1344 = arith.constant 0 : index
    %swap3A_1345 = arith.constant 0 : index
    %swap3A_1346 = vector.load %arg9[%swap3A_1344, %swap3A_1345] : memref<128x128xf32, #tpu.memory_space<vmem>>, vector<128x128xf32>
    tpu.vector_store %arg9[%swap3A_1344, %swap3A_1345], %mul3A_1340 {strides = array<i32>} : memref<128x128xf32, #tpu.memory_space<vmem>>, vector<128x128xf32>,
    %get3A_1347 = arith.constant 0 : index
    %get3A_1348 = arith.constant 0 : index
    %get3A_1349 = vector.load %arg5[%get3A_1347, %get3A_1348] : memref<128x1xf32, #tpu.memory_space<vmem>>, vector<128x1xf32>
    %dot_general3A_1350 = arith.constant dense<0.000000e+00> : vector<128x1xf32>
    %dot_general3A_1351 = tpu.matmul %mul3A_1340, %get3A_1349, %dot_general3A_1350 {dimension_numbers = #tpu.dot_dimension_numbers<[1], [0], [0], [1], [0, 0, 1, 1], [], []>, transpose_lhs_hint = false} : vector<128x128xf32>, vector<128x1xf32>, vector<128x1xf32> -> vector<128x1xf32>
    %get3A_1352 = arith.constant 0 : index
    %get3A_1353 = arith.constant 0 : index
    %get3A_1354 = vector.load %arg11[%get3A_1352, %get3A_1353] : memref<128x1xf32, #tpu.memory_space<vmem>>, vector<128x1xf32>
    %max3A_1355 = arith.maximumf %get3A_1354, %dot_general3A_1351 : vector<128x1xf32>
    %sub3A_1356 = arith.subf %get3A_1354, %max3A_1355 : vector<128x1xf32>
    %exp3A_1357 = math.exp %sub3A_1356 : vector<128x1xf32>
    %sub3A_1358 = arith.subf %dot_general3A_1351, %max3A_1355 : vector<128x1xf32>
    %exp3A_1359 = math.exp %sub3A_1358 : vector<128x1xf32>
    %swap3A_1360 = arith.constant 0 : index
    %swap3A_1361 = arith.constant 0 : index
    %swap3A_1362 = vector.load %arg11[%swap3A_1360, %swap3A_1361] : memref<128x1xf32, #tpu.memory_space<vmem>>, vector<128x1xf32>
    tpu.vector_store %arg11[%swap3A_1360, %swap3A_1361], %max3A_1355 {strides = array<i32>} : memref<128x1xf32, #tpu.memory_space<vmem>>, vector<128x1xf32>,
    %get3A_1363 = arith.constant 0 : index
    %get3A_1364 = arith.constant 0 : index
    %get3A_1365 = vector.load %arg12[%get3A_1363, %get3A_1364] : memref<128x1xf32, #tpu.memory_space<vmem>>, vector<128x1xf32>
    %mul3A_1366 = arith.mulf %get3A_1365, %exp3A_1357 : vector<128x1xf32>
    %add3A_1367 = arith.addf %mul3A_1366, %exp3A_1359 : vector<128x1xf32>
    %swap3A_1368 = arith.constant 0 : index
    %swap3A_1369 = arith.constant 0 : index
    %swap3A_1370 = vector.load %arg12[%swap3A_1368, %swap3A_1369] : memref<128x1xf32, #tpu.memory_space<vmem>>, vector<128x1xf32>
    tpu.vector_store %arg12[%swap3A_1368, %swap3A_1369], %add3A_1367 {strides = array<i32>} : memref<128x1xf32, #tpu.memory_space<vmem>>, vector<128x1xf32>,
    %get3A_1371 = arith.constant 0 : index
    %get3A_1372 = arith.constant 0 : index
    %get3A_1373 = vector.load %arg13[%get3A_1371, %get3A_1372] : memref<128x128xf32, #tpu.memory_space<vmem>>, vector<128x128xf32>
    %mul3A_1374 = vector.broadcast %exp3A_1357 : vector<128x1xf32> to vector<128x128xf32>
    %mul3A_1375 = arith.mulf %get3A_1373, %mul3A_1374 : vector<128x128xf32>
    %mul3A_1376 = vector.broadcast %exp3A_1359 : vector<128x1xf32> to vector<128x128xf32>
    %mul3A_1377 = arith.mulf %mul3A_1376, %mul3A_1340 : vector<128x128xf32>
    %add3A_1378 = arith.addf %mul3A_1375, %mul3A_1377 : vector<128x128xf32>
    %swap3A_1379 = arith.constant 0 : index
    %swap3A_1380 = arith.constant 0 : index
    %swap3A_1381 = vector.load %arg13[%swap3A_1379, %swap3A_1380] : memref<128x128xf32, #tpu.memory_space<vmem>>, vector<128x128xf32>
    tpu.vector_store %arg13[%swap3A_1379, %swap3A_1380], %add3A_1378 {strides = array<i32>} : memref<128x128xf32, #tpu.memory_space<vmem>>, vector<128x128xf32>,
    %scan3A_1382 = arith.constant 15 : i32
    %get3A_1383 = arith.constant 0 : index
    %get3A_1384 = arith.constant 0 : index
    %get3A_1385 = vector.load %arg9[%get3A_1383, %get3A_1384] : memref<128x128xf32, #tpu.memory_space<vmem>>, vector<128x128xf32>
    %get3A_1386 = arith.constant 0 : index
    %get3A_1387 = arith.constant 0 : index
    %get3A_1388 = vector.load %arg10[%get3A_1386, %get3A_1387] : memref<128x128xf32, #tpu.memory_space<vmem>>, vector<128x128xf32>
    %mul3A_1389 = arith.constant 128 : i32
    %mul3A_1390 = arith.muli %scan3A_1382, %mul3A_1389 : i32
    %get3A_1391 = arith.index_cast %mul3A_1390 : i32 to index
    %get3A_1392 = arith.constant 0 : index
    %get3A_1393 = vector.load %arg14[%get3A_1391, %get3A_1392] : memref<4096x512xf32, #tpu.memory_space<vmem>>, vector<128x512xf32>
    %get3A_1394 = arith.constant 0 : index
    %get3A_1395 = arith.constant 0 : index
    %get3A_1396 = vector.load %arg3[%get3A_1394, %get3A_1395] : memref<128x512xf32, #tpu.memory_space<vmem>>, vector<128x512xf32>
    %dot_general3A_1397 = arith.constant dense<0.000000e+00> : vector<128x512xf32>
    %dot_general3A_1398 = tpu.matmul %get3A_1385, %get3A_1396, %dot_general3A_1397 {dimension_numbers = #tpu.dot_dimension_numbers<[1], [0], [0], [1], [0, 0, 1, 1], [], []>, transpose_lhs_hint = false} : vector<128x128xf32>, vector<128x512xf32>, vector<128x512xf32> -> vector<128x512xf32>
    %add3A_1399 = arith.addf %get3A_1393, %dot_general3A_1398 : vector<128x512xf32>
    %get3A_1400 = arith.constant 0 : index
    %get3A_1401 = arith.constant 0 : index
    %get3A_1402 = vector.load %arg4[%get3A_1400, %get3A_1401] : memref<1x512xf32, #tpu.memory_space<vmem>>, vector<1x512xf32>
    %add3A_1403 = vector.broadcast %get3A_1402 : vector<1x512xf32> to vector<128x512xf32>
    %add3A_1404 = arith.addf %add3A_1399, %add3A_1403 : vector<128x512xf32>
    %slice3A_1405 = vector.extract_strided_slice %add3A_1404 {offsets = [0, 0], sizes = [128, 128], strides = [1, 1]} : vector<128x512xf32> to vector<128x128xf32>
    %logistic3A_1406 = arith.negf %slice3A_1405 : vector<128x128xf32>
    %logistic3A_1407 = math.exp %logistic3A_1406 : vector<128x128xf32>
    %logistic3A_1408 = arith.constant 1.000000e+00 : f32
    %logistic3A_1409 = vector.broadcast %logistic3A_1408 : f32 to vector<128x128xf32>
    %logistic3A_1410 = arith.addf %logistic3A_1409, %logistic3A_1407 : vector<128x128xf32>
    %logistic3A_1411 = arith.divf %logistic3A_1409, %logistic3A_1410 : vector<128x128xf32>
    %slice3A_1412 = vector.extract_strided_slice %add3A_1404 {offsets = [0, 128], sizes = [128, 128], strides = [1, 1]} : vector<128x512xf32> to vector<128x128xf32>
    %logistic3A_1413 = arith.negf %slice3A_1412 : vector<128x128xf32>
    %logistic3A_1414 = math.exp %logistic3A_1413 : vector<128x128xf32>
    %logistic3A_1415 = arith.constant 1.000000e+00 : f32
    %logistic3A_1416 = vector.broadcast %logistic3A_1415 : f32 to vector<128x128xf32>
    %logistic3A_1417 = arith.addf %logistic3A_1416, %logistic3A_1414 : vector<128x128xf32>
    %logistic3A_1418 = arith.divf %logistic3A_1416, %logistic3A_1417 : vector<128x128xf32>
    %slice3A_1419 = vector.extract_strided_slice %add3A_1404 {offsets = [0, 256], sizes = [128, 128], strides = [1, 1]} : vector<128x512xf32> to vector<128x128xf32>
    %tanh3A_1420 = math.tanh %slice3A_1419 : vector<128x128xf32>
    %slice3A_1421 = vector.extract_strided_slice %add3A_1404 {offsets = [0, 384], sizes = [128, 128], strides = [1, 1]} : vector<128x512xf32> to vector<128x128xf32>
    %logistic3A_1422 = arith.negf %slice3A_1421 : vector<128x128xf32>
    %logistic3A_1423 = math.exp %logistic3A_1422 : vector<128x128xf32>
    %logistic3A_1424 = arith.constant 1.000000e+00 : f32
    %logistic3A_1425 = vector.broadcast %logistic3A_1424 : f32 to vector<128x128xf32>
    %logistic3A_1426 = arith.addf %logistic3A_1425, %logistic3A_1423 : vector<128x128xf32>
    %logistic3A_1427 = arith.divf %logistic3A_1425, %logistic3A_1426 : vector<128x128xf32>
    %mul3A_1428 = arith.mulf %logistic3A_1418, %get3A_1388 : vector<128x128xf32>
    %mul3A_1429 = arith.mulf %logistic3A_1411, %tanh3A_1420 : vector<128x128xf32>
    %add3A_1430 = arith.addf %mul3A_1428, %mul3A_1429 : vector<128x128xf32>
    %tanh3A_1431 = math.tanh %add3A_1430 : vector<128x128xf32>
    %mul3A_1432 = arith.mulf %logistic3A_1427, %tanh3A_1431 : vector<128x128xf32>
    %swap3A_1433 = arith.constant 0 : index
    %swap3A_1434 = arith.constant 0 : index
    %swap3A_1435 = vector.load %arg10[%swap3A_1433, %swap3A_1434] : memref<128x128xf32, #tpu.memory_space<vmem>>, vector<128x128xf32>
    tpu.vector_store %arg10[%swap3A_1433, %swap3A_1434], %add3A_1430 {strides = array<i32>} : memref<128x128xf32, #tpu.memory_space<vmem>>, vector<128x128xf32>,
    %swap3A_1436 = arith.constant 0 : index
    %swap3A_1437 = arith.constant 0 : index
    %swap3A_1438 = vector.load %arg9[%swap3A_1436, %swap3A_1437] : memref<128x128xf32, #tpu.memory_space<vmem>>, vector<128x128xf32>
    tpu.vector_store %arg9[%swap3A_1436, %swap3A_1437], %mul3A_1432 {strides = array<i32>} : memref<128x128xf32, #tpu.memory_space<vmem>>, vector<128x128xf32>,
    %get3A_1439 = arith.constant 0 : index
    %get3A_1440 = arith.constant 0 : index
    %get3A_1441 = vector.load %arg5[%get3A_1439, %get3A_1440] : memref<128x1xf32, #tpu.memory_space<vmem>>, vector<128x1xf32>
    %dot_general3A_1442 = arith.constant dense<0.000000e+00> : vector<128x1xf32>
    %dot_general3A_1443 = tpu.matmul %mul3A_1432, %get3A_1441, %dot_general3A_1442 {dimension_numbers = #tpu.dot_dimension_numbers<[1], [0], [0], [1], [0, 0, 1, 1], [], []>, transpose_lhs_hint = false} : vector<128x128xf32>, vector<128x1xf32>, vector<128x1xf32> -> vector<128x1xf32>
    %get3A_1444 = arith.constant 0 : index
    %get3A_1445 = arith.constant 0 : index
    %get3A_1446 = vector.load %arg11[%get3A_1444, %get3A_1445] : memref<128x1xf32, #tpu.memory_space<vmem>>, vector<128x1xf32>
    %max3A_1447 = arith.maximumf %get3A_1446, %dot_general3A_1443 : vector<128x1xf32>
    %sub3A_1448 = arith.subf %get3A_1446, %max3A_1447 : vector<128x1xf32>
    %exp3A_1449 = math.exp %sub3A_1448 : vector<128x1xf32>
    %sub3A_1450 = arith.subf %dot_general3A_1443, %max3A_1447 : vector<128x1xf32>
    %exp3A_1451 = math.exp %sub3A_1450 : vector<128x1xf32>
    %swap3A_1452 = arith.constant 0 : index
    %swap3A_1453 = arith.constant 0 : index
    %swap3A_1454 = vector.load %arg11[%swap3A_1452, %swap3A_1453] : memref<128x1xf32, #tpu.memory_space<vmem>>, vector<128x1xf32>
    tpu.vector_store %arg11[%swap3A_1452, %swap3A_1453], %max3A_1447 {strides = array<i32>} : memref<128x1xf32, #tpu.memory_space<vmem>>, vector<128x1xf32>,
    %get3A_1455 = arith.constant 0 : index
    %get3A_1456 = arith.constant 0 : index
    %get3A_1457 = vector.load %arg12[%get3A_1455, %get3A_1456] : memref<128x1xf32, #tpu.memory_space<vmem>>, vector<128x1xf32>
    %mul3A_1458 = arith.mulf %get3A_1457, %exp3A_1449 : vector<128x1xf32>
    %add3A_1459 = arith.addf %mul3A_1458, %exp3A_1451 : vector<128x1xf32>
    %swap3A_1460 = arith.constant 0 : index
    %swap3A_1461 = arith.constant 0 : index
    %swap3A_1462 = vector.load %arg12[%swap3A_1460, %swap3A_1461] : memref<128x1xf32, #tpu.memory_space<vmem>>, vector<128x1xf32>
    tpu.vector_store %arg12[%swap3A_1460, %swap3A_1461], %add3A_1459 {strides = array<i32>} : memref<128x1xf32, #tpu.memory_space<vmem>>, vector<128x1xf32>,
    %get3A_1463 = arith.constant 0 : index
    %get3A_1464 = arith.constant 0 : index
    %get3A_1465 = vector.load %arg13[%get3A_1463, %get3A_1464] : memref<128x128xf32, #tpu.memory_space<vmem>>, vector<128x128xf32>
    %mul3A_1466 = vector.broadcast %exp3A_1449 : vector<128x1xf32> to vector<128x128xf32>
    %mul3A_1467 = arith.mulf %get3A_1465, %mul3A_1466 : vector<128x128xf32>
    %mul3A_1468 = vector.broadcast %exp3A_1451 : vector<128x1xf32> to vector<128x128xf32>
    %mul3A_1469 = arith.mulf %mul3A_1468, %mul3A_1432 : vector<128x128xf32>
    %add3A_1470 = arith.addf %mul3A_1467, %mul3A_1469 : vector<128x128xf32>
    %swap3A_1471 = arith.constant 0 : index
    %swap3A_1472 = arith.constant 0 : index
    %swap3A_1473 = vector.load %arg13[%swap3A_1471, %swap3A_1472] : memref<128x128xf32, #tpu.memory_space<vmem>>, vector<128x128xf32>
    tpu.vector_store %arg13[%swap3A_1471, %swap3A_1472], %add3A_1470 {strides = array<i32>} : memref<128x128xf32, #tpu.memory_space<vmem>>, vector<128x128xf32>,
    %scan3A_1474 = arith.constant 16 : i32
    %get3A_1475 = arith.constant 0 : index
    %get3A_1476 = arith.constant 0 : index
    %get3A_1477 = vector.load %arg9[%get3A_1475, %get3A_1476] : memref<128x128xf32, #tpu.memory_space<vmem>>, vector<128x128xf32>
    %get3A_1478 = arith.constant 0 : index
    %get3A_1479 = arith.constant 0 : index
    %get3A_1480 = vector.load %arg10[%get3A_1478, %get3A_1479] : memref<128x128xf32, #tpu.memory_space<vmem>>, vector<128x128xf32>
    %mul3A_1481 = arith.constant 128 : i32
    %mul3A_1482 = arith.muli %scan3A_1474, %mul3A_1481 : i32
    %get3A_1483 = arith.index_cast %mul3A_1482 : i32 to index
    %get3A_1484 = arith.constant 0 : index
    %get3A_1485 = vector.load %arg14[%get3A_1483, %get3A_1484] : memref<4096x512xf32, #tpu.memory_space<vmem>>, vector<128x512xf32>
    %get3A_1486 = arith.constant 0 : index
    %get3A_1487 = arith.constant 0 : index
    %get3A_1488 = vector.load %arg3[%get3A_1486, %get3A_1487] : memref<128x512xf32, #tpu.memory_space<vmem>>, vector<128x512xf32>
    %dot_general3A_1489 = arith.constant dense<0.000000e+00> : vector<128x512xf32>
    %dot_general3A_1490 = tpu.matmul %get3A_1477, %get3A_1488, %dot_general3A_1489 {dimension_numbers = #tpu.dot_dimension_numbers<[1], [0], [0], [1], [0, 0, 1, 1], [], []>, transpose_lhs_hint = false} : vector<128x128xf32>, vector<128x512xf32>, vector<128x512xf32> -> vector<128x512xf32>
    %add3A_1491 = arith.addf %get3A_1485, %dot_general3A_1490 : vector<128x512xf32>
    %get3A_1492 = arith.constant 0 : index
    %get3A_1493 = arith.constant 0 : index
    %get3A_1494 = vector.load %arg4[%get3A_1492, %get3A_1493] : memref<1x512xf32, #tpu.memory_space<vmem>>, vector<1x512xf32>
    %add3A_1495 = vector.broadcast %get3A_1494 : vector<1x512xf32> to vector<128x512xf32>
    %add3A_1496 = arith.addf %add3A_1491, %add3A_1495 : vector<128x512xf32>
    %slice3A_1497 = vector.extract_strided_slice %add3A_1496 {offsets = [0, 0], sizes = [128, 128], strides = [1, 1]} : vector<128x512xf32> to vector<128x128xf32>
    %logistic3A_1498 = arith.negf %slice3A_1497 : vector<128x128xf32>
    %logistic3A_1499 = math.exp %logistic3A_1498 : vector<128x128xf32>
    %logistic3A_1500 = arith.constant 1.000000e+00 : f32
    %logistic3A_1501 = vector.broadcast %logistic3A_1500 : f32 to vector<128x128xf32>
    %logistic3A_1502 = arith.addf %logistic3A_1501, %logistic3A_1499 : vector<128x128xf32>
    %logistic3A_1503 = arith.divf %logistic3A_1501, %logistic3A_1502 : vector<128x128xf32>
    %slice3A_1504 = vector.extract_strided_slice %add3A_1496 {offsets = [0, 128], sizes = [128, 128], strides = [1, 1]} : vector<128x512xf32> to vector<128x128xf32>
    %logistic3A_1505 = arith.negf %slice3A_1504 : vector<128x128xf32>
    %logistic3A_1506 = math.exp %logistic3A_1505 : vector<128x128xf32>
    %logistic3A_1507 = arith.constant 1.000000e+00 : f32
    %logistic3A_1508 = vector.broadcast %logistic3A_1507 : f32 to vector<128x128xf32>
    %logistic3A_1509 = arith.addf %logistic3A_1508, %logistic3A_1506 : vector<128x128xf32>
    %logistic3A_1510 = arith.divf %logistic3A_1508, %logistic3A_1509 : vector<128x128xf32>
    %slice3A_1511 = vector.extract_strided_slice %add3A_1496 {offsets = [0, 256], sizes = [128, 128], strides = [1, 1]} : vector<128x512xf32> to vector<128x128xf32>
    %tanh3A_1512 = math.tanh %slice3A_1511 : vector<128x128xf32>
    %slice3A_1513 = vector.extract_strided_slice %add3A_1496 {offsets = [0, 384], sizes = [128, 128], strides = [1, 1]} : vector<128x512xf32> to vector<128x128xf32>
    %logistic3A_1514 = arith.negf %slice3A_1513 : vector<128x128xf32>
    %logistic3A_1515 = math.exp %logistic3A_1514 : vector<128x128xf32>
    %logistic3A_1516 = arith.constant 1.000000e+00 : f32
    %logistic3A_1517 = vector.broadcast %logistic3A_1516 : f32 to vector<128x128xf32>
    %logistic3A_1518 = arith.addf %logistic3A_1517, %logistic3A_1515 : vector<128x128xf32>
    %logistic3A_1519 = arith.divf %logistic3A_1517, %logistic3A_1518 : vector<128x128xf32>
    %mul3A_1520 = arith.mulf %logistic3A_1510, %get3A_1480 : vector<128x128xf32>
    %mul3A_1521 = arith.mulf %logistic3A_1503, %tanh3A_1512 : vector<128x128xf32>
    %add3A_1522 = arith.addf %mul3A_1520, %mul3A_1521 : vector<128x128xf32>
    %tanh3A_1523 = math.tanh %add3A_1522 : vector<128x128xf32>
    %mul3A_1524 = arith.mulf %logistic3A_1519, %tanh3A_1523 : vector<128x128xf32>
    %swap3A_1525 = arith.constant 0 : index
    %swap3A_1526 = arith.constant 0 : index
    %swap3A_1527 = vector.load %arg10[%swap3A_1525, %swap3A_1526] : memref<128x128xf32, #tpu.memory_space<vmem>>, vector<128x128xf32>
    tpu.vector_store %arg10[%swap3A_1525, %swap3A_1526], %add3A_1522 {strides = array<i32>} : memref<128x128xf32, #tpu.memory_space<vmem>>, vector<128x128xf32>,
    %swap3A_1528 = arith.constant 0 : index
    %swap3A_1529 = arith.constant 0 : index
    %swap3A_1530 = vector.load %arg9[%swap3A_1528, %swap3A_1529] : memref<128x128xf32, #tpu.memory_space<vmem>>, vector<128x128xf32>
    tpu.vector_store %arg9[%swap3A_1528, %swap3A_1529], %mul3A_1524 {strides = array<i32>} : memref<128x128xf32, #tpu.memory_space<vmem>>, vector<128x128xf32>,
    %get3A_1531 = arith.constant 0 : index
    %get3A_1532 = arith.constant 0 : index
    %get3A_1533 = vector.load %arg5[%get3A_1531, %get3A_1532] : memref<128x1xf32, #tpu.memory_space<vmem>>, vector<128x1xf32>
    %dot_general3A_1534 = arith.constant dense<0.000000e+00> : vector<128x1xf32>
    %dot_general3A_1535 = tpu.matmul %mul3A_1524, %get3A_1533, %dot_general3A_1534 {dimension_numbers = #tpu.dot_dimension_numbers<[1], [0], [0], [1], [0, 0, 1, 1], [], []>, transpose_lhs_hint = false} : vector<128x128xf32>, vector<128x1xf32>, vector<128x1xf32> -> vector<128x1xf32>
    %get3A_1536 = arith.constant 0 : index
    %get3A_1537 = arith.constant 0 : index
    %get3A_1538 = vector.load %arg11[%get3A_1536, %get3A_1537] : memref<128x1xf32, #tpu.memory_space<vmem>>, vector<128x1xf32>
    %max3A_1539 = arith.maximumf %get3A_1538, %dot_general3A_1535 : vector<128x1xf32>
    %sub3A_1540 = arith.subf %get3A_1538, %max3A_1539 : vector<128x1xf32>
    %exp3A_1541 = math.exp %sub3A_1540 : vector<128x1xf32>
    %sub3A_1542 = arith.subf %dot_general3A_1535, %max3A_1539 : vector<128x1xf32>
    %exp3A_1543 = math.exp %sub3A_1542 : vector<128x1xf32>
    %swap3A_1544 = arith.constant 0 : index
    %swap3A_1545 = arith.constant 0 : index
    %swap3A_1546 = vector.load %arg11[%swap3A_1544, %swap3A_1545] : memref<128x1xf32, #tpu.memory_space<vmem>>, vector<128x1xf32>
    tpu.vector_store %arg11[%swap3A_1544, %swap3A_1545], %max3A_1539 {strides = array<i32>} : memref<128x1xf32, #tpu.memory_space<vmem>>, vector<128x1xf32>,
    %get3A_1547 = arith.constant 0 : index
    %get3A_1548 = arith.constant 0 : index
    %get3A_1549 = vector.load %arg12[%get3A_1547, %get3A_1548] : memref<128x1xf32, #tpu.memory_space<vmem>>, vector<128x1xf32>
    %mul3A_1550 = arith.mulf %get3A_1549, %exp3A_1541 : vector<128x1xf32>
    %add3A_1551 = arith.addf %mul3A_1550, %exp3A_1543 : vector<128x1xf32>
    %swap3A_1552 = arith.constant 0 : index
    %swap3A_1553 = arith.constant 0 : index
    %swap3A_1554 = vector.load %arg12[%swap3A_1552, %swap3A_1553] : memref<128x1xf32, #tpu.memory_space<vmem>>, vector<128x1xf32>
    tpu.vector_store %arg12[%swap3A_1552, %swap3A_1553], %add3A_1551 {strides = array<i32>} : memref<128x1xf32, #tpu.memory_space<vmem>>, vector<128x1xf32>,
    %get3A_1555 = arith.constant 0 : index
    %get3A_1556 = arith.constant 0 : index
    %get3A_1557 = vector.load %arg13[%get3A_1555, %get3A_1556] : memref<128x128xf32, #tpu.memory_space<vmem>>, vector<128x128xf32>
    %mul3A_1558 = vector.broadcast %exp3A_1541 : vector<128x1xf32> to vector<128x128xf32>
    %mul3A_1559 = arith.mulf %get3A_1557, %mul3A_1558 : vector<128x128xf32>
    %mul3A_1560 = vector.broadcast %exp3A_1543 : vector<128x1xf32> to vector<128x128xf32>
    %mul3A_1561 = arith.mulf %mul3A_1560, %mul3A_1524 : vector<128x128xf32>
    %add3A_1562 = arith.addf %mul3A_1559, %mul3A_1561 : vector<128x128xf32>
    %swap3A_1563 = arith.constant 0 : index
    %swap3A_1564 = arith.constant 0 : index
    %swap3A_1565 = vector.load %arg13[%swap3A_1563, %swap3A_1564] : memref<128x128xf32, #tpu.memory_space<vmem>>, vector<128x128xf32>
    tpu.vector_store %arg13[%swap3A_1563, %swap3A_1564], %add3A_1562 {strides = array<i32>} : memref<128x128xf32, #tpu.memory_space<vmem>>, vector<128x128xf32>,
    %scan3A_1566 = arith.constant 17 : i32
    %get3A_1567 = arith.constant 0 : index
    %get3A_1568 = arith.constant 0 : index
    %get3A_1569 = vector.load %arg9[%get3A_1567, %get3A_1568] : memref<128x128xf32, #tpu.memory_space<vmem>>, vector<128x128xf32>
    %get3A_1570 = arith.constant 0 : index
    %get3A_1571 = arith.constant 0 : index
    %get3A_1572 = vector.load %arg10[%get3A_1570, %get3A_1571] : memref<128x128xf32, #tpu.memory_space<vmem>>, vector<128x128xf32>
    %mul3A_1573 = arith.constant 128 : i32
    %mul3A_1574 = arith.muli %scan3A_1566, %mul3A_1573 : i32
    %get3A_1575 = arith.index_cast %mul3A_1574 : i32 to index
    %get3A_1576 = arith.constant 0 : index
    %get3A_1577 = vector.load %arg14[%get3A_1575, %get3A_1576] : memref<4096x512xf32, #tpu.memory_space<vmem>>, vector<128x512xf32>
    %get3A_1578 = arith.constant 0 : index
    %get3A_1579 = arith.constant 0 : index
    %get3A_1580 = vector.load %arg3[%get3A_1578, %get3A_1579] : memref<128x512xf32, #tpu.memory_space<vmem>>, vector<128x512xf32>
    %dot_general3A_1581 = arith.constant dense<0.000000e+00> : vector<128x512xf32>
    %dot_general3A_1582 = tpu.matmul %get3A_1569, %get3A_1580, %dot_general3A_1581 {dimension_numbers = #tpu.dot_dimension_numbers<[1], [0], [0], [1], [0, 0, 1, 1], [], []>, transpose_lhs_hint = false} : vector<128x128xf32>, vector<128x512xf32>, vector<128x512xf32> -> vector<128x512xf32>
    %add3A_1583 = arith.addf %get3A_1577, %dot_general3A_1582 : vector<128x512xf32>
    %get3A_1584 = arith.constant 0 : index
    %get3A_1585 = arith.constant 0 : index
    %get3A_1586 = vector.load %arg4[%get3A_1584, %get3A_1585] : memref<1x512xf32, #tpu.memory_space<vmem>>, vector<1x512xf32>
    %add3A_1587 = vector.broadcast %get3A_1586 : vector<1x512xf32> to vector<128x512xf32>
    %add3A_1588 = arith.addf %add3A_1583, %add3A_1587 : vector<128x512xf32>
    %slice3A_1589 = vector.extract_strided_slice %add3A_1588 {offsets = [0, 0], sizes = [128, 128], strides = [1, 1]} : vector<128x512xf32> to vector<128x128xf32>
    %logistic3A_1590 = arith.negf %slice3A_1589 : vector<128x128xf32>
    %logistic3A_1591 = math.exp %logistic3A_1590 : vector<128x128xf32>
    %logistic3A_1592 = arith.constant 1.000000e+00 : f32
    %logistic3A_1593 = vector.broadcast %logistic3A_1592 : f32 to vector<128x128xf32>
    %logistic3A_1594 = arith.addf %logistic3A_1593, %logistic3A_1591 : vector<128x128xf32>
    %logistic3A_1595 = arith.divf %logistic3A_1593, %logistic3A_1594 : vector<128x128xf32>
    %slice3A_1596 = vector.extract_strided_slice %add3A_1588 {offsets = [0, 128], sizes = [128, 128], strides = [1, 1]} : vector<128x512xf32> to vector<128x128xf32>
    %logistic3A_1597 = arith.negf %slice3A_1596 : vector<128x128xf32>
    %logistic3A_1598 = math.exp %logistic3A_1597 : vector<128x128xf32>
    %logistic3A_1599 = arith.constant 1.000000e+00 : f32
    %logistic3A_1600 = vector.broadcast %logistic3A_1599 : f32 to vector<128x128xf32>
    %logistic3A_1601 = arith.addf %logistic3A_1600, %logistic3A_1598 : vector<128x128xf32>
    %logistic3A_1602 = arith.divf %logistic3A_1600, %logistic3A_1601 : vector<128x128xf32>
    %slice3A_1603 = vector.extract_strided_slice %add3A_1588 {offsets = [0, 256], sizes = [128, 128], strides = [1, 1]} : vector<128x512xf32> to vector<128x128xf32>
    %tanh3A_1604 = math.tanh %slice3A_1603 : vector<128x128xf32>
    %slice3A_1605 = vector.extract_strided_slice %add3A_1588 {offsets = [0, 384], sizes = [128, 128], strides = [1, 1]} : vector<128x512xf32> to vector<128x128xf32>
    %logistic3A_1606 = arith.negf %slice3A_1605 : vector<128x128xf32>
    %logistic3A_1607 = math.exp %logistic3A_1606 : vector<128x128xf32>
    %logistic3A_1608 = arith.constant 1.000000e+00 : f32
    %logistic3A_1609 = vector.broadcast %logistic3A_1608 : f32 to vector<128x128xf32>
    %logistic3A_1610 = arith.addf %logistic3A_1609, %logistic3A_1607 : vector<128x128xf32>
    %logistic3A_1611 = arith.divf %logistic3A_1609, %logistic3A_1610 : vector<128x128xf32>
    %mul3A_1612 = arith.mulf %logistic3A_1602, %get3A_1572 : vector<128x128xf32>
    %mul3A_1613 = arith.mulf %logistic3A_1595, %tanh3A_1604 : vector<128x128xf32>
    %add3A_1614 = arith.addf %mul3A_1612, %mul3A_1613 : vector<128x128xf32>
    %tanh3A_1615 = math.tanh %add3A_1614 : vector<128x128xf32>
    %mul3A_1616 = arith.mulf %logistic3A_1611, %tanh3A_1615 : vector<128x128xf32>
    %swap3A_1617 = arith.constant 0 : index
    %swap3A_1618 = arith.constant 0 : index
    %swap3A_1619 = vector.load %arg10[%swap3A_1617, %swap3A_1618] : memref<128x128xf32, #tpu.memory_space<vmem>>, vector<128x128xf32>
    tpu.vector_store %arg10[%swap3A_1617, %swap3A_1618], %add3A_1614 {strides = array<i32>} : memref<128x128xf32, #tpu.memory_space<vmem>>, vector<128x128xf32>,
    %swap3A_1620 = arith.constant 0 : index
    %swap3A_1621 = arith.constant 0 : index
    %swap3A_1622 = vector.load %arg9[%swap3A_1620, %swap3A_1621] : memref<128x128xf32, #tpu.memory_space<vmem>>, vector<128x128xf32>
    tpu.vector_store %arg9[%swap3A_1620, %swap3A_1621], %mul3A_1616 {strides = array<i32>} : memref<128x128xf32, #tpu.memory_space<vmem>>, vector<128x128xf32>,
    %get3A_1623 = arith.constant 0 : index
    %get3A_1624 = arith.constant 0 : index
    %get3A_1625 = vector.load %arg5[%get3A_1623, %get3A_1624] : memref<128x1xf32, #tpu.memory_space<vmem>>, vector<128x1xf32>
    %dot_general3A_1626 = arith.constant dense<0.000000e+00> : vector<128x1xf32>
    %dot_general3A_1627 = tpu.matmul %mul3A_1616, %get3A_1625, %dot_general3A_1626 {dimension_numbers = #tpu.dot_dimension_numbers<[1], [0], [0], [1], [0, 0, 1, 1], [], []>, transpose_lhs_hint = false} : vector<128x128xf32>, vector<128x1xf32>, vector<128x1xf32> -> vector<128x1xf32>
    %get3A_1628 = arith.constant 0 : index
    %get3A_1629 = arith.constant 0 : index
    %get3A_1630 = vector.load %arg11[%get3A_1628, %get3A_1629] : memref<128x1xf32, #tpu.memory_space<vmem>>, vector<128x1xf32>
    %max3A_1631 = arith.maximumf %get3A_1630, %dot_general3A_1627 : vector<128x1xf32>
    %sub3A_1632 = arith.subf %get3A_1630, %max3A_1631 : vector<128x1xf32>
    %exp3A_1633 = math.exp %sub3A_1632 : vector<128x1xf32>
    %sub3A_1634 = arith.subf %dot_general3A_1627, %max3A_1631 : vector<128x1xf32>
    %exp3A_1635 = math.exp %sub3A_1634 : vector<128x1xf32>
    %swap3A_1636 = arith.constant 0 : index
    %swap3A_1637 = arith.constant 0 : index
    %swap3A_1638 = vector.load %arg11[%swap3A_1636, %swap3A_1637] : memref<128x1xf32, #tpu.memory_space<vmem>>, vector<128x1xf32>
    tpu.vector_store %arg11[%swap3A_1636, %swap3A_1637], %max3A_1631 {strides = array<i32>} : memref<128x1xf32, #tpu.memory_space<vmem>>, vector<128x1xf32>,
    %get3A_1639 = arith.constant 0 : index
    %get3A_1640 = arith.constant 0 : index
    %get3A_1641 = vector.load %arg12[%get3A_1639, %get3A_1640] : memref<128x1xf32, #tpu.memory_space<vmem>>, vector<128x1xf32>
    %mul3A_1642 = arith.mulf %get3A_1641, %exp3A_1633 : vector<128x1xf32>
    %add3A_1643 = arith.addf %mul3A_1642, %exp3A_1635 : vector<128x1xf32>
    %swap3A_1644 = arith.constant 0 : index
    %swap3A_1645 = arith.constant 0 : index
    %swap3A_1646 = vector.load %arg12[%swap3A_1644, %swap3A_1645] : memref<128x1xf32, #tpu.memory_space<vmem>>, vector<128x1xf32>
    tpu.vector_store %arg12[%swap3A_1644, %swap3A_1645], %add3A_1643 {strides = array<i32>} : memref<128x1xf32, #tpu.memory_space<vmem>>, vector<128x1xf32>,
    %get3A_1647 = arith.constant 0 : index
    %get3A_1648 = arith.constant 0 : index
    %get3A_1649 = vector.load %arg13[%get3A_1647, %get3A_1648] : memref<128x128xf32, #tpu.memory_space<vmem>>, vector<128x128xf32>
    %mul3A_1650 = vector.broadcast %exp3A_1633 : vector<128x1xf32> to vector<128x128xf32>
    %mul3A_1651 = arith.mulf %get3A_1649, %mul3A_1650 : vector<128x128xf32>
    %mul3A_1652 = vector.broadcast %exp3A_1635 : vector<128x1xf32> to vector<128x128xf32>
    %mul3A_1653 = arith.mulf %mul3A_1652, %mul3A_1616 : vector<128x128xf32>
    %add3A_1654 = arith.addf %mul3A_1651, %mul3A_1653 : vector<128x128xf32>
    %swap3A_1655 = arith.constant 0 : index
    %swap3A_1656 = arith.constant 0 : index
    %swap3A_1657 = vector.load %arg13[%swap3A_1655, %swap3A_1656] : memref<128x128xf32, #tpu.memory_space<vmem>>, vector<128x128xf32>
    tpu.vector_store %arg13[%swap3A_1655, %swap3A_1656], %add3A_1654 {strides = array<i32>} : memref<128x128xf32, #tpu.memory_space<vmem>>, vector<128x128xf32>,
    %scan3A_1658 = arith.constant 18 : i32
    %get3A_1659 = arith.constant 0 : index
    %get3A_1660 = arith.constant 0 : index
    %get3A_1661 = vector.load %arg9[%get3A_1659, %get3A_1660] : memref<128x128xf32, #tpu.memory_space<vmem>>, vector<128x128xf32>
    %get3A_1662 = arith.constant 0 : index
    %get3A_1663 = arith.constant 0 : index
    %get3A_1664 = vector.load %arg10[%get3A_1662, %get3A_1663] : memref<128x128xf32, #tpu.memory_space<vmem>>, vector<128x128xf32>
    %mul3A_1665 = arith.constant 128 : i32
    %mul3A_1666 = arith.muli %scan3A_1658, %mul3A_1665 : i32
    %get3A_1667 = arith.index_cast %mul3A_1666 : i32 to index
    %get3A_1668 = arith.constant 0 : index
    %get3A_1669 = vector.load %arg14[%get3A_1667, %get3A_1668] : memref<4096x512xf32, #tpu.memory_space<vmem>>, vector<128x512xf32>
    %get3A_1670 = arith.constant 0 : index
    %get3A_1671 = arith.constant 0 : index
    %get3A_1672 = vector.load %arg3[%get3A_1670, %get3A_1671] : memref<128x512xf32, #tpu.memory_space<vmem>>, vector<128x512xf32>
    %dot_general3A_1673 = arith.constant dense<0.000000e+00> : vector<128x512xf32>
    %dot_general3A_1674 = tpu.matmul %get3A_1661, %get3A_1672, %dot_general3A_1673 {dimension_numbers = #tpu.dot_dimension_numbers<[1], [0], [0], [1], [0, 0, 1, 1], [], []>, transpose_lhs_hint = false} : vector<128x128xf32>, vector<128x512xf32>, vector<128x512xf32> -> vector<128x512xf32>
    %add3A_1675 = arith.addf %get3A_1669, %dot_general3A_1674 : vector<128x512xf32>
    %get3A_1676 = arith.constant 0 : index
    %get3A_1677 = arith.constant 0 : index
    %get3A_1678 = vector.load %arg4[%get3A_1676, %get3A_1677] : memref<1x512xf32, #tpu.memory_space<vmem>>, vector<1x512xf32>
    %add3A_1679 = vector.broadcast %get3A_1678 : vector<1x512xf32> to vector<128x512xf32>
    %add3A_1680 = arith.addf %add3A_1675, %add3A_1679 : vector<128x512xf32>
    %slice3A_1681 = vector.extract_strided_slice %add3A_1680 {offsets = [0, 0], sizes = [128, 128], strides = [1, 1]} : vector<128x512xf32> to vector<128x128xf32>
    %logistic3A_1682 = arith.negf %slice3A_1681 : vector<128x128xf32>
    %logistic3A_1683 = math.exp %logistic3A_1682 : vector<128x128xf32>
    %logistic3A_1684 = arith.constant 1.000000e+00 : f32
    %logistic3A_1685 = vector.broadcast %logistic3A_1684 : f32 to vector<128x128xf32>
    %logistic3A_1686 = arith.addf %logistic3A_1685, %logistic3A_1683 : vector<128x128xf32>
    %logistic3A_1687 = arith.divf %logistic3A_1685, %logistic3A_1686 : vector<128x128xf32>
    %slice3A_1688 = vector.extract_strided_slice %add3A_1680 {offsets = [0, 128], sizes = [128, 128], strides = [1, 1]} : vector<128x512xf32> to vector<128x128xf32>
    %logistic3A_1689 = arith.negf %slice3A_1688 : vector<128x128xf32>
    %logistic3A_1690 = math.exp %logistic3A_1689 : vector<128x128xf32>
    %logistic3A_1691 = arith.constant 1.000000e+00 : f32
    %logistic3A_1692 = vector.broadcast %logistic3A_1691 : f32 to vector<128x128xf32>
    %logistic3A_1693 = arith.addf %logistic3A_1692, %logistic3A_1690 : vector<128x128xf32>
    %logistic3A_1694 = arith.divf %logistic3A_1692, %logistic3A_1693 : vector<128x128xf32>
    %slice3A_1695 = vector.extract_strided_slice %add3A_1680 {offsets = [0, 256], sizes = [128, 128], strides = [1, 1]} : vector<128x512xf32> to vector<128x128xf32>
    %tanh3A_1696 = math.tanh %slice3A_1695 : vector<128x128xf32>
    %slice3A_1697 = vector.extract_strided_slice %add3A_1680 {offsets = [0, 384], sizes = [128, 128], strides = [1, 1]} : vector<128x512xf32> to vector<128x128xf32>
    %logistic3A_1698 = arith.negf %slice3A_1697 : vector<128x128xf32>
    %logistic3A_1699 = math.exp %logistic3A_1698 : vector<128x128xf32>
    %logistic3A_1700 = arith.constant 1.000000e+00 : f32
    %logistic3A_1701 = vector.broadcast %logistic3A_1700 : f32 to vector<128x128xf32>
    %logistic3A_1702 = arith.addf %logistic3A_1701, %logistic3A_1699 : vector<128x128xf32>
    %logistic3A_1703 = arith.divf %logistic3A_1701, %logistic3A_1702 : vector<128x128xf32>
    %mul3A_1704 = arith.mulf %logistic3A_1694, %get3A_1664 : vector<128x128xf32>
    %mul3A_1705 = arith.mulf %logistic3A_1687, %tanh3A_1696 : vector<128x128xf32>
    %add3A_1706 = arith.addf %mul3A_1704, %mul3A_1705 : vector<128x128xf32>
    %tanh3A_1707 = math.tanh %add3A_1706 : vector<128x128xf32>
    %mul3A_1708 = arith.mulf %logistic3A_1703, %tanh3A_1707 : vector<128x128xf32>
    %swap3A_1709 = arith.constant 0 : index
    %swap3A_1710 = arith.constant 0 : index
    %swap3A_1711 = vector.load %arg10[%swap3A_1709, %swap3A_1710] : memref<128x128xf32, #tpu.memory_space<vmem>>, vector<128x128xf32>
    tpu.vector_store %arg10[%swap3A_1709, %swap3A_1710], %add3A_1706 {strides = array<i32>} : memref<128x128xf32, #tpu.memory_space<vmem>>, vector<128x128xf32>,
    %swap3A_1712 = arith.constant 0 : index
    %swap3A_1713 = arith.constant 0 : index
    %swap3A_1714 = vector.load %arg9[%swap3A_1712, %swap3A_1713] : memref<128x128xf32, #tpu.memory_space<vmem>>, vector<128x128xf32>
    tpu.vector_store %arg9[%swap3A_1712, %swap3A_1713], %mul3A_1708 {strides = array<i32>} : memref<128x128xf32, #tpu.memory_space<vmem>>, vector<128x128xf32>,
    %get3A_1715 = arith.constant 0 : index
    %get3A_1716 = arith.constant 0 : index
    %get3A_1717 = vector.load %arg5[%get3A_1715, %get3A_1716] : memref<128x1xf32, #tpu.memory_space<vmem>>, vector<128x1xf32>
    %dot_general3A_1718 = arith.constant dense<0.000000e+00> : vector<128x1xf32>
    %dot_general3A_1719 = tpu.matmul %mul3A_1708, %get3A_1717, %dot_general3A_1718 {dimension_numbers = #tpu.dot_dimension_numbers<[1], [0], [0], [1], [0, 0, 1, 1], [], []>, transpose_lhs_hint = false} : vector<128x128xf32>, vector<128x1xf32>, vector<128x1xf32> -> vector<128x1xf32>
    %get3A_1720 = arith.constant 0 : index
    %get3A_1721 = arith.constant 0 : index
    %get3A_1722 = vector.load %arg11[%get3A_1720, %get3A_1721] : memref<128x1xf32, #tpu.memory_space<vmem>>, vector<128x1xf32>
    %max3A_1723 = arith.maximumf %get3A_1722, %dot_general3A_1719 : vector<128x1xf32>
    %sub3A_1724 = arith.subf %get3A_1722, %max3A_1723 : vector<128x1xf32>
    %exp3A_1725 = math.exp %sub3A_1724 : vector<128x1xf32>
    %sub3A_1726 = arith.subf %dot_general3A_1719, %max3A_1723 : vector<128x1xf32>
    %exp3A_1727 = math.exp %sub3A_1726 : vector<128x1xf32>
    %swap3A_1728 = arith.constant 0 : index
    %swap3A_1729 = arith.constant 0 : index
    %swap3A_1730 = vector.load %arg11[%swap3A_1728, %swap3A_1729] : memref<128x1xf32, #tpu.memory_space<vmem>>, vector<128x1xf32>
    tpu.vector_store %arg11[%swap3A_1728, %swap3A_1729], %max3A_1723 {strides = array<i32>} : memref<128x1xf32, #tpu.memory_space<vmem>>, vector<128x1xf32>,
    %get3A_1731 = arith.constant 0 : index
    %get3A_1732 = arith.constant 0 : index
    %get3A_1733 = vector.load %arg12[%get3A_1731, %get3A_1732] : memref<128x1xf32, #tpu.memory_space<vmem>>, vector<128x1xf32>
    %mul3A_1734 = arith.mulf %get3A_1733, %exp3A_1725 : vector<128x1xf32>
    %add3A_1735 = arith.addf %mul3A_1734, %exp3A_1727 : vector<128x1xf32>
    %swap3A_1736 = arith.constant 0 : index
    %swap3A_1737 = arith.constant 0 : index
    %swap3A_1738 = vector.load %arg12[%swap3A_1736, %swap3A_1737] : memref<128x1xf32, #tpu.memory_space<vmem>>, vector<128x1xf32>
    tpu.vector_store %arg12[%swap3A_1736, %swap3A_1737], %add3A_1735 {strides = array<i32>} : memref<128x1xf32, #tpu.memory_space<vmem>>, vector<128x1xf32>,
    %get3A_1739 = arith.constant 0 : index
    %get3A_1740 = arith.constant 0 : index
    %get3A_1741 = vector.load %arg13[%get3A_1739, %get3A_1740] : memref<128x128xf32, #tpu.memory_space<vmem>>, vector<128x128xf32>
    %mul3A_1742 = vector.broadcast %exp3A_1725 : vector<128x1xf32> to vector<128x128xf32>
    %mul3A_1743 = arith.mulf %get3A_1741, %mul3A_1742 : vector<128x128xf32>
    %mul3A_1744 = vector.broadcast %exp3A_1727 : vector<128x1xf32> to vector<128x128xf32>
    %mul3A_1745 = arith.mulf %mul3A_1744, %mul3A_1708 : vector<128x128xf32>
    %add3A_1746 = arith.addf %mul3A_1743, %mul3A_1745 : vector<128x128xf32>
    %swap3A_1747 = arith.constant 0 : index
    %swap3A_1748 = arith.constant 0 : index
    %swap3A_1749 = vector.load %arg13[%swap3A_1747, %swap3A_1748] : memref<128x128xf32, #tpu.memory_space<vmem>>, vector<128x128xf32>
    tpu.vector_store %arg13[%swap3A_1747, %swap3A_1748], %add3A_1746 {strides = array<i32>} : memref<128x128xf32, #tpu.memory_space<vmem>>, vector<128x128xf32>,
    %scan3A_1750 = arith.constant 19 : i32
    %get3A_1751 = arith.constant 0 : index
    %get3A_1752 = arith.constant 0 : index
    %get3A_1753 = vector.load %arg9[%get3A_1751, %get3A_1752] : memref<128x128xf32, #tpu.memory_space<vmem>>, vector<128x128xf32>
    %get3A_1754 = arith.constant 0 : index
    %get3A_1755 = arith.constant 0 : index
    %get3A_1756 = vector.load %arg10[%get3A_1754, %get3A_1755] : memref<128x128xf32, #tpu.memory_space<vmem>>, vector<128x128xf32>
    %mul3A_1757 = arith.constant 128 : i32
    %mul3A_1758 = arith.muli %scan3A_1750, %mul3A_1757 : i32
    %get3A_1759 = arith.index_cast %mul3A_1758 : i32 to index
    %get3A_1760 = arith.constant 0 : index
    %get3A_1761 = vector.load %arg14[%get3A_1759, %get3A_1760] : memref<4096x512xf32, #tpu.memory_space<vmem>>, vector<128x512xf32>
    %get3A_1762 = arith.constant 0 : index
    %get3A_1763 = arith.constant 0 : index
    %get3A_1764 = vector.load %arg3[%get3A_1762, %get3A_1763] : memref<128x512xf32, #tpu.memory_space<vmem>>, vector<128x512xf32>
    %dot_general3A_1765 = arith.constant dense<0.000000e+00> : vector<128x512xf32>
    %dot_general3A_1766 = tpu.matmul %get3A_1753, %get3A_1764, %dot_general3A_1765 {dimension_numbers = #tpu.dot_dimension_numbers<[1], [0], [0], [1], [0, 0, 1, 1], [], []>, transpose_lhs_hint = false} : vector<128x128xf32>, vector<128x512xf32>, vector<128x512xf32> -> vector<128x512xf32>
    %add3A_1767 = arith.addf %get3A_1761, %dot_general3A_1766 : vector<128x512xf32>
    %get3A_1768 = arith.constant 0 : index
    %get3A_1769 = arith.constant 0 : index
    %get3A_1770 = vector.load %arg4[%get3A_1768, %get3A_1769] : memref<1x512xf32, #tpu.memory_space<vmem>>, vector<1x512xf32>
    %add3A_1771 = vector.broadcast %get3A_1770 : vector<1x512xf32> to vector<128x512xf32>
    %add3A_1772 = arith.addf %add3A_1767, %add3A_1771 : vector<128x512xf32>
    %slice3A_1773 = vector.extract_strided_slice %add3A_1772 {offsets = [0, 0], sizes = [128, 128], strides = [1, 1]} : vector<128x512xf32> to vector<128x128xf32>
    %logistic3A_1774 = arith.negf %slice3A_1773 : vector<128x128xf32>
    %logistic3A_1775 = math.exp %logistic3A_1774 : vector<128x128xf32>
    %logistic3A_1776 = arith.constant 1.000000e+00 : f32
    %logistic3A_1777 = vector.broadcast %logistic3A_1776 : f32 to vector<128x128xf32>
    %logistic3A_1778 = arith.addf %logistic3A_1777, %logistic3A_1775 : vector<128x128xf32>
    %logistic3A_1779 = arith.divf %logistic3A_1777, %logistic3A_1778 : vector<128x128xf32>
    %slice3A_1780 = vector.extract_strided_slice %add3A_1772 {offsets = [0, 128], sizes = [128, 128], strides = [1, 1]} : vector<128x512xf32> to vector<128x128xf32>
    %logistic3A_1781 = arith.negf %slice3A_1780 : vector<128x128xf32>
    %logistic3A_1782 = math.exp %logistic3A_1781 : vector<128x128xf32>
    %logistic3A_1783 = arith.constant 1.000000e+00 : f32
    %logistic3A_1784 = vector.broadcast %logistic3A_1783 : f32 to vector<128x128xf32>
    %logistic3A_1785 = arith.addf %logistic3A_1784, %logistic3A_1782 : vector<128x128xf32>
    %logistic3A_1786 = arith.divf %logistic3A_1784, %logistic3A_1785 : vector<128x128xf32>
    %slice3A_1787 = vector.extract_strided_slice %add3A_1772 {offsets = [0, 256], sizes = [128, 128], strides = [1, 1]} : vector<128x512xf32> to vector<128x128xf32>
    %tanh3A_1788 = math.tanh %slice3A_1787 : vector<128x128xf32>
    %slice3A_1789 = vector.extract_strided_slice %add3A_1772 {offsets = [0, 384], sizes = [128, 128], strides = [1, 1]} : vector<128x512xf32> to vector<128x128xf32>
    %logistic3A_1790 = arith.negf %slice3A_1789 : vector<128x128xf32>
    %logistic3A_1791 = math.exp %logistic3A_1790 : vector<128x128xf32>
    %logistic3A_1792 = arith.constant 1.000000e+00 : f32
    %logistic3A_1793 = vector.broadcast %logistic3A_1792 : f32 to vector<128x128xf32>
    %logistic3A_1794 = arith.addf %logistic3A_1793, %logistic3A_1791 : vector<128x128xf32>
    %logistic3A_1795 = arith.divf %logistic3A_1793, %logistic3A_1794 : vector<128x128xf32>
    %mul3A_1796 = arith.mulf %logistic3A_1786, %get3A_1756 : vector<128x128xf32>
    %mul3A_1797 = arith.mulf %logistic3A_1779, %tanh3A_1788 : vector<128x128xf32>
    %add3A_1798 = arith.addf %mul3A_1796, %mul3A_1797 : vector<128x128xf32>
    %tanh3A_1799 = math.tanh %add3A_1798 : vector<128x128xf32>
    %mul3A_1800 = arith.mulf %logistic3A_1795, %tanh3A_1799 : vector<128x128xf32>
    %swap3A_1801 = arith.constant 0 : index
    %swap3A_1802 = arith.constant 0 : index
    %swap3A_1803 = vector.load %arg10[%swap3A_1801, %swap3A_1802] : memref<128x128xf32, #tpu.memory_space<vmem>>, vector<128x128xf32>
    tpu.vector_store %arg10[%swap3A_1801, %swap3A_1802], %add3A_1798 {strides = array<i32>} : memref<128x128xf32, #tpu.memory_space<vmem>>, vector<128x128xf32>,
    %swap3A_1804 = arith.constant 0 : index
    %swap3A_1805 = arith.constant 0 : index
    %swap3A_1806 = vector.load %arg9[%swap3A_1804, %swap3A_1805] : memref<128x128xf32, #tpu.memory_space<vmem>>, vector<128x128xf32>
    tpu.vector_store %arg9[%swap3A_1804, %swap3A_1805], %mul3A_1800 {strides = array<i32>} : memref<128x128xf32, #tpu.memory_space<vmem>>, vector<128x128xf32>,
    %get3A_1807 = arith.constant 0 : index
    %get3A_1808 = arith.constant 0 : index
    %get3A_1809 = vector.load %arg5[%get3A_1807, %get3A_1808] : memref<128x1xf32, #tpu.memory_space<vmem>>, vector<128x1xf32>
    %dot_general3A_1810 = arith.constant dense<0.000000e+00> : vector<128x1xf32>
    %dot_general3A_1811 = tpu.matmul %mul3A_1800, %get3A_1809, %dot_general3A_1810 {dimension_numbers = #tpu.dot_dimension_numbers<[1], [0], [0], [1], [0, 0, 1, 1], [], []>, transpose_lhs_hint = false} : vector<128x128xf32>, vector<128x1xf32>, vector<128x1xf32> -> vector<128x1xf32>
    %get3A_1812 = arith.constant 0 : index
    %get3A_1813 = arith.constant 0 : index
    %get3A_1814 = vector.load %arg11[%get3A_1812, %get3A_1813] : memref<128x1xf32, #tpu.memory_space<vmem>>, vector<128x1xf32>
    %max3A_1815 = arith.maximumf %get3A_1814, %dot_general3A_1811 : vector<128x1xf32>
    %sub3A_1816 = arith.subf %get3A_1814, %max3A_1815 : vector<128x1xf32>
    %exp3A_1817 = math.exp %sub3A_1816 : vector<128x1xf32>
    %sub3A_1818 = arith.subf %dot_general3A_1811, %max3A_1815 : vector<128x1xf32>
    %exp3A_1819 = math.exp %sub3A_1818 : vector<128x1xf32>
    %swap3A_1820 = arith.constant 0 : index
    %swap3A_1821 = arith.constant 0 : index
    %swap3A_1822 = vector.load %arg11[%swap3A_1820, %swap3A_1821] : memref<128x1xf32, #tpu.memory_space<vmem>>, vector<128x1xf32>
    tpu.vector_store %arg11[%swap3A_1820, %swap3A_1821], %max3A_1815 {strides = array<i32>} : memref<128x1xf32, #tpu.memory_space<vmem>>, vector<128x1xf32>,
    %get3A_1823 = arith.constant 0 : index
    %get3A_1824 = arith.constant 0 : index
    %get3A_1825 = vector.load %arg12[%get3A_1823, %get3A_1824] : memref<128x1xf32, #tpu.memory_space<vmem>>, vector<128x1xf32>
    %mul3A_1826 = arith.mulf %get3A_1825, %exp3A_1817 : vector<128x1xf32>
    %add3A_1827 = arith.addf %mul3A_1826, %exp3A_1819 : vector<128x1xf32>
    %swap3A_1828 = arith.constant 0 : index
    %swap3A_1829 = arith.constant 0 : index
    %swap3A_1830 = vector.load %arg12[%swap3A_1828, %swap3A_1829] : memref<128x1xf32, #tpu.memory_space<vmem>>, vector<128x1xf32>
    tpu.vector_store %arg12[%swap3A_1828, %swap3A_1829], %add3A_1827 {strides = array<i32>} : memref<128x1xf32, #tpu.memory_space<vmem>>, vector<128x1xf32>,
    %get3A_1831 = arith.constant 0 : index
    %get3A_1832 = arith.constant 0 : index
    %get3A_1833 = vector.load %arg13[%get3A_1831, %get3A_1832] : memref<128x128xf32, #tpu.memory_space<vmem>>, vector<128x128xf32>
    %mul3A_1834 = vector.broadcast %exp3A_1817 : vector<128x1xf32> to vector<128x128xf32>
    %mul3A_1835 = arith.mulf %get3A_1833, %mul3A_1834 : vector<128x128xf32>
    %mul3A_1836 = vector.broadcast %exp3A_1819 : vector<128x1xf32> to vector<128x128xf32>
    %mul3A_1837 = arith.mulf %mul3A_1836, %mul3A_1800 : vector<128x128xf32>
    %add3A_1838 = arith.addf %mul3A_1835, %mul3A_1837 : vector<128x128xf32>
    %swap3A_1839 = arith.constant 0 : index
    %swap3A_1840 = arith.constant 0 : index
    %swap3A_1841 = vector.load %arg13[%swap3A_1839, %swap3A_1840] : memref<128x128xf32, #tpu.memory_space<vmem>>, vector<128x128xf32>
    tpu.vector_store %arg13[%swap3A_1839, %swap3A_1840], %add3A_1838 {strides = array<i32>} : memref<128x128xf32, #tpu.memory_space<vmem>>, vector<128x128xf32>,
    %scan3A_1842 = arith.constant 20 : i32
    %get3A_1843 = arith.constant 0 : index
    %get3A_1844 = arith.constant 0 : index
    %get3A_1845 = vector.load %arg9[%get3A_1843, %get3A_1844] : memref<128x128xf32, #tpu.memory_space<vmem>>, vector<128x128xf32>
    %get3A_1846 = arith.constant 0 : index
    %get3A_1847 = arith.constant 0 : index
    %get3A_1848 = vector.load %arg10[%get3A_1846, %get3A_1847] : memref<128x128xf32, #tpu.memory_space<vmem>>, vector<128x128xf32>
    %mul3A_1849 = arith.constant 128 : i32
    %mul3A_1850 = arith.muli %scan3A_1842, %mul3A_1849 : i32
    %get3A_1851 = arith.index_cast %mul3A_1850 : i32 to index
    %get3A_1852 = arith.constant 0 : index
    %get3A_1853 = vector.load %arg14[%get3A_1851, %get3A_1852] : memref<4096x512xf32, #tpu.memory_space<vmem>>, vector<128x512xf32>
    %get3A_1854 = arith.constant 0 : index
    %get3A_1855 = arith.constant 0 : index
    %get3A_1856 = vector.load %arg3[%get3A_1854, %get3A_1855] : memref<128x512xf32, #tpu.memory_space<vmem>>, vector<128x512xf32>
    %dot_general3A_1857 = arith.constant dense<0.000000e+00> : vector<128x512xf32>
    %dot_general3A_1858 = tpu.matmul %get3A_1845, %get3A_1856, %dot_general3A_1857 {dimension_numbers = #tpu.dot_dimension_numbers<[1], [0], [0], [1], [0, 0, 1, 1], [], []>, transpose_lhs_hint = false} : vector<128x128xf32>, vector<128x512xf32>, vector<128x512xf32> -> vector<128x512xf32>
    %add3A_1859 = arith.addf %get3A_1853, %dot_general3A_1858 : vector<128x512xf32>
    %get3A_1860 = arith.constant 0 : index
    %get3A_1861 = arith.constant 0 : index
    %get3A_1862 = vector.load %arg4[%get3A_1860, %get3A_1861] : memref<1x512xf32, #tpu.memory_space<vmem>>, vector<1x512xf32>
    %add3A_1863 = vector.broadcast %get3A_1862 : vector<1x512xf32> to vector<128x512xf32>
    %add3A_1864 = arith.addf %add3A_1859, %add3A_1863 : vector<128x512xf32>
    %slice3A_1865 = vector.extract_strided_slice %add3A_1864 {offsets = [0, 0], sizes = [128, 128], strides = [1, 1]} : vector<128x512xf32> to vector<128x128xf32>
    %logistic3A_1866 = arith.negf %slice3A_1865 : vector<128x128xf32>
    %logistic3A_1867 = math.exp %logistic3A_1866 : vector<128x128xf32>
    %logistic3A_1868 = arith.constant 1.000000e+00 : f32
    %logistic3A_1869 = vector.broadcast %logistic3A_1868 : f32 to vector<128x128xf32>
    %logistic3A_1870 = arith.addf %logistic3A_1869, %logistic3A_1867 : vector<128x128xf32>
    %logistic3A_1871 = arith.divf %logistic3A_1869, %logistic3A_1870 : vector<128x128xf32>
    %slice3A_1872 = vector.extract_strided_slice %add3A_1864 {offsets = [0, 128], sizes = [128, 128], strides = [1, 1]} : vector<128x512xf32> to vector<128x128xf32>
    %logistic3A_1873 = arith.negf %slice3A_1872 : vector<128x128xf32>
    %logistic3A_1874 = math.exp %logistic3A_1873 : vector<128x128xf32>
    %logistic3A_1875 = arith.constant 1.000000e+00 : f32
    %logistic3A_1876 = vector.broadcast %logistic3A_1875 : f32 to vector<128x128xf32>
    %logistic3A_1877 = arith.addf %logistic3A_1876, %logistic3A_1874 : vector<128x128xf32>
    %logistic3A_1878 = arith.divf %logistic3A_1876, %logistic3A_1877 : vector<128x128xf32>
    %slice3A_1879 = vector.extract_strided_slice %add3A_1864 {offsets = [0, 256], sizes = [128, 128], strides = [1, 1]} : vector<128x512xf32> to vector<128x128xf32>
    %tanh3A_1880 = math.tanh %slice3A_1879 : vector<128x128xf32>
    %slice3A_1881 = vector.extract_strided_slice %add3A_1864 {offsets = [0, 384], sizes = [128, 128], strides = [1, 1]} : vector<128x512xf32> to vector<128x128xf32>
    %logistic3A_1882 = arith.negf %slice3A_1881 : vector<128x128xf32>
    %logistic3A_1883 = math.exp %logistic3A_1882 : vector<128x128xf32>
    %logistic3A_1884 = arith.constant 1.000000e+00 : f32
    %logistic3A_1885 = vector.broadcast %logistic3A_1884 : f32 to vector<128x128xf32>
    %logistic3A_1886 = arith.addf %logistic3A_1885, %logistic3A_1883 : vector<128x128xf32>
    %logistic3A_1887 = arith.divf %logistic3A_1885, %logistic3A_1886 : vector<128x128xf32>
    %mul3A_1888 = arith.mulf %logistic3A_1878, %get3A_1848 : vector<128x128xf32>
    %mul3A_1889 = arith.mulf %logistic3A_1871, %tanh3A_1880 : vector<128x128xf32>
    %add3A_1890 = arith.addf %mul3A_1888, %mul3A_1889 : vector<128x128xf32>
    %tanh3A_1891 = math.tanh %add3A_1890 : vector<128x128xf32>
    %mul3A_1892 = arith.mulf %logistic3A_1887, %tanh3A_1891 : vector<128x128xf32>
    %swap3A_1893 = arith.constant 0 : index
    %swap3A_1894 = arith.constant 0 : index
    %swap3A_1895 = vector.load %arg10[%swap3A_1893, %swap3A_1894] : memref<128x128xf32, #tpu.memory_space<vmem>>, vector<128x128xf32>
    tpu.vector_store %arg10[%swap3A_1893, %swap3A_1894], %add3A_1890 {strides = array<i32>} : memref<128x128xf32, #tpu.memory_space<vmem>>, vector<128x128xf32>,
    %swap3A_1896 = arith.constant 0 : index
    %swap3A_1897 = arith.constant 0 : index
    %swap3A_1898 = vector.load %arg9[%swap3A_1896, %swap3A_1897] : memref<128x128xf32, #tpu.memory_space<vmem>>, vector<128x128xf32>
    tpu.vector_store %arg9[%swap3A_1896, %swap3A_1897], %mul3A_1892 {strides = array<i32>} : memref<128x128xf32, #tpu.memory_space<vmem>>, vector<128x128xf32>,
    %get3A_1899 = arith.constant 0 : index
    %get3A_1900 = arith.constant 0 : index
    %get3A_1901 = vector.load %arg5[%get3A_1899, %get3A_1900] : memref<128x1xf32, #tpu.memory_space<vmem>>, vector<128x1xf32>
    %dot_general3A_1902 = arith.constant dense<0.000000e+00> : vector<128x1xf32>
    %dot_general3A_1903 = tpu.matmul %mul3A_1892, %get3A_1901, %dot_general3A_1902 {dimension_numbers = #tpu.dot_dimension_numbers<[1], [0], [0], [1], [0, 0, 1, 1], [], []>, transpose_lhs_hint = false} : vector<128x128xf32>, vector<128x1xf32>, vector<128x1xf32> -> vector<128x1xf32>
    %get3A_1904 = arith.constant 0 : index
    %get3A_1905 = arith.constant 0 : index
    %get3A_1906 = vector.load %arg11[%get3A_1904, %get3A_1905] : memref<128x1xf32, #tpu.memory_space<vmem>>, vector<128x1xf32>
    %max3A_1907 = arith.maximumf %get3A_1906, %dot_general3A_1903 : vector<128x1xf32>
    %sub3A_1908 = arith.subf %get3A_1906, %max3A_1907 : vector<128x1xf32>
    %exp3A_1909 = math.exp %sub3A_1908 : vector<128x1xf32>
    %sub3A_1910 = arith.subf %dot_general3A_1903, %max3A_1907 : vector<128x1xf32>
    %exp3A_1911 = math.exp %sub3A_1910 : vector<128x1xf32>
    %swap3A_1912 = arith.constant 0 : index
    %swap3A_1913 = arith.constant 0 : index
    %swap3A_1914 = vector.load %arg11[%swap3A_1912, %swap3A_1913] : memref<128x1xf32, #tpu.memory_space<vmem>>, vector<128x1xf32>
    tpu.vector_store %arg11[%swap3A_1912, %swap3A_1913], %max3A_1907 {strides = array<i32>} : memref<128x1xf32, #tpu.memory_space<vmem>>, vector<128x1xf32>,
    %get3A_1915 = arith.constant 0 : index
    %get3A_1916 = arith.constant 0 : index
    %get3A_1917 = vector.load %arg12[%get3A_1915, %get3A_1916] : memref<128x1xf32, #tpu.memory_space<vmem>>, vector<128x1xf32>
    %mul3A_1918 = arith.mulf %get3A_1917, %exp3A_1909 : vector<128x1xf32>
    %add3A_1919 = arith.addf %mul3A_1918, %exp3A_1911 : vector<128x1xf32>
    %swap3A_1920 = arith.constant 0 : index
    %swap3A_1921 = arith.constant 0 : index
    %swap3A_1922 = vector.load %arg12[%swap3A_1920, %swap3A_1921] : memref<128x1xf32, #tpu.memory_space<vmem>>, vector<128x1xf32>
    tpu.vector_store %arg12[%swap3A_1920, %swap3A_1921], %add3A_1919 {strides = array<i32>} : memref<128x1xf32, #tpu.memory_space<vmem>>, vector<128x1xf32>,
    %get3A_1923 = arith.constant 0 : index
    %get3A_1924 = arith.constant 0 : index
    %get3A_1925 = vector.load %arg13[%get3A_1923, %get3A_1924] : memref<128x128xf32, #tpu.memory_space<vmem>>, vector<128x128xf32>
    %mul3A_1926 = vector.broadcast %exp3A_1909 : vector<128x1xf32> to vector<128x128xf32>
    %mul3A_1927 = arith.mulf %get3A_1925, %mul3A_1926 : vector<128x128xf32>
    %mul3A_1928 = vector.broadcast %exp3A_1911 : vector<128x1xf32> to vector<128x128xf32>
    %mul3A_1929 = arith.mulf %mul3A_1928, %mul3A_1892 : vector<128x128xf32>
    %add3A_1930 = arith.addf %mul3A_1927, %mul3A_1929 : vector<128x128xf32>
    %swap3A_1931 = arith.constant 0 : index
    %swap3A_1932 = arith.constant 0 : index
    %swap3A_1933 = vector.load %arg13[%swap3A_1931, %swap3A_1932] : memref<128x128xf32, #tpu.memory_space<vmem>>, vector<128x128xf32>
    tpu.vector_store %arg13[%swap3A_1931, %swap3A_1932], %add3A_1930 {strides = array<i32>} : memref<128x128xf32, #tpu.memory_space<vmem>>, vector<128x128xf32>,
    %scan3A_1934 = arith.constant 21 : i32
    %get3A_1935 = arith.constant 0 : index
    %get3A_1936 = arith.constant 0 : index
    %get3A_1937 = vector.load %arg9[%get3A_1935, %get3A_1936] : memref<128x128xf32, #tpu.memory_space<vmem>>, vector<128x128xf32>
    %get3A_1938 = arith.constant 0 : index
    %get3A_1939 = arith.constant 0 : index
    %get3A_1940 = vector.load %arg10[%get3A_1938, %get3A_1939] : memref<128x128xf32, #tpu.memory_space<vmem>>, vector<128x128xf32>
    %mul3A_1941 = arith.constant 128 : i32
    %mul3A_1942 = arith.muli %scan3A_1934, %mul3A_1941 : i32
    %get3A_1943 = arith.index_cast %mul3A_1942 : i32 to index
    %get3A_1944 = arith.constant 0 : index
    %get3A_1945 = vector.load %arg14[%get3A_1943, %get3A_1944] : memref<4096x512xf32, #tpu.memory_space<vmem>>, vector<128x512xf32>
    %get3A_1946 = arith.constant 0 : index
    %get3A_1947 = arith.constant 0 : index
    %get3A_1948 = vector.load %arg3[%get3A_1946, %get3A_1947] : memref<128x512xf32, #tpu.memory_space<vmem>>, vector<128x512xf32>
    %dot_general3A_1949 = arith.constant dense<0.000000e+00> : vector<128x512xf32>
    %dot_general3A_1950 = tpu.matmul %get3A_1937, %get3A_1948, %dot_general3A_1949 {dimension_numbers = #tpu.dot_dimension_numbers<[1], [0], [0], [1], [0, 0, 1, 1], [], []>, transpose_lhs_hint = false} : vector<128x128xf32>, vector<128x512xf32>, vector<128x512xf32> -> vector<128x512xf32>
    %add3A_1951 = arith.addf %get3A_1945, %dot_general3A_1950 : vector<128x512xf32>
    %get3A_1952 = arith.constant 0 : index
    %get3A_1953 = arith.constant 0 : index
    %get3A_1954 = vector.load %arg4[%get3A_1952, %get3A_1953] : memref<1x512xf32, #tpu.memory_space<vmem>>, vector<1x512xf32>
    %add3A_1955 = vector.broadcast %get3A_1954 : vector<1x512xf32> to vector<128x512xf32>
    %add3A_1956 = arith.addf %add3A_1951, %add3A_1955 : vector<128x512xf32>
    %slice3A_1957 = vector.extract_strided_slice %add3A_1956 {offsets = [0, 0], sizes = [128, 128], strides = [1, 1]} : vector<128x512xf32> to vector<128x128xf32>
    %logistic3A_1958 = arith.negf %slice3A_1957 : vector<128x128xf32>
    %logistic3A_1959 = math.exp %logistic3A_1958 : vector<128x128xf32>
    %logistic3A_1960 = arith.constant 1.000000e+00 : f32
    %logistic3A_1961 = vector.broadcast %logistic3A_1960 : f32 to vector<128x128xf32>
    %logistic3A_1962 = arith.addf %logistic3A_1961, %logistic3A_1959 : vector<128x128xf32>
    %logistic3A_1963 = arith.divf %logistic3A_1961, %logistic3A_1962 : vector<128x128xf32>
    %slice3A_1964 = vector.extract_strided_slice %add3A_1956 {offsets = [0, 128], sizes = [128, 128], strides = [1, 1]} : vector<128x512xf32> to vector<128x128xf32>
    %logistic3A_1965 = arith.negf %slice3A_1964 : vector<128x128xf32>
    %logistic3A_1966 = math.exp %logistic3A_1965 : vector<128x128xf32>
    %logistic3A_1967 = arith.constant 1.000000e+00 : f32
    %logistic3A_1968 = vector.broadcast %logistic3A_1967 : f32 to vector<128x128xf32>
    %logistic3A_1969 = arith.addf %logistic3A_1968, %logistic3A_1966 : vector<128x128xf32>
    %logistic3A_1970 = arith.divf %logistic3A_1968, %logistic3A_1969 : vector<128x128xf32>
    %slice3A_1971 = vector.extract_strided_slice %add3A_1956 {offsets = [0, 256], sizes = [128, 128], strides = [1, 1]} : vector<128x512xf32> to vector<128x128xf32>
    %tanh3A_1972 = math.tanh %slice3A_1971 : vector<128x128xf32>
    %slice3A_1973 = vector.extract_strided_slice %add3A_1956 {offsets = [0, 384], sizes = [128, 128], strides = [1, 1]} : vector<128x512xf32> to vector<128x128xf32>
    %logistic3A_1974 = arith.negf %slice3A_1973 : vector<128x128xf32>
    %logistic3A_1975 = math.exp %logistic3A_1974 : vector<128x128xf32>
    %logistic3A_1976 = arith.constant 1.000000e+00 : f32
    %logistic3A_1977 = vector.broadcast %logistic3A_1976 : f32 to vector<128x128xf32>
    %logistic3A_1978 = arith.addf %logistic3A_1977, %logistic3A_1975 : vector<128x128xf32>
    %logistic3A_1979 = arith.divf %logistic3A_1977, %logistic3A_1978 : vector<128x128xf32>
    %mul3A_1980 = arith.mulf %logistic3A_1970, %get3A_1940 : vector<128x128xf32>
    %mul3A_1981 = arith.mulf %logistic3A_1963, %tanh3A_1972 : vector<128x128xf32>
    %add3A_1982 = arith.addf %mul3A_1980, %mul3A_1981 : vector<128x128xf32>
    %tanh3A_1983 = math.tanh %add3A_1982 : vector<128x128xf32>
    %mul3A_1984 = arith.mulf %logistic3A_1979, %tanh3A_1983 : vector<128x128xf32>
    %swap3A_1985 = arith.constant 0 : index
    %swap3A_1986 = arith.constant 0 : index
    %swap3A_1987 = vector.load %arg10[%swap3A_1985, %swap3A_1986] : memref<128x128xf32, #tpu.memory_space<vmem>>, vector<128x128xf32>
    tpu.vector_store %arg10[%swap3A_1985, %swap3A_1986], %add3A_1982 {strides = array<i32>} : memref<128x128xf32, #tpu.memory_space<vmem>>, vector<128x128xf32>,
    %swap3A_1988 = arith.constant 0 : index
    %swap3A_1989 = arith.constant 0 : index
    %swap3A_1990 = vector.load %arg9[%swap3A_1988, %swap3A_1989] : memref<128x128xf32, #tpu.memory_space<vmem>>, vector<128x128xf32>
    tpu.vector_store %arg9[%swap3A_1988, %swap3A_1989], %mul3A_1984 {strides = array<i32>} : memref<128x128xf32, #tpu.memory_space<vmem>>, vector<128x128xf32>,
    %get3A_1991 = arith.constant 0 : index
    %get3A_1992 = arith.constant 0 : index
    %get3A_1993 = vector.load %arg5[%get3A_1991, %get3A_1992] : memref<128x1xf32, #tpu.memory_space<vmem>>, vector<128x1xf32>
    %dot_general3A_1994 = arith.constant dense<0.000000e+00> : vector<128x1xf32>
    %dot_general3A_1995 = tpu.matmul %mul3A_1984, %get3A_1993, %dot_general3A_1994 {dimension_numbers = #tpu.dot_dimension_numbers<[1], [0], [0], [1], [0, 0, 1, 1], [], []>, transpose_lhs_hint = false} : vector<128x128xf32>, vector<128x1xf32>, vector<128x1xf32> -> vector<128x1xf32>
    %get3A_1996 = arith.constant 0 : index
    %get3A_1997 = arith.constant 0 : index
    %get3A_1998 = vector.load %arg11[%get3A_1996, %get3A_1997] : memref<128x1xf32, #tpu.memory_space<vmem>>, vector<128x1xf32>
    %max3A_1999 = arith.maximumf %get3A_1998, %dot_general3A_1995 : vector<128x1xf32>
    %sub3A_2000 = arith.subf %get3A_1998, %max3A_1999 : vector<128x1xf32>
    %exp3A_2001 = math.exp %sub3A_2000 : vector<128x1xf32>
    %sub3A_2002 = arith.subf %dot_general3A_1995, %max3A_1999 : vector<128x1xf32>
    %exp3A_2003 = math.exp %sub3A_2002 : vector<128x1xf32>
    %swap3A_2004 = arith.constant 0 : index
    %swap3A_2005 = arith.constant 0 : index
    %swap3A_2006 = vector.load %arg11[%swap3A_2004, %swap3A_2005] : memref<128x1xf32, #tpu.memory_space<vmem>>, vector<128x1xf32>
    tpu.vector_store %arg11[%swap3A_2004, %swap3A_2005], %max3A_1999 {strides = array<i32>} : memref<128x1xf32, #tpu.memory_space<vmem>>, vector<128x1xf32>,
    %get3A_2007 = arith.constant 0 : index
    %get3A_2008 = arith.constant 0 : index
    %get3A_2009 = vector.load %arg12[%get3A_2007, %get3A_2008] : memref<128x1xf32, #tpu.memory_space<vmem>>, vector<128x1xf32>
    %mul3A_2010 = arith.mulf %get3A_2009, %exp3A_2001 : vector<128x1xf32>
    %add3A_2011 = arith.addf %mul3A_2010, %exp3A_2003 : vector<128x1xf32>
    %swap3A_2012 = arith.constant 0 : index
    %swap3A_2013 = arith.constant 0 : index
    %swap3A_2014 = vector.load %arg12[%swap3A_2012, %swap3A_2013] : memref<128x1xf32, #tpu.memory_space<vmem>>, vector<128x1xf32>
    tpu.vector_store %arg12[%swap3A_2012, %swap3A_2013], %add3A_2011 {strides = array<i32>} : memref<128x1xf32, #tpu.memory_space<vmem>>, vector<128x1xf32>,
    %get3A_2015 = arith.constant 0 : index
    %get3A_2016 = arith.constant 0 : index
    %get3A_2017 = vector.load %arg13[%get3A_2015, %get3A_2016] : memref<128x128xf32, #tpu.memory_space<vmem>>, vector<128x128xf32>
    %mul3A_2018 = vector.broadcast %exp3A_2001 : vector<128x1xf32> to vector<128x128xf32>
    %mul3A_2019 = arith.mulf %get3A_2017, %mul3A_2018 : vector<128x128xf32>
    %mul3A_2020 = vector.broadcast %exp3A_2003 : vector<128x1xf32> to vector<128x128xf32>
    %mul3A_2021 = arith.mulf %mul3A_2020, %mul3A_1984 : vector<128x128xf32>
    %add3A_2022 = arith.addf %mul3A_2019, %mul3A_2021 : vector<128x128xf32>
    %swap3A_2023 = arith.constant 0 : index
    %swap3A_2024 = arith.constant 0 : index
    %swap3A_2025 = vector.load %arg13[%swap3A_2023, %swap3A_2024] : memref<128x128xf32, #tpu.memory_space<vmem>>, vector<128x128xf32>
    tpu.vector_store %arg13[%swap3A_2023, %swap3A_2024], %add3A_2022 {strides = array<i32>} : memref<128x128xf32, #tpu.memory_space<vmem>>, vector<128x128xf32>,
    %scan3A_2026 = arith.constant 22 : i32
    %get3A_2027 = arith.constant 0 : index
    %get3A_2028 = arith.constant 0 : index
    %get3A_2029 = vector.load %arg9[%get3A_2027, %get3A_2028] : memref<128x128xf32, #tpu.memory_space<vmem>>, vector<128x128xf32>
    %get3A_2030 = arith.constant 0 : index
    %get3A_2031 = arith.constant 0 : index
    %get3A_2032 = vector.load %arg10[%get3A_2030, %get3A_2031] : memref<128x128xf32, #tpu.memory_space<vmem>>, vector<128x128xf32>
    %mul3A_2033 = arith.constant 128 : i32
    %mul3A_2034 = arith.muli %scan3A_2026, %mul3A_2033 : i32
    %get3A_2035 = arith.index_cast %mul3A_2034 : i32 to index
    %get3A_2036 = arith.constant 0 : index
    %get3A_2037 = vector.load %arg14[%get3A_2035, %get3A_2036] : memref<4096x512xf32, #tpu.memory_space<vmem>>, vector<128x512xf32>
    %get3A_2038 = arith.constant 0 : index
    %get3A_2039 = arith.constant 0 : index
    %get3A_2040 = vector.load %arg3[%get3A_2038, %get3A_2039] : memref<128x512xf32, #tpu.memory_space<vmem>>, vector<128x512xf32>
    %dot_general3A_2041 = arith.constant dense<0.000000e+00> : vector<128x512xf32>
    %dot_general3A_2042 = tpu.matmul %get3A_2029, %get3A_2040, %dot_general3A_2041 {dimension_numbers = #tpu.dot_dimension_numbers<[1], [0], [0], [1], [0, 0, 1, 1], [], []>, transpose_lhs_hint = false} : vector<128x128xf32>, vector<128x512xf32>, vector<128x512xf32> -> vector<128x512xf32>
    %add3A_2043 = arith.addf %get3A_2037, %dot_general3A_2042 : vector<128x512xf32>
    %get3A_2044 = arith.constant 0 : index
    %get3A_2045 = arith.constant 0 : index
    %get3A_2046 = vector.load %arg4[%get3A_2044, %get3A_2045] : memref<1x512xf32, #tpu.memory_space<vmem>>, vector<1x512xf32>
    %add3A_2047 = vector.broadcast %get3A_2046 : vector<1x512xf32> to vector<128x512xf32>
    %add3A_2048 = arith.addf %add3A_2043, %add3A_2047 : vector<128x512xf32>
    %slice3A_2049 = vector.extract_strided_slice %add3A_2048 {offsets = [0, 0], sizes = [128, 128], strides = [1, 1]} : vector<128x512xf32> to vector<128x128xf32>
    %logistic3A_2050 = arith.negf %slice3A_2049 : vector<128x128xf32>
    %logistic3A_2051 = math.exp %logistic3A_2050 : vector<128x128xf32>
    %logistic3A_2052 = arith.constant 1.000000e+00 : f32
    %logistic3A_2053 = vector.broadcast %logistic3A_2052 : f32 to vector<128x128xf32>
    %logistic3A_2054 = arith.addf %logistic3A_2053, %logistic3A_2051 : vector<128x128xf32>
    %logistic3A_2055 = arith.divf %logistic3A_2053, %logistic3A_2054 : vector<128x128xf32>
    %slice3A_2056 = vector.extract_strided_slice %add3A_2048 {offsets = [0, 128], sizes = [128, 128], strides = [1, 1]} : vector<128x512xf32> to vector<128x128xf32>
    %logistic3A_2057 = arith.negf %slice3A_2056 : vector<128x128xf32>
    %logistic3A_2058 = math.exp %logistic3A_2057 : vector<128x128xf32>
    %logistic3A_2059 = arith.constant 1.000000e+00 : f32
    %logistic3A_2060 = vector.broadcast %logistic3A_2059 : f32 to vector<128x128xf32>
    %logistic3A_2061 = arith.addf %logistic3A_2060, %logistic3A_2058 : vector<128x128xf32>
    %logistic3A_2062 = arith.divf %logistic3A_2060, %logistic3A_2061 : vector<128x128xf32>
    %slice3A_2063 = vector.extract_strided_slice %add3A_2048 {offsets = [0, 256], sizes = [128, 128], strides = [1, 1]} : vector<128x512xf32> to vector<128x128xf32>
    %tanh3A_2064 = math.tanh %slice3A_2063 : vector<128x128xf32>
    %slice3A_2065 = vector.extract_strided_slice %add3A_2048 {offsets = [0, 384], sizes = [128, 128], strides = [1, 1]} : vector<128x512xf32> to vector<128x128xf32>
    %logistic3A_2066 = arith.negf %slice3A_2065 : vector<128x128xf32>
    %logistic3A_2067 = math.exp %logistic3A_2066 : vector<128x128xf32>
    %logistic3A_2068 = arith.constant 1.000000e+00 : f32
    %logistic3A_2069 = vector.broadcast %logistic3A_2068 : f32 to vector<128x128xf32>
    %logistic3A_2070 = arith.addf %logistic3A_2069, %logistic3A_2067 : vector<128x128xf32>
    %logistic3A_2071 = arith.divf %logistic3A_2069, %logistic3A_2070 : vector<128x128xf32>
    %mul3A_2072 = arith.mulf %logistic3A_2062, %get3A_2032 : vector<128x128xf32>
    %mul3A_2073 = arith.mulf %logistic3A_2055, %tanh3A_2064 : vector<128x128xf32>
    %add3A_2074 = arith.addf %mul3A_2072, %mul3A_2073 : vector<128x128xf32>
    %tanh3A_2075 = math.tanh %add3A_2074 : vector<128x128xf32>
    %mul3A_2076 = arith.mulf %logistic3A_2071, %tanh3A_2075 : vector<128x128xf32>
    %swap3A_2077 = arith.constant 0 : index
    %swap3A_2078 = arith.constant 0 : index
    %swap3A_2079 = vector.load %arg10[%swap3A_2077, %swap3A_2078] : memref<128x128xf32, #tpu.memory_space<vmem>>, vector<128x128xf32>
    tpu.vector_store %arg10[%swap3A_2077, %swap3A_2078], %add3A_2074 {strides = array<i32>} : memref<128x128xf32, #tpu.memory_space<vmem>>, vector<128x128xf32>,
    %swap3A_2080 = arith.constant 0 : index
    %swap3A_2081 = arith.constant 0 : index
    %swap3A_2082 = vector.load %arg9[%swap3A_2080, %swap3A_2081] : memref<128x128xf32, #tpu.memory_space<vmem>>, vector<128x128xf32>
    tpu.vector_store %arg9[%swap3A_2080, %swap3A_2081], %mul3A_2076 {strides = array<i32>} : memref<128x128xf32, #tpu.memory_space<vmem>>, vector<128x128xf32>,
    %get3A_2083 = arith.constant 0 : index
    %get3A_2084 = arith.constant 0 : index
    %get3A_2085 = vector.load %arg5[%get3A_2083, %get3A_2084] : memref<128x1xf32, #tpu.memory_space<vmem>>, vector<128x1xf32>
    %dot_general3A_2086 = arith.constant dense<0.000000e+00> : vector<128x1xf32>
    %dot_general3A_2087 = tpu.matmul %mul3A_2076, %get3A_2085, %dot_general3A_2086 {dimension_numbers = #tpu.dot_dimension_numbers<[1], [0], [0], [1], [0, 0, 1, 1], [], []>, transpose_lhs_hint = false} : vector<128x128xf32>, vector<128x1xf32>, vector<128x1xf32> -> vector<128x1xf32>
    %get3A_2088 = arith.constant 0 : index
    %get3A_2089 = arith.constant 0 : index
    %get3A_2090 = vector.load %arg11[%get3A_2088, %get3A_2089] : memref<128x1xf32, #tpu.memory_space<vmem>>, vector<128x1xf32>
    %max3A_2091 = arith.maximumf %get3A_2090, %dot_general3A_2087 : vector<128x1xf32>
    %sub3A_2092 = arith.subf %get3A_2090, %max3A_2091 : vector<128x1xf32>
    %exp3A_2093 = math.exp %sub3A_2092 : vector<128x1xf32>
    %sub3A_2094 = arith.subf %dot_general3A_2087, %max3A_2091 : vector<128x1xf32>
    %exp3A_2095 = math.exp %sub3A_2094 : vector<128x1xf32>
    %swap3A_2096 = arith.constant 0 : index
    %swap3A_2097 = arith.constant 0 : index
    %swap3A_2098 = vector.load %arg11[%swap3A_2096, %swap3A_2097] : memref<128x1xf32, #tpu.memory_space<vmem>>, vector<128x1xf32>
    tpu.vector_store %arg11[%swap3A_2096, %swap3A_2097], %max3A_2091 {strides = array<i32>} : memref<128x1xf32, #tpu.memory_space<vmem>>, vector<128x1xf32>,
    %get3A_2099 = arith.constant 0 : index
    %get3A_2100 = arith.constant 0 : index
    %get3A_2101 = vector.load %arg12[%get3A_2099, %get3A_2100] : memref<128x1xf32, #tpu.memory_space<vmem>>, vector<128x1xf32>
    %mul3A_2102 = arith.mulf %get3A_2101, %exp3A_2093 : vector<128x1xf32>
    %add3A_2103 = arith.addf %mul3A_2102, %exp3A_2095 : vector<128x1xf32>
    %swap3A_2104 = arith.constant 0 : index
    %swap3A_2105 = arith.constant 0 : index
    %swap3A_2106 = vector.load %arg12[%swap3A_2104, %swap3A_2105] : memref<128x1xf32, #tpu.memory_space<vmem>>, vector<128x1xf32>
    tpu.vector_store %arg12[%swap3A_2104, %swap3A_2105], %add3A_2103 {strides = array<i32>} : memref<128x1xf32, #tpu.memory_space<vmem>>, vector<128x1xf32>,
    %get3A_2107 = arith.constant 0 : index
    %get3A_2108 = arith.constant 0 : index
    %get3A_2109 = vector.load %arg13[%get3A_2107, %get3A_2108] : memref<128x128xf32, #tpu.memory_space<vmem>>, vector<128x128xf32>
    %mul3A_2110 = vector.broadcast %exp3A_2093 : vector<128x1xf32> to vector<128x128xf32>
    %mul3A_2111 = arith.mulf %get3A_2109, %mul3A_2110 : vector<128x128xf32>
    %mul3A_2112 = vector.broadcast %exp3A_2095 : vector<128x1xf32> to vector<128x128xf32>
    %mul3A_2113 = arith.mulf %mul3A_2112, %mul3A_2076 : vector<128x128xf32>
    %add3A_2114 = arith.addf %mul3A_2111, %mul3A_2113 : vector<128x128xf32>
    %swap3A_2115 = arith.constant 0 : index
    %swap3A_2116 = arith.constant 0 : index
    %swap3A_2117 = vector.load %arg13[%swap3A_2115, %swap3A_2116] : memref<128x128xf32, #tpu.memory_space<vmem>>, vector<128x128xf32>
    tpu.vector_store %arg13[%swap3A_2115, %swap3A_2116], %add3A_2114 {strides = array<i32>} : memref<128x128xf32, #tpu.memory_space<vmem>>, vector<128x128xf32>,
    %scan3A_2118 = arith.constant 23 : i32
    %get3A_2119 = arith.constant 0 : index
    %get3A_2120 = arith.constant 0 : index
    %get3A_2121 = vector.load %arg9[%get3A_2119, %get3A_2120] : memref<128x128xf32, #tpu.memory_space<vmem>>, vector<128x128xf32>
    %get3A_2122 = arith.constant 0 : index
    %get3A_2123 = arith.constant 0 : index
    %get3A_2124 = vector.load %arg10[%get3A_2122, %get3A_2123] : memref<128x128xf32, #tpu.memory_space<vmem>>, vector<128x128xf32>
    %mul3A_2125 = arith.constant 128 : i32
    %mul3A_2126 = arith.muli %scan3A_2118, %mul3A_2125 : i32
    %get3A_2127 = arith.index_cast %mul3A_2126 : i32 to index
    %get3A_2128 = arith.constant 0 : index
    %get3A_2129 = vector.load %arg14[%get3A_2127, %get3A_2128] : memref<4096x512xf32, #tpu.memory_space<vmem>>, vector<128x512xf32>
    %get3A_2130 = arith.constant 0 : index
    %get3A_2131 = arith.constant 0 : index
    %get3A_2132 = vector.load %arg3[%get3A_2130, %get3A_2131] : memref<128x512xf32, #tpu.memory_space<vmem>>, vector<128x512xf32>
    %dot_general3A_2133 = arith.constant dense<0.000000e+00> : vector<128x512xf32>
    %dot_general3A_2134 = tpu.matmul %get3A_2121, %get3A_2132, %dot_general3A_2133 {dimension_numbers = #tpu.dot_dimension_numbers<[1], [0], [0], [1], [0, 0, 1, 1], [], []>, transpose_lhs_hint = false} : vector<128x128xf32>, vector<128x512xf32>, vector<128x512xf32> -> vector<128x512xf32>
    %add3A_2135 = arith.addf %get3A_2129, %dot_general3A_2134 : vector<128x512xf32>
    %get3A_2136 = arith.constant 0 : index
    %get3A_2137 = arith.constant 0 : index
    %get3A_2138 = vector.load %arg4[%get3A_2136, %get3A_2137] : memref<1x512xf32, #tpu.memory_space<vmem>>, vector<1x512xf32>
    %add3A_2139 = vector.broadcast %get3A_2138 : vector<1x512xf32> to vector<128x512xf32>
    %add3A_2140 = arith.addf %add3A_2135, %add3A_2139 : vector<128x512xf32>
    %slice3A_2141 = vector.extract_strided_slice %add3A_2140 {offsets = [0, 0], sizes = [128, 128], strides = [1, 1]} : vector<128x512xf32> to vector<128x128xf32>
    %logistic3A_2142 = arith.negf %slice3A_2141 : vector<128x128xf32>
    %logistic3A_2143 = math.exp %logistic3A_2142 : vector<128x128xf32>
    %logistic3A_2144 = arith.constant 1.000000e+00 : f32
    %logistic3A_2145 = vector.broadcast %logistic3A_2144 : f32 to vector<128x128xf32>
    %logistic3A_2146 = arith.addf %logistic3A_2145, %logistic3A_2143 : vector<128x128xf32>
    %logistic3A_2147 = arith.divf %logistic3A_2145, %logistic3A_2146 : vector<128x128xf32>
    %slice3A_2148 = vector.extract_strided_slice %add3A_2140 {offsets = [0, 128], sizes = [128, 128], strides = [1, 1]} : vector<128x512xf32> to vector<128x128xf32>
    %logistic3A_2149 = arith.negf %slice3A_2148 : vector<128x128xf32>
    %logistic3A_2150 = math.exp %logistic3A_2149 : vector<128x128xf32>
    %logistic3A_2151 = arith.constant 1.000000e+00 : f32
    %logistic3A_2152 = vector.broadcast %logistic3A_2151 : f32 to vector<128x128xf32>
    %logistic3A_2153 = arith.addf %logistic3A_2152, %logistic3A_2150 : vector<128x128xf32>
    %logistic3A_2154 = arith.divf %logistic3A_2152, %logistic3A_2153 : vector<128x128xf32>
    %slice3A_2155 = vector.extract_strided_slice %add3A_2140 {offsets = [0, 256], sizes = [128, 128], strides = [1, 1]} : vector<128x512xf32> to vector<128x128xf32>
    %tanh3A_2156 = math.tanh %slice3A_2155 : vector<128x128xf32>
    %slice3A_2157 = vector.extract_strided_slice %add3A_2140 {offsets = [0, 384], sizes = [128, 128], strides = [1, 1]} : vector<128x512xf32> to vector<128x128xf32>
    %logistic3A_2158 = arith.negf %slice3A_2157 : vector<128x128xf32>
    %logistic3A_2159 = math.exp %logistic3A_2158 : vector<128x128xf32>
    %logistic3A_2160 = arith.constant 1.000000e+00 : f32
    %logistic3A_2161 = vector.broadcast %logistic3A_2160 : f32 to vector<128x128xf32>
    %logistic3A_2162 = arith.addf %logistic3A_2161, %logistic3A_2159 : vector<128x128xf32>
    %logistic3A_2163 = arith.divf %logistic3A_2161, %logistic3A_2162 : vector<128x128xf32>
    %mul3A_2164 = arith.mulf %logistic3A_2154, %get3A_2124 : vector<128x128xf32>
    %mul3A_2165 = arith.mulf %logistic3A_2147, %tanh3A_2156 : vector<128x128xf32>
    %add3A_2166 = arith.addf %mul3A_2164, %mul3A_2165 : vector<128x128xf32>
    %tanh3A_2167 = math.tanh %add3A_2166 : vector<128x128xf32>
    %mul3A_2168 = arith.mulf %logistic3A_2163, %tanh3A_2167 : vector<128x128xf32>
    %swap3A_2169 = arith.constant 0 : index
    %swap3A_2170 = arith.constant 0 : index
    %swap3A_2171 = vector.load %arg10[%swap3A_2169, %swap3A_2170] : memref<128x128xf32, #tpu.memory_space<vmem>>, vector<128x128xf32>
    tpu.vector_store %arg10[%swap3A_2169, %swap3A_2170], %add3A_2166 {strides = array<i32>} : memref<128x128xf32, #tpu.memory_space<vmem>>, vector<128x128xf32>,
    %swap3A_2172 = arith.constant 0 : index
    %swap3A_2173 = arith.constant 0 : index
    %swap3A_2174 = vector.load %arg9[%swap3A_2172, %swap3A_2173] : memref<128x128xf32, #tpu.memory_space<vmem>>, vector<128x128xf32>
    tpu.vector_store %arg9[%swap3A_2172, %swap3A_2173], %mul3A_2168 {strides = array<i32>} : memref<128x128xf32, #tpu.memory_space<vmem>>, vector<128x128xf32>,
    %get3A_2175 = arith.constant 0 : index
    %get3A_2176 = arith.constant 0 : index
    %get3A_2177 = vector.load %arg5[%get3A_2175, %get3A_2176] : memref<128x1xf32, #tpu.memory_space<vmem>>, vector<128x1xf32>
    %dot_general3A_2178 = arith.constant dense<0.000000e+00> : vector<128x1xf32>
    %dot_general3A_2179 = tpu.matmul %mul3A_2168, %get3A_2177, %dot_general3A_2178 {dimension_numbers = #tpu.dot_dimension_numbers<[1], [0], [0], [1], [0, 0, 1, 1], [], []>, transpose_lhs_hint = false} : vector<128x128xf32>, vector<128x1xf32>, vector<128x1xf32> -> vector<128x1xf32>
    %get3A_2180 = arith.constant 0 : index
    %get3A_2181 = arith.constant 0 : index
    %get3A_2182 = vector.load %arg11[%get3A_2180, %get3A_2181] : memref<128x1xf32, #tpu.memory_space<vmem>>, vector<128x1xf32>
    %max3A_2183 = arith.maximumf %get3A_2182, %dot_general3A_2179 : vector<128x1xf32>
    %sub3A_2184 = arith.subf %get3A_2182, %max3A_2183 : vector<128x1xf32>
    %exp3A_2185 = math.exp %sub3A_2184 : vector<128x1xf32>
    %sub3A_2186 = arith.subf %dot_general3A_2179, %max3A_2183 : vector<128x1xf32>
    %exp3A_2187 = math.exp %sub3A_2186 : vector<128x1xf32>
    %swap3A_2188 = arith.constant 0 : index
    %swap3A_2189 = arith.constant 0 : index
    %swap3A_2190 = vector.load %arg11[%swap3A_2188, %swap3A_2189] : memref<128x1xf32, #tpu.memory_space<vmem>>, vector<128x1xf32>
    tpu.vector_store %arg11[%swap3A_2188, %swap3A_2189], %max3A_2183 {strides = array<i32>} : memref<128x1xf32, #tpu.memory_space<vmem>>, vector<128x1xf32>,
    %get3A_2191 = arith.constant 0 : index
    %get3A_2192 = arith.constant 0 : index
    %get3A_2193 = vector.load %arg12[%get3A_2191, %get3A_2192] : memref<128x1xf32, #tpu.memory_space<vmem>>, vector<128x1xf32>
    %mul3A_2194 = arith.mulf %get3A_2193, %exp3A_2185 : vector<128x1xf32>
    %add3A_2195 = arith.addf %mul3A_2194, %exp3A_2187 : vector<128x1xf32>
    %swap3A_2196 = arith.constant 0 : index
    %swap3A_2197 = arith.constant 0 : index
    %swap3A_2198 = vector.load %arg12[%swap3A_2196, %swap3A_2197] : memref<128x1xf32, #tpu.memory_space<vmem>>, vector<128x1xf32>
    tpu.vector_store %arg12[%swap3A_2196, %swap3A_2197], %add3A_2195 {strides = array<i32>} : memref<128x1xf32, #tpu.memory_space<vmem>>, vector<128x1xf32>,
    %get3A_2199 = arith.constant 0 : index
    %get3A_2200 = arith.constant 0 : index
    %get3A_2201 = vector.load %arg13[%get3A_2199, %get3A_2200] : memref<128x128xf32, #tpu.memory_space<vmem>>, vector<128x128xf32>
    %mul3A_2202 = vector.broadcast %exp3A_2185 : vector<128x1xf32> to vector<128x128xf32>
    %mul3A_2203 = arith.mulf %get3A_2201, %mul3A_2202 : vector<128x128xf32>
    %mul3A_2204 = vector.broadcast %exp3A_2187 : vector<128x1xf32> to vector<128x128xf32>
    %mul3A_2205 = arith.mulf %mul3A_2204, %mul3A_2168 : vector<128x128xf32>
    %add3A_2206 = arith.addf %mul3A_2203, %mul3A_2205 : vector<128x128xf32>
    %swap3A_2207 = arith.constant 0 : index
    %swap3A_2208 = arith.constant 0 : index
    %swap3A_2209 = vector.load %arg13[%swap3A_2207, %swap3A_2208] : memref<128x128xf32, #tpu.memory_space<vmem>>, vector<128x128xf32>
    tpu.vector_store %arg13[%swap3A_2207, %swap3A_2208], %add3A_2206 {strides = array<i32>} : memref<128x128xf32, #tpu.memory_space<vmem>>, vector<128x128xf32>,
    %scan3A_2210 = arith.constant 24 : i32
    %get3A_2211 = arith.constant 0 : index
    %get3A_2212 = arith.constant 0 : index
    %get3A_2213 = vector.load %arg9[%get3A_2211, %get3A_2212] : memref<128x128xf32, #tpu.memory_space<vmem>>, vector<128x128xf32>
    %get3A_2214 = arith.constant 0 : index
    %get3A_2215 = arith.constant 0 : index
    %get3A_2216 = vector.load %arg10[%get3A_2214, %get3A_2215] : memref<128x128xf32, #tpu.memory_space<vmem>>, vector<128x128xf32>
    %mul3A_2217 = arith.constant 128 : i32
    %mul3A_2218 = arith.muli %scan3A_2210, %mul3A_2217 : i32
    %get3A_2219 = arith.index_cast %mul3A_2218 : i32 to index
    %get3A_2220 = arith.constant 0 : index
    %get3A_2221 = vector.load %arg14[%get3A_2219, %get3A_2220] : memref<4096x512xf32, #tpu.memory_space<vmem>>, vector<128x512xf32>
    %get3A_2222 = arith.constant 0 : index
    %get3A_2223 = arith.constant 0 : index
    %get3A_2224 = vector.load %arg3[%get3A_2222, %get3A_2223] : memref<128x512xf32, #tpu.memory_space<vmem>>, vector<128x512xf32>
    %dot_general3A_2225 = arith.constant dense<0.000000e+00> : vector<128x512xf32>
    %dot_general3A_2226 = tpu.matmul %get3A_2213, %get3A_2224, %dot_general3A_2225 {dimension_numbers = #tpu.dot_dimension_numbers<[1], [0], [0], [1], [0, 0, 1, 1], [], []>, transpose_lhs_hint = false} : vector<128x128xf32>, vector<128x512xf32>, vector<128x512xf32> -> vector<128x512xf32>
    %add3A_2227 = arith.addf %get3A_2221, %dot_general3A_2226 : vector<128x512xf32>
    %get3A_2228 = arith.constant 0 : index
    %get3A_2229 = arith.constant 0 : index
    %get3A_2230 = vector.load %arg4[%get3A_2228, %get3A_2229] : memref<1x512xf32, #tpu.memory_space<vmem>>, vector<1x512xf32>
    %add3A_2231 = vector.broadcast %get3A_2230 : vector<1x512xf32> to vector<128x512xf32>
    %add3A_2232 = arith.addf %add3A_2227, %add3A_2231 : vector<128x512xf32>
    %slice3A_2233 = vector.extract_strided_slice %add3A_2232 {offsets = [0, 0], sizes = [128, 128], strides = [1, 1]} : vector<128x512xf32> to vector<128x128xf32>
    %logistic3A_2234 = arith.negf %slice3A_2233 : vector<128x128xf32>
    %logistic3A_2235 = math.exp %logistic3A_2234 : vector<128x128xf32>
    %logistic3A_2236 = arith.constant 1.000000e+00 : f32
    %logistic3A_2237 = vector.broadcast %logistic3A_2236 : f32 to vector<128x128xf32>
    %logistic3A_2238 = arith.addf %logistic3A_2237, %logistic3A_2235 : vector<128x128xf32>
    %logistic3A_2239 = arith.divf %logistic3A_2237, %logistic3A_2238 : vector<128x128xf32>
    %slice3A_2240 = vector.extract_strided_slice %add3A_2232 {offsets = [0, 128], sizes = [128, 128], strides = [1, 1]} : vector<128x512xf32> to vector<128x128xf32>
    %logistic3A_2241 = arith.negf %slice3A_2240 : vector<128x128xf32>
    %logistic3A_2242 = math.exp %logistic3A_2241 : vector<128x128xf32>
    %logistic3A_2243 = arith.constant 1.000000e+00 : f32
    %logistic3A_2244 = vector.broadcast %logistic3A_2243 : f32 to vector<128x128xf32>
    %logistic3A_2245 = arith.addf %logistic3A_2244, %logistic3A_2242 : vector<128x128xf32>
    %logistic3A_2246 = arith.divf %logistic3A_2244, %logistic3A_2245 : vector<128x128xf32>
    %slice3A_2247 = vector.extract_strided_slice %add3A_2232 {offsets = [0, 256], sizes = [128, 128], strides = [1, 1]} : vector<128x512xf32> to vector<128x128xf32>
    %tanh3A_2248 = math.tanh %slice3A_2247 : vector<128x128xf32>
    %slice3A_2249 = vector.extract_strided_slice %add3A_2232 {offsets = [0, 384], sizes = [128, 128], strides = [1, 1]} : vector<128x512xf32> to vector<128x128xf32>
    %logistic3A_2250 = arith.negf %slice3A_2249 : vector<128x128xf32>
    %logistic3A_2251 = math.exp %logistic3A_2250 : vector<128x128xf32>
    %logistic3A_2252 = arith.constant 1.000000e+00 : f32
    %logistic3A_2253 = vector.broadcast %logistic3A_2252 : f32 to vector<128x128xf32>
    %logistic3A_2254 = arith.addf %logistic3A_2253, %logistic3A_2251 : vector<128x128xf32>
    %logistic3A_2255 = arith.divf %logistic3A_2253, %logistic3A_2254 : vector<128x128xf32>
    %mul3A_2256 = arith.mulf %logistic3A_2246, %get3A_2216 : vector<128x128xf32>
    %mul3A_2257 = arith.mulf %logistic3A_2239, %tanh3A_2248 : vector<128x128xf32>
    %add3A_2258 = arith.addf %mul3A_2256, %mul3A_2257 : vector<128x128xf32>
    %tanh3A_2259 = math.tanh %add3A_2258 : vector<128x128xf32>
    %mul3A_2260 = arith.mulf %logistic3A_2255, %tanh3A_2259 : vector<128x128xf32>
    %swap3A_2261 = arith.constant 0 : index
    %swap3A_2262 = arith.constant 0 : index
    %swap3A_2263 = vector.load %arg10[%swap3A_2261, %swap3A_2262] : memref<128x128xf32, #tpu.memory_space<vmem>>, vector<128x128xf32>
    tpu.vector_store %arg10[%swap3A_2261, %swap3A_2262], %add3A_2258 {strides = array<i32>} : memref<128x128xf32, #tpu.memory_space<vmem>>, vector<128x128xf32>,
    %swap3A_2264 = arith.constant 0 : index
    %swap3A_2265 = arith.constant 0 : index
    %swap3A_2266 = vector.load %arg9[%swap3A_2264, %swap3A_2265] : memref<128x128xf32, #tpu.memory_space<vmem>>, vector<128x128xf32>
    tpu.vector_store %arg9[%swap3A_2264, %swap3A_2265], %mul3A_2260 {strides = array<i32>} : memref<128x128xf32, #tpu.memory_space<vmem>>, vector<128x128xf32>,
    %get3A_2267 = arith.constant 0 : index
    %get3A_2268 = arith.constant 0 : index
    %get3A_2269 = vector.load %arg5[%get3A_2267, %get3A_2268] : memref<128x1xf32, #tpu.memory_space<vmem>>, vector<128x1xf32>
    %dot_general3A_2270 = arith.constant dense<0.000000e+00> : vector<128x1xf32>
    %dot_general3A_2271 = tpu.matmul %mul3A_2260, %get3A_2269, %dot_general3A_2270 {dimension_numbers = #tpu.dot_dimension_numbers<[1], [0], [0], [1], [0, 0, 1, 1], [], []>, transpose_lhs_hint = false} : vector<128x128xf32>, vector<128x1xf32>, vector<128x1xf32> -> vector<128x1xf32>
    %get3A_2272 = arith.constant 0 : index
    %get3A_2273 = arith.constant 0 : index
    %get3A_2274 = vector.load %arg11[%get3A_2272, %get3A_2273] : memref<128x1xf32, #tpu.memory_space<vmem>>, vector<128x1xf32>
    %max3A_2275 = arith.maximumf %get3A_2274, %dot_general3A_2271 : vector<128x1xf32>
    %sub3A_2276 = arith.subf %get3A_2274, %max3A_2275 : vector<128x1xf32>
    %exp3A_2277 = math.exp %sub3A_2276 : vector<128x1xf32>
    %sub3A_2278 = arith.subf %dot_general3A_2271, %max3A_2275 : vector<128x1xf32>
    %exp3A_2279 = math.exp %sub3A_2278 : vector<128x1xf32>
    %swap3A_2280 = arith.constant 0 : index
    %swap3A_2281 = arith.constant 0 : index
    %swap3A_2282 = vector.load %arg11[%swap3A_2280, %swap3A_2281] : memref<128x1xf32, #tpu.memory_space<vmem>>, vector<128x1xf32>
    tpu.vector_store %arg11[%swap3A_2280, %swap3A_2281], %max3A_2275 {strides = array<i32>} : memref<128x1xf32, #tpu.memory_space<vmem>>, vector<128x1xf32>,
    %get3A_2283 = arith.constant 0 : index
    %get3A_2284 = arith.constant 0 : index
    %get3A_2285 = vector.load %arg12[%get3A_2283, %get3A_2284] : memref<128x1xf32, #tpu.memory_space<vmem>>, vector<128x1xf32>
    %mul3A_2286 = arith.mulf %get3A_2285, %exp3A_2277 : vector<128x1xf32>
    %add3A_2287 = arith.addf %mul3A_2286, %exp3A_2279 : vector<128x1xf32>
    %swap3A_2288 = arith.constant 0 : index
    %swap3A_2289 = arith.constant 0 : index
    %swap3A_2290 = vector.load %arg12[%swap3A_2288, %swap3A_2289] : memref<128x1xf32, #tpu.memory_space<vmem>>, vector<128x1xf32>
    tpu.vector_store %arg12[%swap3A_2288, %swap3A_2289], %add3A_2287 {strides = array<i32>} : memref<128x1xf32, #tpu.memory_space<vmem>>, vector<128x1xf32>,
    %get3A_2291 = arith.constant 0 : index
    %get3A_2292 = arith.constant 0 : index
    %get3A_2293 = vector.load %arg13[%get3A_2291, %get3A_2292] : memref<128x128xf32, #tpu.memory_space<vmem>>, vector<128x128xf32>
    %mul3A_2294 = vector.broadcast %exp3A_2277 : vector<128x1xf32> to vector<128x128xf32>
    %mul3A_2295 = arith.mulf %get3A_2293, %mul3A_2294 : vector<128x128xf32>
    %mul3A_2296 = vector.broadcast %exp3A_2279 : vector<128x1xf32> to vector<128x128xf32>
    %mul3A_2297 = arith.mulf %mul3A_2296, %mul3A_2260 : vector<128x128xf32>
    %add3A_2298 = arith.addf %mul3A_2295, %mul3A_2297 : vector<128x128xf32>
    %swap3A_2299 = arith.constant 0 : index
    %swap3A_2300 = arith.constant 0 : index
    %swap3A_2301 = vector.load %arg13[%swap3A_2299, %swap3A_2300] : memref<128x128xf32, #tpu.memory_space<vmem>>, vector<128x128xf32>
    tpu.vector_store %arg13[%swap3A_2299, %swap3A_2300], %add3A_2298 {strides = array<i32>} : memref<128x128xf32, #tpu.memory_space<vmem>>, vector<128x128xf32>,
    %scan3A_2302 = arith.constant 25 : i32
    %get3A_2303 = arith.constant 0 : index
    %get3A_2304 = arith.constant 0 : index
    %get3A_2305 = vector.load %arg9[%get3A_2303, %get3A_2304] : memref<128x128xf32, #tpu.memory_space<vmem>>, vector<128x128xf32>
    %get3A_2306 = arith.constant 0 : index
    %get3A_2307 = arith.constant 0 : index
    %get3A_2308 = vector.load %arg10[%get3A_2306, %get3A_2307] : memref<128x128xf32, #tpu.memory_space<vmem>>, vector<128x128xf32>
    %mul3A_2309 = arith.constant 128 : i32
    %mul3A_2310 = arith.muli %scan3A_2302, %mul3A_2309 : i32
    %get3A_2311 = arith.index_cast %mul3A_2310 : i32 to index
    %get3A_2312 = arith.constant 0 : index
    %get3A_2313 = vector.load %arg14[%get3A_2311, %get3A_2312] : memref<4096x512xf32, #tpu.memory_space<vmem>>, vector<128x512xf32>
    %get3A_2314 = arith.constant 0 : index
    %get3A_2315 = arith.constant 0 : index
    %get3A_2316 = vector.load %arg3[%get3A_2314, %get3A_2315] : memref<128x512xf32, #tpu.memory_space<vmem>>, vector<128x512xf32>
    %dot_general3A_2317 = arith.constant dense<0.000000e+00> : vector<128x512xf32>
    %dot_general3A_2318 = tpu.matmul %get3A_2305, %get3A_2316, %dot_general3A_2317 {dimension_numbers = #tpu.dot_dimension_numbers<[1], [0], [0], [1], [0, 0, 1, 1], [], []>, transpose_lhs_hint = false} : vector<128x128xf32>, vector<128x512xf32>, vector<128x512xf32> -> vector<128x512xf32>
    %add3A_2319 = arith.addf %get3A_2313, %dot_general3A_2318 : vector<128x512xf32>
    %get3A_2320 = arith.constant 0 : index
    %get3A_2321 = arith.constant 0 : index
    %get3A_2322 = vector.load %arg4[%get3A_2320, %get3A_2321] : memref<1x512xf32, #tpu.memory_space<vmem>>, vector<1x512xf32>
    %add3A_2323 = vector.broadcast %get3A_2322 : vector<1x512xf32> to vector<128x512xf32>
    %add3A_2324 = arith.addf %add3A_2319, %add3A_2323 : vector<128x512xf32>
    %slice3A_2325 = vector.extract_strided_slice %add3A_2324 {offsets = [0, 0], sizes = [128, 128], strides = [1, 1]} : vector<128x512xf32> to vector<128x128xf32>
    %logistic3A_2326 = arith.negf %slice3A_2325 : vector<128x128xf32>
    %logistic3A_2327 = math.exp %logistic3A_2326 : vector<128x128xf32>
    %logistic3A_2328 = arith.constant 1.000000e+00 : f32
    %logistic3A_2329 = vector.broadcast %logistic3A_2328 : f32 to vector<128x128xf32>
    %logistic3A_2330 = arith.addf %logistic3A_2329, %logistic3A_2327 : vector<128x128xf32>
    %logistic3A_2331 = arith.divf %logistic3A_2329, %logistic3A_2330 : vector<128x128xf32>
    %slice3A_2332 = vector.extract_strided_slice %add3A_2324 {offsets = [0, 128], sizes = [128, 128], strides = [1, 1]} : vector<128x512xf32> to vector<128x128xf32>
    %logistic3A_2333 = arith.negf %slice3A_2332 : vector<128x128xf32>
    %logistic3A_2334 = math.exp %logistic3A_2333 : vector<128x128xf32>
    %logistic3A_2335 = arith.constant 1.000000e+00 : f32
    %logistic3A_2336 = vector.broadcast %logistic3A_2335 : f32 to vector<128x128xf32>
    %logistic3A_2337 = arith.addf %logistic3A_2336, %logistic3A_2334 : vector<128x128xf32>
    %logistic3A_2338 = arith.divf %logistic3A_2336, %logistic3A_2337 : vector<128x128xf32>
    %slice3A_2339 = vector.extract_strided_slice %add3A_2324 {offsets = [0, 256], sizes = [128, 128], strides = [1, 1]} : vector<128x512xf32> to vector<128x128xf32>
    %tanh3A_2340 = math.tanh %slice3A_2339 : vector<128x128xf32>
    %slice3A_2341 = vector.extract_strided_slice %add3A_2324 {offsets = [0, 384], sizes = [128, 128], strides = [1, 1]} : vector<128x512xf32> to vector<128x128xf32>
    %logistic3A_2342 = arith.negf %slice3A_2341 : vector<128x128xf32>
    %logistic3A_2343 = math.exp %logistic3A_2342 : vector<128x128xf32>
    %logistic3A_2344 = arith.constant 1.000000e+00 : f32
    %logistic3A_2345 = vector.broadcast %logistic3A_2344 : f32 to vector<128x128xf32>
    %logistic3A_2346 = arith.addf %logistic3A_2345, %logistic3A_2343 : vector<128x128xf32>
    %logistic3A_2347 = arith.divf %logistic3A_2345, %logistic3A_2346 : vector<128x128xf32>
    %mul3A_2348 = arith.mulf %logistic3A_2338, %get3A_2308 : vector<128x128xf32>
    %mul3A_2349 = arith.mulf %logistic3A_2331, %tanh3A_2340 : vector<128x128xf32>
    %add3A_2350 = arith.addf %mul3A_2348, %mul3A_2349 : vector<128x128xf32>
    %tanh3A_2351 = math.tanh %add3A_2350 : vector<128x128xf32>
    %mul3A_2352 = arith.mulf %logistic3A_2347, %tanh3A_2351 : vector<128x128xf32>
    %swap3A_2353 = arith.constant 0 : index
    %swap3A_2354 = arith.constant 0 : index
    %swap3A_2355 = vector.load %arg10[%swap3A_2353, %swap3A_2354] : memref<128x128xf32, #tpu.memory_space<vmem>>, vector<128x128xf32>
    tpu.vector_store %arg10[%swap3A_2353, %swap3A_2354], %add3A_2350 {strides = array<i32>} : memref<128x128xf32, #tpu.memory_space<vmem>>, vector<128x128xf32>,
    %swap3A_2356 = arith.constant 0 : index
    %swap3A_2357 = arith.constant 0 : index
    %swap3A_2358 = vector.load %arg9[%swap3A_2356, %swap3A_2357] : memref<128x128xf32, #tpu.memory_space<vmem>>, vector<128x128xf32>
    tpu.vector_store %arg9[%swap3A_2356, %swap3A_2357], %mul3A_2352 {strides = array<i32>} : memref<128x128xf32, #tpu.memory_space<vmem>>, vector<128x128xf32>,
    %get3A_2359 = arith.constant 0 : index
    %get3A_2360 = arith.constant 0 : index
    %get3A_2361 = vector.load %arg5[%get3A_2359, %get3A_2360] : memref<128x1xf32, #tpu.memory_space<vmem>>, vector<128x1xf32>
    %dot_general3A_2362 = arith.constant dense<0.000000e+00> : vector<128x1xf32>
    %dot_general3A_2363 = tpu.matmul %mul3A_2352, %get3A_2361, %dot_general3A_2362 {dimension_numbers = #tpu.dot_dimension_numbers<[1], [0], [0], [1], [0, 0, 1, 1], [], []>, transpose_lhs_hint = false} : vector<128x128xf32>, vector<128x1xf32>, vector<128x1xf32> -> vector<128x1xf32>
    %get3A_2364 = arith.constant 0 : index
    %get3A_2365 = arith.constant 0 : index
    %get3A_2366 = vector.load %arg11[%get3A_2364, %get3A_2365] : memref<128x1xf32, #tpu.memory_space<vmem>>, vector<128x1xf32>
    %max3A_2367 = arith.maximumf %get3A_2366, %dot_general3A_2363 : vector<128x1xf32>
    %sub3A_2368 = arith.subf %get3A_2366, %max3A_2367 : vector<128x1xf32>
    %exp3A_2369 = math.exp %sub3A_2368 : vector<128x1xf32>
    %sub3A_2370 = arith.subf %dot_general3A_2363, %max3A_2367 : vector<128x1xf32>
    %exp3A_2371 = math.exp %sub3A_2370 : vector<128x1xf32>
    %swap3A_2372 = arith.constant 0 : index
    %swap3A_2373 = arith.constant 0 : index
    %swap3A_2374 = vector.load %arg11[%swap3A_2372, %swap3A_2373] : memref<128x1xf32, #tpu.memory_space<vmem>>, vector<128x1xf32>
    tpu.vector_store %arg11[%swap3A_2372, %swap3A_2373], %max3A_2367 {strides = array<i32>} : memref<128x1xf32, #tpu.memory_space<vmem>>, vector<128x1xf32>,
    %get3A_2375 = arith.constant 0 : index
    %get3A_2376 = arith.constant 0 : index
    %get3A_2377 = vector.load %arg12[%get3A_2375, %get3A_2376] : memref<128x1xf32, #tpu.memory_space<vmem>>, vector<128x1xf32>
    %mul3A_2378 = arith.mulf %get3A_2377, %exp3A_2369 : vector<128x1xf32>
    %add3A_2379 = arith.addf %mul3A_2378, %exp3A_2371 : vector<128x1xf32>
    %swap3A_2380 = arith.constant 0 : index
    %swap3A_2381 = arith.constant 0 : index
    %swap3A_2382 = vector.load %arg12[%swap3A_2380, %swap3A_2381] : memref<128x1xf32, #tpu.memory_space<vmem>>, vector<128x1xf32>
    tpu.vector_store %arg12[%swap3A_2380, %swap3A_2381], %add3A_2379 {strides = array<i32>} : memref<128x1xf32, #tpu.memory_space<vmem>>, vector<128x1xf32>,
    %get3A_2383 = arith.constant 0 : index
    %get3A_2384 = arith.constant 0 : index
    %get3A_2385 = vector.load %arg13[%get3A_2383, %get3A_2384] : memref<128x128xf32, #tpu.memory_space<vmem>>, vector<128x128xf32>
    %mul3A_2386 = vector.broadcast %exp3A_2369 : vector<128x1xf32> to vector<128x128xf32>
    %mul3A_2387 = arith.mulf %get3A_2385, %mul3A_2386 : vector<128x128xf32>
    %mul3A_2388 = vector.broadcast %exp3A_2371 : vector<128x1xf32> to vector<128x128xf32>
    %mul3A_2389 = arith.mulf %mul3A_2388, %mul3A_2352 : vector<128x128xf32>
    %add3A_2390 = arith.addf %mul3A_2387, %mul3A_2389 : vector<128x128xf32>
    %swap3A_2391 = arith.constant 0 : index
    %swap3A_2392 = arith.constant 0 : index
    %swap3A_2393 = vector.load %arg13[%swap3A_2391, %swap3A_2392] : memref<128x128xf32, #tpu.memory_space<vmem>>, vector<128x128xf32>
    tpu.vector_store %arg13[%swap3A_2391, %swap3A_2392], %add3A_2390 {strides = array<i32>} : memref<128x128xf32, #tpu.memory_space<vmem>>, vector<128x128xf32>,
    %scan3A_2394 = arith.constant 26 : i32
    %get3A_2395 = arith.constant 0 : index
    %get3A_2396 = arith.constant 0 : index
    %get3A_2397 = vector.load %arg9[%get3A_2395, %get3A_2396] : memref<128x128xf32, #tpu.memory_space<vmem>>, vector<128x128xf32>
    %get3A_2398 = arith.constant 0 : index
    %get3A_2399 = arith.constant 0 : index
    %get3A_2400 = vector.load %arg10[%get3A_2398, %get3A_2399] : memref<128x128xf32, #tpu.memory_space<vmem>>, vector<128x128xf32>
    %mul3A_2401 = arith.constant 128 : i32
    %mul3A_2402 = arith.muli %scan3A_2394, %mul3A_2401 : i32
    %get3A_2403 = arith.index_cast %mul3A_2402 : i32 to index
    %get3A_2404 = arith.constant 0 : index
    %get3A_2405 = vector.load %arg14[%get3A_2403, %get3A_2404] : memref<4096x512xf32, #tpu.memory_space<vmem>>, vector<128x512xf32>
    %get3A_2406 = arith.constant 0 : index
    %get3A_2407 = arith.constant 0 : index
    %get3A_2408 = vector.load %arg3[%get3A_2406, %get3A_2407] : memref<128x512xf32, #tpu.memory_space<vmem>>, vector<128x512xf32>
    %dot_general3A_2409 = arith.constant dense<0.000000e+00> : vector<128x512xf32>
    %dot_general3A_2410 = tpu.matmul %get3A_2397, %get3A_2408, %dot_general3A_2409 {dimension_numbers = #tpu.dot_dimension_numbers<[1], [0], [0], [1], [0, 0, 1, 1], [], []>, transpose_lhs_hint = false} : vector<128x128xf32>, vector<128x512xf32>, vector<128x512xf32> -> vector<128x512xf32>
    %add3A_2411 = arith.addf %get3A_2405, %dot_general3A_2410 : vector<128x512xf32>
    %get3A_2412 = arith.constant 0 : index
    %get3A_2413 = arith.constant 0 : index
    %get3A_2414 = vector.load %arg4[%get3A_2412, %get3A_2413] : memref<1x512xf32, #tpu.memory_space<vmem>>, vector<1x512xf32>
    %add3A_2415 = vector.broadcast %get3A_2414 : vector<1x512xf32> to vector<128x512xf32>
    %add3A_2416 = arith.addf %add3A_2411, %add3A_2415 : vector<128x512xf32>
    %slice3A_2417 = vector.extract_strided_slice %add3A_2416 {offsets = [0, 0], sizes = [128, 128], strides = [1, 1]} : vector<128x512xf32> to vector<128x128xf32>
    %logistic3A_2418 = arith.negf %slice3A_2417 : vector<128x128xf32>
    %logistic3A_2419 = math.exp %logistic3A_2418 : vector<128x128xf32>
    %logistic3A_2420 = arith.constant 1.000000e+00 : f32
    %logistic3A_2421 = vector.broadcast %logistic3A_2420 : f32 to vector<128x128xf32>
    %logistic3A_2422 = arith.addf %logistic3A_2421, %logistic3A_2419 : vector<128x128xf32>
    %logistic3A_2423 = arith.divf %logistic3A_2421, %logistic3A_2422 : vector<128x128xf32>
    %slice3A_2424 = vector.extract_strided_slice %add3A_2416 {offsets = [0, 128], sizes = [128, 128], strides = [1, 1]} : vector<128x512xf32> to vector<128x128xf32>
    %logistic3A_2425 = arith.negf %slice3A_2424 : vector<128x128xf32>
    %logistic3A_2426 = math.exp %logistic3A_2425 : vector<128x128xf32>
    %logistic3A_2427 = arith.constant 1.000000e+00 : f32
    %logistic3A_2428 = vector.broadcast %logistic3A_2427 : f32 to vector<128x128xf32>
    %logistic3A_2429 = arith.addf %logistic3A_2428, %logistic3A_2426 : vector<128x128xf32>
    %logistic3A_2430 = arith.divf %logistic3A_2428, %logistic3A_2429 : vector<128x128xf32>
    %slice3A_2431 = vector.extract_strided_slice %add3A_2416 {offsets = [0, 256], sizes = [128, 128], strides = [1, 1]} : vector<128x512xf32> to vector<128x128xf32>
    %tanh3A_2432 = math.tanh %slice3A_2431 : vector<128x128xf32>
    %slice3A_2433 = vector.extract_strided_slice %add3A_2416 {offsets = [0, 384], sizes = [128, 128], strides = [1, 1]} : vector<128x512xf32> to vector<128x128xf32>
    %logistic3A_2434 = arith.negf %slice3A_2433 : vector<128x128xf32>
    %logistic3A_2435 = math.exp %logistic3A_2434 : vector<128x128xf32>
    %logistic3A_2436 = arith.constant 1.000000e+00 : f32
    %logistic3A_2437 = vector.broadcast %logistic3A_2436 : f32 to vector<128x128xf32>
    %logistic3A_2438 = arith.addf %logistic3A_2437, %logistic3A_2435 : vector<128x128xf32>
    %logistic3A_2439 = arith.divf %logistic3A_2437, %logistic3A_2438 : vector<128x128xf32>
    %mul3A_2440 = arith.mulf %logistic3A_2430, %get3A_2400 : vector<128x128xf32>
    %mul3A_2441 = arith.mulf %logistic3A_2423, %tanh3A_2432 : vector<128x128xf32>
    %add3A_2442 = arith.addf %mul3A_2440, %mul3A_2441 : vector<128x128xf32>
    %tanh3A_2443 = math.tanh %add3A_2442 : vector<128x128xf32>
    %mul3A_2444 = arith.mulf %logistic3A_2439, %tanh3A_2443 : vector<128x128xf32>
    %swap3A_2445 = arith.constant 0 : index
    %swap3A_2446 = arith.constant 0 : index
    %swap3A_2447 = vector.load %arg10[%swap3A_2445, %swap3A_2446] : memref<128x128xf32, #tpu.memory_space<vmem>>, vector<128x128xf32>
    tpu.vector_store %arg10[%swap3A_2445, %swap3A_2446], %add3A_2442 {strides = array<i32>} : memref<128x128xf32, #tpu.memory_space<vmem>>, vector<128x128xf32>,
    %swap3A_2448 = arith.constant 0 : index
    %swap3A_2449 = arith.constant 0 : index
    %swap3A_2450 = vector.load %arg9[%swap3A_2448, %swap3A_2449] : memref<128x128xf32, #tpu.memory_space<vmem>>, vector<128x128xf32>
    tpu.vector_store %arg9[%swap3A_2448, %swap3A_2449], %mul3A_2444 {strides = array<i32>} : memref<128x128xf32, #tpu.memory_space<vmem>>, vector<128x128xf32>,
    %get3A_2451 = arith.constant 0 : index
    %get3A_2452 = arith.constant 0 : index
    %get3A_2453 = vector.load %arg5[%get3A_2451, %get3A_2452] : memref<128x1xf32, #tpu.memory_space<vmem>>, vector<128x1xf32>
    %dot_general3A_2454 = arith.constant dense<0.000000e+00> : vector<128x1xf32>
    %dot_general3A_2455 = tpu.matmul %mul3A_2444, %get3A_2453, %dot_general3A_2454 {dimension_numbers = #tpu.dot_dimension_numbers<[1], [0], [0], [1], [0, 0, 1, 1], [], []>, transpose_lhs_hint = false} : vector<128x128xf32>, vector<128x1xf32>, vector<128x1xf32> -> vector<128x1xf32>
    %get3A_2456 = arith.constant 0 : index
    %get3A_2457 = arith.constant 0 : index
    %get3A_2458 = vector.load %arg11[%get3A_2456, %get3A_2457] : memref<128x1xf32, #tpu.memory_space<vmem>>, vector<128x1xf32>
    %max3A_2459 = arith.maximumf %get3A_2458, %dot_general3A_2455 : vector<128x1xf32>
    %sub3A_2460 = arith.subf %get3A_2458, %max3A_2459 : vector<128x1xf32>
    %exp3A_2461 = math.exp %sub3A_2460 : vector<128x1xf32>
    %sub3A_2462 = arith.subf %dot_general3A_2455, %max3A_2459 : vector<128x1xf32>
    %exp3A_2463 = math.exp %sub3A_2462 : vector<128x1xf32>
    %swap3A_2464 = arith.constant 0 : index
    %swap3A_2465 = arith.constant 0 : index
    %swap3A_2466 = vector.load %arg11[%swap3A_2464, %swap3A_2465] : memref<128x1xf32, #tpu.memory_space<vmem>>, vector<128x1xf32>
    tpu.vector_store %arg11[%swap3A_2464, %swap3A_2465], %max3A_2459 {strides = array<i32>} : memref<128x1xf32, #tpu.memory_space<vmem>>, vector<128x1xf32>,
    %get3A_2467 = arith.constant 0 : index
    %get3A_2468 = arith.constant 0 : index
    %get3A_2469 = vector.load %arg12[%get3A_2467, %get3A_2468] : memref<128x1xf32, #tpu.memory_space<vmem>>, vector<128x1xf32>
    %mul3A_2470 = arith.mulf %get3A_2469, %exp3A_2461 : vector<128x1xf32>
    %add3A_2471 = arith.addf %mul3A_2470, %exp3A_2463 : vector<128x1xf32>
    %swap3A_2472 = arith.constant 0 : index
    %swap3A_2473 = arith.constant 0 : index
    %swap3A_2474 = vector.load %arg12[%swap3A_2472, %swap3A_2473] : memref<128x1xf32, #tpu.memory_space<vmem>>, vector<128x1xf32>
    tpu.vector_store %arg12[%swap3A_2472, %swap3A_2473], %add3A_2471 {strides = array<i32>} : memref<128x1xf32, #tpu.memory_space<vmem>>, vector<128x1xf32>,
    %get3A_2475 = arith.constant 0 : index
    %get3A_2476 = arith.constant 0 : index
    %get3A_2477 = vector.load %arg13[%get3A_2475, %get3A_2476] : memref<128x128xf32, #tpu.memory_space<vmem>>, vector<128x128xf32>
    %mul3A_2478 = vector.broadcast %exp3A_2461 : vector<128x1xf32> to vector<128x128xf32>
    %mul3A_2479 = arith.mulf %get3A_2477, %mul3A_2478 : vector<128x128xf32>
    %mul3A_2480 = vector.broadcast %exp3A_2463 : vector<128x1xf32> to vector<128x128xf32>
    %mul3A_2481 = arith.mulf %mul3A_2480, %mul3A_2444 : vector<128x128xf32>
    %add3A_2482 = arith.addf %mul3A_2479, %mul3A_2481 : vector<128x128xf32>
    %swap3A_2483 = arith.constant 0 : index
    %swap3A_2484 = arith.constant 0 : index
    %swap3A_2485 = vector.load %arg13[%swap3A_2483, %swap3A_2484] : memref<128x128xf32, #tpu.memory_space<vmem>>, vector<128x128xf32>
    tpu.vector_store %arg13[%swap3A_2483, %swap3A_2484], %add3A_2482 {strides = array<i32>} : memref<128x128xf32, #tpu.memory_space<vmem>>, vector<128x128xf32>,
    %scan3A_2486 = arith.constant 27 : i32
    %get3A_2487 = arith.constant 0 : index
    %get3A_2488 = arith.constant 0 : index
    %get3A_2489 = vector.load %arg9[%get3A_2487, %get3A_2488] : memref<128x128xf32, #tpu.memory_space<vmem>>, vector<128x128xf32>
    %get3A_2490 = arith.constant 0 : index
    %get3A_2491 = arith.constant 0 : index
    %get3A_2492 = vector.load %arg10[%get3A_2490, %get3A_2491] : memref<128x128xf32, #tpu.memory_space<vmem>>, vector<128x128xf32>
    %mul3A_2493 = arith.constant 128 : i32
    %mul3A_2494 = arith.muli %scan3A_2486, %mul3A_2493 : i32
    %get3A_2495 = arith.index_cast %mul3A_2494 : i32 to index
    %get3A_2496 = arith.constant 0 : index
    %get3A_2497 = vector.load %arg14[%get3A_2495, %get3A_2496] : memref<4096x512xf32, #tpu.memory_space<vmem>>, vector<128x512xf32>
    %get3A_2498 = arith.constant 0 : index
    %get3A_2499 = arith.constant 0 : index
    %get3A_2500 = vector.load %arg3[%get3A_2498, %get3A_2499] : memref<128x512xf32, #tpu.memory_space<vmem>>, vector<128x512xf32>
    %dot_general3A_2501 = arith.constant dense<0.000000e+00> : vector<128x512xf32>
    %dot_general3A_2502 = tpu.matmul %get3A_2489, %get3A_2500, %dot_general3A_2501 {dimension_numbers = #tpu.dot_dimension_numbers<[1], [0], [0], [1], [0, 0, 1, 1], [], []>, transpose_lhs_hint = false} : vector<128x128xf32>, vector<128x512xf32>, vector<128x512xf32> -> vector<128x512xf32>
    %add3A_2503 = arith.addf %get3A_2497, %dot_general3A_2502 : vector<128x512xf32>
    %get3A_2504 = arith.constant 0 : index
    %get3A_2505 = arith.constant 0 : index
    %get3A_2506 = vector.load %arg4[%get3A_2504, %get3A_2505] : memref<1x512xf32, #tpu.memory_space<vmem>>, vector<1x512xf32>
    %add3A_2507 = vector.broadcast %get3A_2506 : vector<1x512xf32> to vector<128x512xf32>
    %add3A_2508 = arith.addf %add3A_2503, %add3A_2507 : vector<128x512xf32>
    %slice3A_2509 = vector.extract_strided_slice %add3A_2508 {offsets = [0, 0], sizes = [128, 128], strides = [1, 1]} : vector<128x512xf32> to vector<128x128xf32>
    %logistic3A_2510 = arith.negf %slice3A_2509 : vector<128x128xf32>
    %logistic3A_2511 = math.exp %logistic3A_2510 : vector<128x128xf32>
    %logistic3A_2512 = arith.constant 1.000000e+00 : f32
    %logistic3A_2513 = vector.broadcast %logistic3A_2512 : f32 to vector<128x128xf32>
    %logistic3A_2514 = arith.addf %logistic3A_2513, %logistic3A_2511 : vector<128x128xf32>
    %logistic3A_2515 = arith.divf %logistic3A_2513, %logistic3A_2514 : vector<128x128xf32>
    %slice3A_2516 = vector.extract_strided_slice %add3A_2508 {offsets = [0, 128], sizes = [128, 128], strides = [1, 1]} : vector<128x512xf32> to vector<128x128xf32>
    %logistic3A_2517 = arith.negf %slice3A_2516 : vector<128x128xf32>
    %logistic3A_2518 = math.exp %logistic3A_2517 : vector<128x128xf32>
    %logistic3A_2519 = arith.constant 1.000000e+00 : f32
    %logistic3A_2520 = vector.broadcast %logistic3A_2519 : f32 to vector<128x128xf32>
    %logistic3A_2521 = arith.addf %logistic3A_2520, %logistic3A_2518 : vector<128x128xf32>
    %logistic3A_2522 = arith.divf %logistic3A_2520, %logistic3A_2521 : vector<128x128xf32>
    %slice3A_2523 = vector.extract_strided_slice %add3A_2508 {offsets = [0, 256], sizes = [128, 128], strides = [1, 1]} : vector<128x512xf32> to vector<128x128xf32>
    %tanh3A_2524 = math.tanh %slice3A_2523 : vector<128x128xf32>
    %slice3A_2525 = vector.extract_strided_slice %add3A_2508 {offsets = [0, 384], sizes = [128, 128], strides = [1, 1]} : vector<128x512xf32> to vector<128x128xf32>
    %logistic3A_2526 = arith.negf %slice3A_2525 : vector<128x128xf32>
    %logistic3A_2527 = math.exp %logistic3A_2526 : vector<128x128xf32>
    %logistic3A_2528 = arith.constant 1.000000e+00 : f32
    %logistic3A_2529 = vector.broadcast %logistic3A_2528 : f32 to vector<128x128xf32>
    %logistic3A_2530 = arith.addf %logistic3A_2529, %logistic3A_2527 : vector<128x128xf32>
    %logistic3A_2531 = arith.divf %logistic3A_2529, %logistic3A_2530 : vector<128x128xf32>
    %mul3A_2532 = arith.mulf %logistic3A_2522, %get3A_2492 : vector<128x128xf32>
    %mul3A_2533 = arith.mulf %logistic3A_2515, %tanh3A_2524 : vector<128x128xf32>
    %add3A_2534 = arith.addf %mul3A_2532, %mul3A_2533 : vector<128x128xf32>
    %tanh3A_2535 = math.tanh %add3A_2534 : vector<128x128xf32>
    %mul3A_2536 = arith.mulf %logistic3A_2531, %tanh3A_2535 : vector<128x128xf32>
    %swap3A_2537 = arith.constant 0 : index
    %swap3A_2538 = arith.constant 0 : index
    %swap3A_2539 = vector.load %arg10[%swap3A_2537, %swap3A_2538] : memref<128x128xf32, #tpu.memory_space<vmem>>, vector<128x128xf32>
    tpu.vector_store %arg10[%swap3A_2537, %swap3A_2538], %add3A_2534 {strides = array<i32>} : memref<128x128xf32, #tpu.memory_space<vmem>>, vector<128x128xf32>,
    %swap3A_2540 = arith.constant 0 : index
    %swap3A_2541 = arith.constant 0 : index
    %swap3A_2542 = vector.load %arg9[%swap3A_2540, %swap3A_2541] : memref<128x128xf32, #tpu.memory_space<vmem>>, vector<128x128xf32>
    tpu.vector_store %arg9[%swap3A_2540, %swap3A_2541], %mul3A_2536 {strides = array<i32>} : memref<128x128xf32, #tpu.memory_space<vmem>>, vector<128x128xf32>,
    %get3A_2543 = arith.constant 0 : index
    %get3A_2544 = arith.constant 0 : index
    %get3A_2545 = vector.load %arg5[%get3A_2543, %get3A_2544] : memref<128x1xf32, #tpu.memory_space<vmem>>, vector<128x1xf32>
    %dot_general3A_2546 = arith.constant dense<0.000000e+00> : vector<128x1xf32>
    %dot_general3A_2547 = tpu.matmul %mul3A_2536, %get3A_2545, %dot_general3A_2546 {dimension_numbers = #tpu.dot_dimension_numbers<[1], [0], [0], [1], [0, 0, 1, 1], [], []>, transpose_lhs_hint = false} : vector<128x128xf32>, vector<128x1xf32>, vector<128x1xf32> -> vector<128x1xf32>
    %get3A_2548 = arith.constant 0 : index
    %get3A_2549 = arith.constant 0 : index
    %get3A_2550 = vector.load %arg11[%get3A_2548, %get3A_2549] : memref<128x1xf32, #tpu.memory_space<vmem>>, vector<128x1xf32>
    %max3A_2551 = arith.maximumf %get3A_2550, %dot_general3A_2547 : vector<128x1xf32>
    %sub3A_2552 = arith.subf %get3A_2550, %max3A_2551 : vector<128x1xf32>
    %exp3A_2553 = math.exp %sub3A_2552 : vector<128x1xf32>
    %sub3A_2554 = arith.subf %dot_general3A_2547, %max3A_2551 : vector<128x1xf32>
    %exp3A_2555 = math.exp %sub3A_2554 : vector<128x1xf32>
    %swap3A_2556 = arith.constant 0 : index
    %swap3A_2557 = arith.constant 0 : index
    %swap3A_2558 = vector.load %arg11[%swap3A_2556, %swap3A_2557] : memref<128x1xf32, #tpu.memory_space<vmem>>, vector<128x1xf32>
    tpu.vector_store %arg11[%swap3A_2556, %swap3A_2557], %max3A_2551 {strides = array<i32>} : memref<128x1xf32, #tpu.memory_space<vmem>>, vector<128x1xf32>,
    %get3A_2559 = arith.constant 0 : index
    %get3A_2560 = arith.constant 0 : index
    %get3A_2561 = vector.load %arg12[%get3A_2559, %get3A_2560] : memref<128x1xf32, #tpu.memory_space<vmem>>, vector<128x1xf32>
    %mul3A_2562 = arith.mulf %get3A_2561, %exp3A_2553 : vector<128x1xf32>
    %add3A_2563 = arith.addf %mul3A_2562, %exp3A_2555 : vector<128x1xf32>
    %swap3A_2564 = arith.constant 0 : index
    %swap3A_2565 = arith.constant 0 : index
    %swap3A_2566 = vector.load %arg12[%swap3A_2564, %swap3A_2565] : memref<128x1xf32, #tpu.memory_space<vmem>>, vector<128x1xf32>
    tpu.vector_store %arg12[%swap3A_2564, %swap3A_2565], %add3A_2563 {strides = array<i32>} : memref<128x1xf32, #tpu.memory_space<vmem>>, vector<128x1xf32>,
    %get3A_2567 = arith.constant 0 : index
    %get3A_2568 = arith.constant 0 : index
    %get3A_2569 = vector.load %arg13[%get3A_2567, %get3A_2568] : memref<128x128xf32, #tpu.memory_space<vmem>>, vector<128x128xf32>
    %mul3A_2570 = vector.broadcast %exp3A_2553 : vector<128x1xf32> to vector<128x128xf32>
    %mul3A_2571 = arith.mulf %get3A_2569, %mul3A_2570 : vector<128x128xf32>
    %mul3A_2572 = vector.broadcast %exp3A_2555 : vector<128x1xf32> to vector<128x128xf32>
    %mul3A_2573 = arith.mulf %mul3A_2572, %mul3A_2536 : vector<128x128xf32>
    %add3A_2574 = arith.addf %mul3A_2571, %mul3A_2573 : vector<128x128xf32>
    %swap3A_2575 = arith.constant 0 : index
    %swap3A_2576 = arith.constant 0 : index
    %swap3A_2577 = vector.load %arg13[%swap3A_2575, %swap3A_2576] : memref<128x128xf32, #tpu.memory_space<vmem>>, vector<128x128xf32>
    tpu.vector_store %arg13[%swap3A_2575, %swap3A_2576], %add3A_2574 {strides = array<i32>} : memref<128x128xf32, #tpu.memory_space<vmem>>, vector<128x128xf32>,
    %scan3A_2578 = arith.constant 28 : i32
    %get3A_2579 = arith.constant 0 : index
    %get3A_2580 = arith.constant 0 : index
    %get3A_2581 = vector.load %arg9[%get3A_2579, %get3A_2580] : memref<128x128xf32, #tpu.memory_space<vmem>>, vector<128x128xf32>
    %get3A_2582 = arith.constant 0 : index
    %get3A_2583 = arith.constant 0 : index
    %get3A_2584 = vector.load %arg10[%get3A_2582, %get3A_2583] : memref<128x128xf32, #tpu.memory_space<vmem>>, vector<128x128xf32>
    %mul3A_2585 = arith.constant 128 : i32
    %mul3A_2586 = arith.muli %scan3A_2578, %mul3A_2585 : i32
    %get3A_2587 = arith.index_cast %mul3A_2586 : i32 to index
    %get3A_2588 = arith.constant 0 : index
    %get3A_2589 = vector.load %arg14[%get3A_2587, %get3A_2588] : memref<4096x512xf32, #tpu.memory_space<vmem>>, vector<128x512xf32>
    %get3A_2590 = arith.constant 0 : index
    %get3A_2591 = arith.constant 0 : index
    %get3A_2592 = vector.load %arg3[%get3A_2590, %get3A_2591] : memref<128x512xf32, #tpu.memory_space<vmem>>, vector<128x512xf32>
    %dot_general3A_2593 = arith.constant dense<0.000000e+00> : vector<128x512xf32>
    %dot_general3A_2594 = tpu.matmul %get3A_2581, %get3A_2592, %dot_general3A_2593 {dimension_numbers = #tpu.dot_dimension_numbers<[1], [0], [0], [1], [0, 0, 1, 1], [], []>, transpose_lhs_hint = false} : vector<128x128xf32>, vector<128x512xf32>, vector<128x512xf32> -> vector<128x512xf32>
    %add3A_2595 = arith.addf %get3A_2589, %dot_general3A_2594 : vector<128x512xf32>
    %get3A_2596 = arith.constant 0 : index
    %get3A_2597 = arith.constant 0 : index
    %get3A_2598 = vector.load %arg4[%get3A_2596, %get3A_2597] : memref<1x512xf32, #tpu.memory_space<vmem>>, vector<1x512xf32>
    %add3A_2599 = vector.broadcast %get3A_2598 : vector<1x512xf32> to vector<128x512xf32>
    %add3A_2600 = arith.addf %add3A_2595, %add3A_2599 : vector<128x512xf32>
    %slice3A_2601 = vector.extract_strided_slice %add3A_2600 {offsets = [0, 0], sizes = [128, 128], strides = [1, 1]} : vector<128x512xf32> to vector<128x128xf32>
    %logistic3A_2602 = arith.negf %slice3A_2601 : vector<128x128xf32>
    %logistic3A_2603 = math.exp %logistic3A_2602 : vector<128x128xf32>
    %logistic3A_2604 = arith.constant 1.000000e+00 : f32
    %logistic3A_2605 = vector.broadcast %logistic3A_2604 : f32 to vector<128x128xf32>
    %logistic3A_2606 = arith.addf %logistic3A_2605, %logistic3A_2603 : vector<128x128xf32>
    %logistic3A_2607 = arith.divf %logistic3A_2605, %logistic3A_2606 : vector<128x128xf32>
    %slice3A_2608 = vector.extract_strided_slice %add3A_2600 {offsets = [0, 128], sizes = [128, 128], strides = [1, 1]} : vector<128x512xf32> to vector<128x128xf32>
    %logistic3A_2609 = arith.negf %slice3A_2608 : vector<128x128xf32>
    %logistic3A_2610 = math.exp %logistic3A_2609 : vector<128x128xf32>
    %logistic3A_2611 = arith.constant 1.000000e+00 : f32
    %logistic3A_2612 = vector.broadcast %logistic3A_2611 : f32 to vector<128x128xf32>
    %logistic3A_2613 = arith.addf %logistic3A_2612, %logistic3A_2610 : vector<128x128xf32>
    %logistic3A_2614 = arith.divf %logistic3A_2612, %logistic3A_2613 : vector<128x128xf32>
    %slice3A_2615 = vector.extract_strided_slice %add3A_2600 {offsets = [0, 256], sizes = [128, 128], strides = [1, 1]} : vector<128x512xf32> to vector<128x128xf32>
    %tanh3A_2616 = math.tanh %slice3A_2615 : vector<128x128xf32>
    %slice3A_2617 = vector.extract_strided_slice %add3A_2600 {offsets = [0, 384], sizes = [128, 128], strides = [1, 1]} : vector<128x512xf32> to vector<128x128xf32>
    %logistic3A_2618 = arith.negf %slice3A_2617 : vector<128x128xf32>
    %logistic3A_2619 = math.exp %logistic3A_2618 : vector<128x128xf32>
    %logistic3A_2620 = arith.constant 1.000000e+00 : f32
    %logistic3A_2621 = vector.broadcast %logistic3A_2620 : f32 to vector<128x128xf32>
    %logistic3A_2622 = arith.addf %logistic3A_2621, %logistic3A_2619 : vector<128x128xf32>
    %logistic3A_2623 = arith.divf %logistic3A_2621, %logistic3A_2622 : vector<128x128xf32>
    %mul3A_2624 = arith.mulf %logistic3A_2614, %get3A_2584 : vector<128x128xf32>
    %mul3A_2625 = arith.mulf %logistic3A_2607, %tanh3A_2616 : vector<128x128xf32>
    %add3A_2626 = arith.addf %mul3A_2624, %mul3A_2625 : vector<128x128xf32>
    %tanh3A_2627 = math.tanh %add3A_2626 : vector<128x128xf32>
    %mul3A_2628 = arith.mulf %logistic3A_2623, %tanh3A_2627 : vector<128x128xf32>
    %swap3A_2629 = arith.constant 0 : index
    %swap3A_2630 = arith.constant 0 : index
    %swap3A_2631 = vector.load %arg10[%swap3A_2629, %swap3A_2630] : memref<128x128xf32, #tpu.memory_space<vmem>>, vector<128x128xf32>
    tpu.vector_store %arg10[%swap3A_2629, %swap3A_2630], %add3A_2626 {strides = array<i32>} : memref<128x128xf32, #tpu.memory_space<vmem>>, vector<128x128xf32>,
    %swap3A_2632 = arith.constant 0 : index
    %swap3A_2633 = arith.constant 0 : index
    %swap3A_2634 = vector.load %arg9[%swap3A_2632, %swap3A_2633] : memref<128x128xf32, #tpu.memory_space<vmem>>, vector<128x128xf32>
    tpu.vector_store %arg9[%swap3A_2632, %swap3A_2633], %mul3A_2628 {strides = array<i32>} : memref<128x128xf32, #tpu.memory_space<vmem>>, vector<128x128xf32>,
    %get3A_2635 = arith.constant 0 : index
    %get3A_2636 = arith.constant 0 : index
    %get3A_2637 = vector.load %arg5[%get3A_2635, %get3A_2636] : memref<128x1xf32, #tpu.memory_space<vmem>>, vector<128x1xf32>
    %dot_general3A_2638 = arith.constant dense<0.000000e+00> : vector<128x1xf32>
    %dot_general3A_2639 = tpu.matmul %mul3A_2628, %get3A_2637, %dot_general3A_2638 {dimension_numbers = #tpu.dot_dimension_numbers<[1], [0], [0], [1], [0, 0, 1, 1], [], []>, transpose_lhs_hint = false} : vector<128x128xf32>, vector<128x1xf32>, vector<128x1xf32> -> vector<128x1xf32>
    %get3A_2640 = arith.constant 0 : index
    %get3A_2641 = arith.constant 0 : index
    %get3A_2642 = vector.load %arg11[%get3A_2640, %get3A_2641] : memref<128x1xf32, #tpu.memory_space<vmem>>, vector<128x1xf32>
    %max3A_2643 = arith.maximumf %get3A_2642, %dot_general3A_2639 : vector<128x1xf32>
    %sub3A_2644 = arith.subf %get3A_2642, %max3A_2643 : vector<128x1xf32>
    %exp3A_2645 = math.exp %sub3A_2644 : vector<128x1xf32>
    %sub3A_2646 = arith.subf %dot_general3A_2639, %max3A_2643 : vector<128x1xf32>
    %exp3A_2647 = math.exp %sub3A_2646 : vector<128x1xf32>
    %swap3A_2648 = arith.constant 0 : index
    %swap3A_2649 = arith.constant 0 : index
    %swap3A_2650 = vector.load %arg11[%swap3A_2648, %swap3A_2649] : memref<128x1xf32, #tpu.memory_space<vmem>>, vector<128x1xf32>
    tpu.vector_store %arg11[%swap3A_2648, %swap3A_2649], %max3A_2643 {strides = array<i32>} : memref<128x1xf32, #tpu.memory_space<vmem>>, vector<128x1xf32>,
    %get3A_2651 = arith.constant 0 : index
    %get3A_2652 = arith.constant 0 : index
    %get3A_2653 = vector.load %arg12[%get3A_2651, %get3A_2652] : memref<128x1xf32, #tpu.memory_space<vmem>>, vector<128x1xf32>
    %mul3A_2654 = arith.mulf %get3A_2653, %exp3A_2645 : vector<128x1xf32>
    %add3A_2655 = arith.addf %mul3A_2654, %exp3A_2647 : vector<128x1xf32>
    %swap3A_2656 = arith.constant 0 : index
    %swap3A_2657 = arith.constant 0 : index
    %swap3A_2658 = vector.load %arg12[%swap3A_2656, %swap3A_2657] : memref<128x1xf32, #tpu.memory_space<vmem>>, vector<128x1xf32>
    tpu.vector_store %arg12[%swap3A_2656, %swap3A_2657], %add3A_2655 {strides = array<i32>} : memref<128x1xf32, #tpu.memory_space<vmem>>, vector<128x1xf32>,
    %get3A_2659 = arith.constant 0 : index
    %get3A_2660 = arith.constant 0 : index
    %get3A_2661 = vector.load %arg13[%get3A_2659, %get3A_2660] : memref<128x128xf32, #tpu.memory_space<vmem>>, vector<128x128xf32>
    %mul3A_2662 = vector.broadcast %exp3A_2645 : vector<128x1xf32> to vector<128x128xf32>
    %mul3A_2663 = arith.mulf %get3A_2661, %mul3A_2662 : vector<128x128xf32>
    %mul3A_2664 = vector.broadcast %exp3A_2647 : vector<128x1xf32> to vector<128x128xf32>
    %mul3A_2665 = arith.mulf %mul3A_2664, %mul3A_2628 : vector<128x128xf32>
    %add3A_2666 = arith.addf %mul3A_2663, %mul3A_2665 : vector<128x128xf32>
    %swap3A_2667 = arith.constant 0 : index
    %swap3A_2668 = arith.constant 0 : index
    %swap3A_2669 = vector.load %arg13[%swap3A_2667, %swap3A_2668] : memref<128x128xf32, #tpu.memory_space<vmem>>, vector<128x128xf32>
    tpu.vector_store %arg13[%swap3A_2667, %swap3A_2668], %add3A_2666 {strides = array<i32>} : memref<128x128xf32, #tpu.memory_space<vmem>>, vector<128x128xf32>,
    %scan3A_2670 = arith.constant 29 : i32
    %get3A_2671 = arith.constant 0 : index
    %get3A_2672 = arith.constant 0 : index
    %get3A_2673 = vector.load %arg9[%get3A_2671, %get3A_2672] : memref<128x128xf32, #tpu.memory_space<vmem>>, vector<128x128xf32>
    %get3A_2674 = arith.constant 0 : index
    %get3A_2675 = arith.constant 0 : index
    %get3A_2676 = vector.load %arg10[%get3A_2674, %get3A_2675] : memref<128x128xf32, #tpu.memory_space<vmem>>, vector<128x128xf32>
    %mul3A_2677 = arith.constant 128 : i32
    %mul3A_2678 = arith.muli %scan3A_2670, %mul3A_2677 : i32
    %get3A_2679 = arith.index_cast %mul3A_2678 : i32 to index
    %get3A_2680 = arith.constant 0 : index
    %get3A_2681 = vector.load %arg14[%get3A_2679, %get3A_2680] : memref<4096x512xf32, #tpu.memory_space<vmem>>, vector<128x512xf32>
    %get3A_2682 = arith.constant 0 : index
    %get3A_2683 = arith.constant 0 : index
    %get3A_2684 = vector.load %arg3[%get3A_2682, %get3A_2683] : memref<128x512xf32, #tpu.memory_space<vmem>>, vector<128x512xf32>
    %dot_general3A_2685 = arith.constant dense<0.000000e+00> : vector<128x512xf32>
    %dot_general3A_2686 = tpu.matmul %get3A_2673, %get3A_2684, %dot_general3A_2685 {dimension_numbers = #tpu.dot_dimension_numbers<[1], [0], [0], [1], [0, 0, 1, 1], [], []>, transpose_lhs_hint = false} : vector<128x128xf32>, vector<128x512xf32>, vector<128x512xf32> -> vector<128x512xf32>
    %add3A_2687 = arith.addf %get3A_2681, %dot_general3A_2686 : vector<128x512xf32>
    %get3A_2688 = arith.constant 0 : index
    %get3A_2689 = arith.constant 0 : index
    %get3A_2690 = vector.load %arg4[%get3A_2688, %get3A_2689] : memref<1x512xf32, #tpu.memory_space<vmem>>, vector<1x512xf32>
    %add3A_2691 = vector.broadcast %get3A_2690 : vector<1x512xf32> to vector<128x512xf32>
    %add3A_2692 = arith.addf %add3A_2687, %add3A_2691 : vector<128x512xf32>
    %slice3A_2693 = vector.extract_strided_slice %add3A_2692 {offsets = [0, 0], sizes = [128, 128], strides = [1, 1]} : vector<128x512xf32> to vector<128x128xf32>
    %logistic3A_2694 = arith.negf %slice3A_2693 : vector<128x128xf32>
    %logistic3A_2695 = math.exp %logistic3A_2694 : vector<128x128xf32>
    %logistic3A_2696 = arith.constant 1.000000e+00 : f32
    %logistic3A_2697 = vector.broadcast %logistic3A_2696 : f32 to vector<128x128xf32>
    %logistic3A_2698 = arith.addf %logistic3A_2697, %logistic3A_2695 : vector<128x128xf32>
    %logistic3A_2699 = arith.divf %logistic3A_2697, %logistic3A_2698 : vector<128x128xf32>
    %slice3A_2700 = vector.extract_strided_slice %add3A_2692 {offsets = [0, 128], sizes = [128, 128], strides = [1, 1]} : vector<128x512xf32> to vector<128x128xf32>
    %logistic3A_2701 = arith.negf %slice3A_2700 : vector<128x128xf32>
    %logistic3A_2702 = math.exp %logistic3A_2701 : vector<128x128xf32>
    %logistic3A_2703 = arith.constant 1.000000e+00 : f32
    %logistic3A_2704 = vector.broadcast %logistic3A_2703 : f32 to vector<128x128xf32>
    %logistic3A_2705 = arith.addf %logistic3A_2704, %logistic3A_2702 : vector<128x128xf32>
    %logistic3A_2706 = arith.divf %logistic3A_2704, %logistic3A_2705 : vector<128x128xf32>
    %slice3A_2707 = vector.extract_strided_slice %add3A_2692 {offsets = [0, 256], sizes = [128, 128], strides = [1, 1]} : vector<128x512xf32> to vector<128x128xf32>
    %tanh3A_2708 = math.tanh %slice3A_2707 : vector<128x128xf32>
    %slice3A_2709 = vector.extract_strided_slice %add3A_2692 {offsets = [0, 384], sizes = [128, 128], strides = [1, 1]} : vector<128x512xf32> to vector<128x128xf32>
    %logistic3A_2710 = arith.negf %slice3A_2709 : vector<128x128xf32>
    %logistic3A_2711 = math.exp %logistic3A_2710 : vector<128x128xf32>
    %logistic3A_2712 = arith.constant 1.000000e+00 : f32
    %logistic3A_2713 = vector.broadcast %logistic3A_2712 : f32 to vector<128x128xf32>
    %logistic3A_2714 = arith.addf %logistic3A_2713, %logistic3A_2711 : vector<128x128xf32>
    %logistic3A_2715 = arith.divf %logistic3A_2713, %logistic3A_2714 : vector<128x128xf32>
    %mul3A_2716 = arith.mulf %logistic3A_2706, %get3A_2676 : vector<128x128xf32>
    %mul3A_2717 = arith.mulf %logistic3A_2699, %tanh3A_2708 : vector<128x128xf32>
    %add3A_2718 = arith.addf %mul3A_2716, %mul3A_2717 : vector<128x128xf32>
    %tanh3A_2719 = math.tanh %add3A_2718 : vector<128x128xf32>
    %mul3A_2720 = arith.mulf %logistic3A_2715, %tanh3A_2719 : vector<128x128xf32>
    %swap3A_2721 = arith.constant 0 : index
    %swap3A_2722 = arith.constant 0 : index
    %swap3A_2723 = vector.load %arg10[%swap3A_2721, %swap3A_2722] : memref<128x128xf32, #tpu.memory_space<vmem>>, vector<128x128xf32>
    tpu.vector_store %arg10[%swap3A_2721, %swap3A_2722], %add3A_2718 {strides = array<i32>} : memref<128x128xf32, #tpu.memory_space<vmem>>, vector<128x128xf32>,
    %swap3A_2724 = arith.constant 0 : index
    %swap3A_2725 = arith.constant 0 : index
    %swap3A_2726 = vector.load %arg9[%swap3A_2724, %swap3A_2725] : memref<128x128xf32, #tpu.memory_space<vmem>>, vector<128x128xf32>
    tpu.vector_store %arg9[%swap3A_2724, %swap3A_2725], %mul3A_2720 {strides = array<i32>} : memref<128x128xf32, #tpu.memory_space<vmem>>, vector<128x128xf32>,
    %get3A_2727 = arith.constant 0 : index
    %get3A_2728 = arith.constant 0 : index
    %get3A_2729 = vector.load %arg5[%get3A_2727, %get3A_2728] : memref<128x1xf32, #tpu.memory_space<vmem>>, vector<128x1xf32>
    %dot_general3A_2730 = arith.constant dense<0.000000e+00> : vector<128x1xf32>
    %dot_general3A_2731 = tpu.matmul %mul3A_2720, %get3A_2729, %dot_general3A_2730 {dimension_numbers = #tpu.dot_dimension_numbers<[1], [0], [0], [1], [0, 0, 1, 1], [], []>, transpose_lhs_hint = false} : vector<128x128xf32>, vector<128x1xf32>, vector<128x1xf32> -> vector<128x1xf32>
    %get3A_2732 = arith.constant 0 : index
    %get3A_2733 = arith.constant 0 : index
    %get3A_2734 = vector.load %arg11[%get3A_2732, %get3A_2733] : memref<128x1xf32, #tpu.memory_space<vmem>>, vector<128x1xf32>
    %max3A_2735 = arith.maximumf %get3A_2734, %dot_general3A_2731 : vector<128x1xf32>
    %sub3A_2736 = arith.subf %get3A_2734, %max3A_2735 : vector<128x1xf32>
    %exp3A_2737 = math.exp %sub3A_2736 : vector<128x1xf32>
    %sub3A_2738 = arith.subf %dot_general3A_2731, %max3A_2735 : vector<128x1xf32>
    %exp3A_2739 = math.exp %sub3A_2738 : vector<128x1xf32>
    %swap3A_2740 = arith.constant 0 : index
    %swap3A_2741 = arith.constant 0 : index
    %swap3A_2742 = vector.load %arg11[%swap3A_2740, %swap3A_2741] : memref<128x1xf32, #tpu.memory_space<vmem>>, vector<128x1xf32>
    tpu.vector_store %arg11[%swap3A_2740, %swap3A_2741], %max3A_2735 {strides = array<i32>} : memref<128x1xf32, #tpu.memory_space<vmem>>, vector<128x1xf32>,
    %get3A_2743 = arith.constant 0 : index
    %get3A_2744 = arith.constant 0 : index
    %get3A_2745 = vector.load %arg12[%get3A_2743, %get3A_2744] : memref<128x1xf32, #tpu.memory_space<vmem>>, vector<128x1xf32>
    %mul3A_2746 = arith.mulf %get3A_2745, %exp3A_2737 : vector<128x1xf32>
    %add3A_2747 = arith.addf %mul3A_2746, %exp3A_2739 : vector<128x1xf32>
    %swap3A_2748 = arith.constant 0 : index
    %swap3A_2749 = arith.constant 0 : index
    %swap3A_2750 = vector.load %arg12[%swap3A_2748, %swap3A_2749] : memref<128x1xf32, #tpu.memory_space<vmem>>, vector<128x1xf32>
    tpu.vector_store %arg12[%swap3A_2748, %swap3A_2749], %add3A_2747 {strides = array<i32>} : memref<128x1xf32, #tpu.memory_space<vmem>>, vector<128x1xf32>,
    %get3A_2751 = arith.constant 0 : index
    %get3A_2752 = arith.constant 0 : index
    %get3A_2753 = vector.load %arg13[%get3A_2751, %get3A_2752] : memref<128x128xf32, #tpu.memory_space<vmem>>, vector<128x128xf32>
    %mul3A_2754 = vector.broadcast %exp3A_2737 : vector<128x1xf32> to vector<128x128xf32>
    %mul3A_2755 = arith.mulf %get3A_2753, %mul3A_2754 : vector<128x128xf32>
    %mul3A_2756 = vector.broadcast %exp3A_2739 : vector<128x1xf32> to vector<128x128xf32>
    %mul3A_2757 = arith.mulf %mul3A_2756, %mul3A_2720 : vector<128x128xf32>
    %add3A_2758 = arith.addf %mul3A_2755, %mul3A_2757 : vector<128x128xf32>
    %swap3A_2759 = arith.constant 0 : index
    %swap3A_2760 = arith.constant 0 : index
    %swap3A_2761 = vector.load %arg13[%swap3A_2759, %swap3A_2760] : memref<128x128xf32, #tpu.memory_space<vmem>>, vector<128x128xf32>
    tpu.vector_store %arg13[%swap3A_2759, %swap3A_2760], %add3A_2758 {strides = array<i32>} : memref<128x128xf32, #tpu.memory_space<vmem>>, vector<128x128xf32>,
    %scan3A_2762 = arith.constant 30 : i32
    %get3A_2763 = arith.constant 0 : index
    %get3A_2764 = arith.constant 0 : index
    %get3A_2765 = vector.load %arg9[%get3A_2763, %get3A_2764] : memref<128x128xf32, #tpu.memory_space<vmem>>, vector<128x128xf32>
    %get3A_2766 = arith.constant 0 : index
    %get3A_2767 = arith.constant 0 : index
    %get3A_2768 = vector.load %arg10[%get3A_2766, %get3A_2767] : memref<128x128xf32, #tpu.memory_space<vmem>>, vector<128x128xf32>
    %mul3A_2769 = arith.constant 128 : i32
    %mul3A_2770 = arith.muli %scan3A_2762, %mul3A_2769 : i32
    %get3A_2771 = arith.index_cast %mul3A_2770 : i32 to index
    %get3A_2772 = arith.constant 0 : index
    %get3A_2773 = vector.load %arg14[%get3A_2771, %get3A_2772] : memref<4096x512xf32, #tpu.memory_space<vmem>>, vector<128x512xf32>
    %get3A_2774 = arith.constant 0 : index
    %get3A_2775 = arith.constant 0 : index
    %get3A_2776 = vector.load %arg3[%get3A_2774, %get3A_2775] : memref<128x512xf32, #tpu.memory_space<vmem>>, vector<128x512xf32>
    %dot_general3A_2777 = arith.constant dense<0.000000e+00> : vector<128x512xf32>
    %dot_general3A_2778 = tpu.matmul %get3A_2765, %get3A_2776, %dot_general3A_2777 {dimension_numbers = #tpu.dot_dimension_numbers<[1], [0], [0], [1], [0, 0, 1, 1], [], []>, transpose_lhs_hint = false} : vector<128x128xf32>, vector<128x512xf32>, vector<128x512xf32> -> vector<128x512xf32>
    %add3A_2779 = arith.addf %get3A_2773, %dot_general3A_2778 : vector<128x512xf32>
    %get3A_2780 = arith.constant 0 : index
    %get3A_2781 = arith.constant 0 : index
    %get3A_2782 = vector.load %arg4[%get3A_2780, %get3A_2781] : memref<1x512xf32, #tpu.memory_space<vmem>>, vector<1x512xf32>
    %add3A_2783 = vector.broadcast %get3A_2782 : vector<1x512xf32> to vector<128x512xf32>
    %add3A_2784 = arith.addf %add3A_2779, %add3A_2783 : vector<128x512xf32>
    %slice3A_2785 = vector.extract_strided_slice %add3A_2784 {offsets = [0, 0], sizes = [128, 128], strides = [1, 1]} : vector<128x512xf32> to vector<128x128xf32>
    %logistic3A_2786 = arith.negf %slice3A_2785 : vector<128x128xf32>
    %logistic3A_2787 = math.exp %logistic3A_2786 : vector<128x128xf32>
    %logistic3A_2788 = arith.constant 1.000000e+00 : f32
    %logistic3A_2789 = vector.broadcast %logistic3A_2788 : f32 to vector<128x128xf32>
    %logistic3A_2790 = arith.addf %logistic3A_2789, %logistic3A_2787 : vector<128x128xf32>
    %logistic3A_2791 = arith.divf %logistic3A_2789, %logistic3A_2790 : vector<128x128xf32>
    %slice3A_2792 = vector.extract_strided_slice %add3A_2784 {offsets = [0, 128], sizes = [128, 128], strides = [1, 1]} : vector<128x512xf32> to vector<128x128xf32>
    %logistic3A_2793 = arith.negf %slice3A_2792 : vector<128x128xf32>
    %logistic3A_2794 = math.exp %logistic3A_2793 : vector<128x128xf32>
    %logistic3A_2795 = arith.constant 1.000000e+00 : f32
    %logistic3A_2796 = vector.broadcast %logistic3A_2795 : f32 to vector<128x128xf32>
    %logistic3A_2797 = arith.addf %logistic3A_2796, %logistic3A_2794 : vector<128x128xf32>
    %logistic3A_2798 = arith.divf %logistic3A_2796, %logistic3A_2797 : vector<128x128xf32>
    %slice3A_2799 = vector.extract_strided_slice %add3A_2784 {offsets = [0, 256], sizes = [128, 128], strides = [1, 1]} : vector<128x512xf32> to vector<128x128xf32>
    %tanh3A_2800 = math.tanh %slice3A_2799 : vector<128x128xf32>
    %slice3A_2801 = vector.extract_strided_slice %add3A_2784 {offsets = [0, 384], sizes = [128, 128], strides = [1, 1]} : vector<128x512xf32> to vector<128x128xf32>
    %logistic3A_2802 = arith.negf %slice3A_2801 : vector<128x128xf32>
    %logistic3A_2803 = math.exp %logistic3A_2802 : vector<128x128xf32>
    %logistic3A_2804 = arith.constant 1.000000e+00 : f32
    %logistic3A_2805 = vector.broadcast %logistic3A_2804 : f32 to vector<128x128xf32>
    %logistic3A_2806 = arith.addf %logistic3A_2805, %logistic3A_2803 : vector<128x128xf32>
    %logistic3A_2807 = arith.divf %logistic3A_2805, %logistic3A_2806 : vector<128x128xf32>
    %mul3A_2808 = arith.mulf %logistic3A_2798, %get3A_2768 : vector<128x128xf32>
    %mul3A_2809 = arith.mulf %logistic3A_2791, %tanh3A_2800 : vector<128x128xf32>
    %add3A_2810 = arith.addf %mul3A_2808, %mul3A_2809 : vector<128x128xf32>
    %tanh3A_2811 = math.tanh %add3A_2810 : vector<128x128xf32>
    %mul3A_2812 = arith.mulf %logistic3A_2807, %tanh3A_2811 : vector<128x128xf32>
    %swap3A_2813 = arith.constant 0 : index
    %swap3A_2814 = arith.constant 0 : index
    %swap3A_2815 = vector.load %arg10[%swap3A_2813, %swap3A_2814] : memref<128x128xf32, #tpu.memory_space<vmem>>, vector<128x128xf32>
    tpu.vector_store %arg10[%swap3A_2813, %swap3A_2814], %add3A_2810 {strides = array<i32>} : memref<128x128xf32, #tpu.memory_space<vmem>>, vector<128x128xf32>,
    %swap3A_2816 = arith.constant 0 : index
    %swap3A_2817 = arith.constant 0 : index
    %swap3A_2818 = vector.load %arg9[%swap3A_2816, %swap3A_2817] : memref<128x128xf32, #tpu.memory_space<vmem>>, vector<128x128xf32>
    tpu.vector_store %arg9[%swap3A_2816, %swap3A_2817], %mul3A_2812 {strides = array<i32>} : memref<128x128xf32, #tpu.memory_space<vmem>>, vector<128x128xf32>,
    %get3A_2819 = arith.constant 0 : index
    %get3A_2820 = arith.constant 0 : index
    %get3A_2821 = vector.load %arg5[%get3A_2819, %get3A_2820] : memref<128x1xf32, #tpu.memory_space<vmem>>, vector<128x1xf32>
    %dot_general3A_2822 = arith.constant dense<0.000000e+00> : vector<128x1xf32>
    %dot_general3A_2823 = tpu.matmul %mul3A_2812, %get3A_2821, %dot_general3A_2822 {dimension_numbers = #tpu.dot_dimension_numbers<[1], [0], [0], [1], [0, 0, 1, 1], [], []>, transpose_lhs_hint = false} : vector<128x128xf32>, vector<128x1xf32>, vector<128x1xf32> -> vector<128x1xf32>
    %get3A_2824 = arith.constant 0 : index
    %get3A_2825 = arith.constant 0 : index
    %get3A_2826 = vector.load %arg11[%get3A_2824, %get3A_2825] : memref<128x1xf32, #tpu.memory_space<vmem>>, vector<128x1xf32>
    %max3A_2827 = arith.maximumf %get3A_2826, %dot_general3A_2823 : vector<128x1xf32>
    %sub3A_2828 = arith.subf %get3A_2826, %max3A_2827 : vector<128x1xf32>
    %exp3A_2829 = math.exp %sub3A_2828 : vector<128x1xf32>
    %sub3A_2830 = arith.subf %dot_general3A_2823, %max3A_2827 : vector<128x1xf32>
    %exp3A_2831 = math.exp %sub3A_2830 : vector<128x1xf32>
    %swap3A_2832 = arith.constant 0 : index
    %swap3A_2833 = arith.constant 0 : index
    %swap3A_2834 = vector.load %arg11[%swap3A_2832, %swap3A_2833] : memref<128x1xf32, #tpu.memory_space<vmem>>, vector<128x1xf32>
    tpu.vector_store %arg11[%swap3A_2832, %swap3A_2833], %max3A_2827 {strides = array<i32>} : memref<128x1xf32, #tpu.memory_space<vmem>>, vector<128x1xf32>,
    %get3A_2835 = arith.constant 0 : index
    %get3A_2836 = arith.constant 0 : index
    %get3A_2837 = vector.load %arg12[%get3A_2835, %get3A_2836] : memref<128x1xf32, #tpu.memory_space<vmem>>, vector<128x1xf32>
    %mul3A_2838 = arith.mulf %get3A_2837, %exp3A_2829 : vector<128x1xf32>
    %add3A_2839 = arith.addf %mul3A_2838, %exp3A_2831 : vector<128x1xf32>
    %swap3A_2840 = arith.constant 0 : index
    %swap3A_2841 = arith.constant 0 : index
    %swap3A_2842 = vector.load %arg12[%swap3A_2840, %swap3A_2841] : memref<128x1xf32, #tpu.memory_space<vmem>>, vector<128x1xf32>
    tpu.vector_store %arg12[%swap3A_2840, %swap3A_2841], %add3A_2839 {strides = array<i32>} : memref<128x1xf32, #tpu.memory_space<vmem>>, vector<128x1xf32>,
    %get3A_2843 = arith.constant 0 : index
    %get3A_2844 = arith.constant 0 : index
    %get3A_2845 = vector.load %arg13[%get3A_2843, %get3A_2844] : memref<128x128xf32, #tpu.memory_space<vmem>>, vector<128x128xf32>
    %mul3A_2846 = vector.broadcast %exp3A_2829 : vector<128x1xf32> to vector<128x128xf32>
    %mul3A_2847 = arith.mulf %get3A_2845, %mul3A_2846 : vector<128x128xf32>
    %mul3A_2848 = vector.broadcast %exp3A_2831 : vector<128x1xf32> to vector<128x128xf32>
    %mul3A_2849 = arith.mulf %mul3A_2848, %mul3A_2812 : vector<128x128xf32>
    %add3A_2850 = arith.addf %mul3A_2847, %mul3A_2849 : vector<128x128xf32>
    %swap3A_2851 = arith.constant 0 : index
    %swap3A_2852 = arith.constant 0 : index
    %swap3A_2853 = vector.load %arg13[%swap3A_2851, %swap3A_2852] : memref<128x128xf32, #tpu.memory_space<vmem>>, vector<128x128xf32>
    tpu.vector_store %arg13[%swap3A_2851, %swap3A_2852], %add3A_2850 {strides = array<i32>} : memref<128x128xf32, #tpu.memory_space<vmem>>, vector<128x128xf32>,
    %scan3A_2854 = arith.constant 31 : i32
    %get3A_2855 = arith.constant 0 : index
    %get3A_2856 = arith.constant 0 : index
    %get3A_2857 = vector.load %arg9[%get3A_2855, %get3A_2856] : memref<128x128xf32, #tpu.memory_space<vmem>>, vector<128x128xf32>
    %get3A_2858 = arith.constant 0 : index
    %get3A_2859 = arith.constant 0 : index
    %get3A_2860 = vector.load %arg10[%get3A_2858, %get3A_2859] : memref<128x128xf32, #tpu.memory_space<vmem>>, vector<128x128xf32>
    %mul3A_2861 = arith.constant 128 : i32
    %mul3A_2862 = arith.muli %scan3A_2854, %mul3A_2861 : i32
    %get3A_2863 = arith.index_cast %mul3A_2862 : i32 to index
    %get3A_2864 = arith.constant 0 : index
    %get3A_2865 = vector.load %arg14[%get3A_2863, %get3A_2864] : memref<4096x512xf32, #tpu.memory_space<vmem>>, vector<128x512xf32>
    %get3A_2866 = arith.constant 0 : index
    %get3A_2867 = arith.constant 0 : index
    %get3A_2868 = vector.load %arg3[%get3A_2866, %get3A_2867] : memref<128x512xf32, #tpu.memory_space<vmem>>, vector<128x512xf32>
    %dot_general3A_2869 = arith.constant dense<0.000000e+00> : vector<128x512xf32>
    %dot_general3A_2870 = tpu.matmul %get3A_2857, %get3A_2868, %dot_general3A_2869 {dimension_numbers = #tpu.dot_dimension_numbers<[1], [0], [0], [1], [0, 0, 1, 1], [], []>, transpose_lhs_hint = false} : vector<128x128xf32>, vector<128x512xf32>, vector<128x512xf32> -> vector<128x512xf32>
    %add3A_2871 = arith.addf %get3A_2865, %dot_general3A_2870 : vector<128x512xf32>
    %get3A_2872 = arith.constant 0 : index
    %get3A_2873 = arith.constant 0 : index
    %get3A_2874 = vector.load %arg4[%get3A_2872, %get3A_2873] : memref<1x512xf32, #tpu.memory_space<vmem>>, vector<1x512xf32>
    %add3A_2875 = vector.broadcast %get3A_2874 : vector<1x512xf32> to vector<128x512xf32>
    %add3A_2876 = arith.addf %add3A_2871, %add3A_2875 : vector<128x512xf32>
    %slice3A_2877 = vector.extract_strided_slice %add3A_2876 {offsets = [0, 0], sizes = [128, 128], strides = [1, 1]} : vector<128x512xf32> to vector<128x128xf32>
    %logistic3A_2878 = arith.negf %slice3A_2877 : vector<128x128xf32>
    %logistic3A_2879 = math.exp %logistic3A_2878 : vector<128x128xf32>
    %logistic3A_2880 = arith.constant 1.000000e+00 : f32
    %logistic3A_2881 = vector.broadcast %logistic3A_2880 : f32 to vector<128x128xf32>
    %logistic3A_2882 = arith.addf %logistic3A_2881, %logistic3A_2879 : vector<128x128xf32>
    %logistic3A_2883 = arith.divf %logistic3A_2881, %logistic3A_2882 : vector<128x128xf32>
    %slice3A_2884 = vector.extract_strided_slice %add3A_2876 {offsets = [0, 128], sizes = [128, 128], strides = [1, 1]} : vector<128x512xf32> to vector<128x128xf32>
    %logistic3A_2885 = arith.negf %slice3A_2884 : vector<128x128xf32>
    %logistic3A_2886 = math.exp %logistic3A_2885 : vector<128x128xf32>
    %logistic3A_2887 = arith.constant 1.000000e+00 : f32
    %logistic3A_2888 = vector.broadcast %logistic3A_2887 : f32 to vector<128x128xf32>
    %logistic3A_2889 = arith.addf %logistic3A_2888, %logistic3A_2886 : vector<128x128xf32>
    %logistic3A_2890 = arith.divf %logistic3A_2888, %logistic3A_2889 : vector<128x128xf32>
    %slice3A_2891 = vector.extract_strided_slice %add3A_2876 {offsets = [0, 256], sizes = [128, 128], strides = [1, 1]} : vector<128x512xf32> to vector<128x128xf32>
    %tanh3A_2892 = math.tanh %slice3A_2891 : vector<128x128xf32>
    %slice3A_2893 = vector.extract_strided_slice %add3A_2876 {offsets = [0, 384], sizes = [128, 128], strides = [1, 1]} : vector<128x512xf32> to vector<128x128xf32>
    %logistic3A_2894 = arith.negf %slice3A_2893 : vector<128x128xf32>
    %logistic3A_2895 = math.exp %logistic3A_2894 : vector<128x128xf32>
    %logistic3A_2896 = arith.constant 1.000000e+00 : f32
    %logistic3A_2897 = vector.broadcast %logistic3A_2896 : f32 to vector<128x128xf32>
    %logistic3A_2898 = arith.addf %logistic3A_2897, %logistic3A_2895 : vector<128x128xf32>
    %logistic3A_2899 = arith.divf %logistic3A_2897, %logistic3A_2898 : vector<128x128xf32>
    %mul3A_2900 = arith.mulf %logistic3A_2890, %get3A_2860 : vector<128x128xf32>
    %mul3A_2901 = arith.mulf %logistic3A_2883, %tanh3A_2892 : vector<128x128xf32>
    %add3A_2902 = arith.addf %mul3A_2900, %mul3A_2901 : vector<128x128xf32>
    %tanh3A_2903 = math.tanh %add3A_2902 : vector<128x128xf32>
    %mul3A_2904 = arith.mulf %logistic3A_2899, %tanh3A_2903 : vector<128x128xf32>
    %swap3A_2905 = arith.constant 0 : index
    %swap3A_2906 = arith.constant 0 : index
    %swap3A_2907 = vector.load %arg10[%swap3A_2905, %swap3A_2906] : memref<128x128xf32, #tpu.memory_space<vmem>>, vector<128x128xf32>
    tpu.vector_store %arg10[%swap3A_2905, %swap3A_2906], %add3A_2902 {strides = array<i32>} : memref<128x128xf32, #tpu.memory_space<vmem>>, vector<128x128xf32>,
    %swap3A_2908 = arith.constant 0 : index
    %swap3A_2909 = arith.constant 0 : index
    %swap3A_2910 = vector.load %arg9[%swap3A_2908, %swap3A_2909] : memref<128x128xf32, #tpu.memory_space<vmem>>, vector<128x128xf32>
    tpu.vector_store %arg9[%swap3A_2908, %swap3A_2909], %mul3A_2904 {strides = array<i32>} : memref<128x128xf32, #tpu.memory_space<vmem>>, vector<128x128xf32>,
    %get3A_2911 = arith.constant 0 : index
    %get3A_2912 = arith.constant 0 : index
    %get3A_2913 = vector.load %arg5[%get3A_2911, %get3A_2912] : memref<128x1xf32, #tpu.memory_space<vmem>>, vector<128x1xf32>
    %dot_general3A_2914 = arith.constant dense<0.000000e+00> : vector<128x1xf32>
    %dot_general3A_2915 = tpu.matmul %mul3A_2904, %get3A_2913, %dot_general3A_2914 {dimension_numbers = #tpu.dot_dimension_numbers<[1], [0], [0], [1], [0, 0, 1, 1], [], []>, transpose_lhs_hint = false} : vector<128x128xf32>, vector<128x1xf32>, vector<128x1xf32> -> vector<128x1xf32>
    %get3A_2916 = arith.constant 0 : index
    %get3A_2917 = arith.constant 0 : index
    %get3A_2918 = vector.load %arg11[%get3A_2916, %get3A_2917] : memref<128x1xf32, #tpu.memory_space<vmem>>, vector<128x1xf32>
    %max3A_2919 = arith.maximumf %get3A_2918, %dot_general3A_2915 : vector<128x1xf32>
    %sub3A_2920 = arith.subf %get3A_2918, %max3A_2919 : vector<128x1xf32>
    %exp3A_2921 = math.exp %sub3A_2920 : vector<128x1xf32>
    %sub3A_2922 = arith.subf %dot_general3A_2915, %max3A_2919 : vector<128x1xf32>
    %exp3A_2923 = math.exp %sub3A_2922 : vector<128x1xf32>
    %swap3A_2924 = arith.constant 0 : index
    %swap3A_2925 = arith.constant 0 : index
    %swap3A_2926 = vector.load %arg11[%swap3A_2924, %swap3A_2925] : memref<128x1xf32, #tpu.memory_space<vmem>>, vector<128x1xf32>
    tpu.vector_store %arg11[%swap3A_2924, %swap3A_2925], %max3A_2919 {strides = array<i32>} : memref<128x1xf32, #tpu.memory_space<vmem>>, vector<128x1xf32>,
    %get3A_2927 = arith.constant 0 : index
    %get3A_2928 = arith.constant 0 : index
    %get3A_2929 = vector.load %arg12[%get3A_2927, %get3A_2928] : memref<128x1xf32, #tpu.memory_space<vmem>>, vector<128x1xf32>
    %mul3A_2930 = arith.mulf %get3A_2929, %exp3A_2921 : vector<128x1xf32>
    %add3A_2931 = arith.addf %mul3A_2930, %exp3A_2923 : vector<128x1xf32>
    %swap3A_2932 = arith.constant 0 : index
    %swap3A_2933 = arith.constant 0 : index
    %swap3A_2934 = vector.load %arg12[%swap3A_2932, %swap3A_2933] : memref<128x1xf32, #tpu.memory_space<vmem>>, vector<128x1xf32>
    tpu.vector_store %arg12[%swap3A_2932, %swap3A_2933], %add3A_2931 {strides = array<i32>} : memref<128x1xf32, #tpu.memory_space<vmem>>, vector<128x1xf32>,
    %get3A_2935 = arith.constant 0 : index
    %get3A_2936 = arith.constant 0 : index
    %get3A_2937 = vector.load %arg13[%get3A_2935, %get3A_2936] : memref<128x128xf32, #tpu.memory_space<vmem>>, vector<128x128xf32>
    %mul3A_2938 = vector.broadcast %exp3A_2921 : vector<128x1xf32> to vector<128x128xf32>
    %mul3A_2939 = arith.mulf %get3A_2937, %mul3A_2938 : vector<128x128xf32>
    %mul3A_2940 = vector.broadcast %exp3A_2923 : vector<128x1xf32> to vector<128x128xf32>
    %mul3A_2941 = arith.mulf %mul3A_2940, %mul3A_2904 : vector<128x128xf32>
    %add3A_2942 = arith.addf %mul3A_2939, %mul3A_2941 : vector<128x128xf32>
    %swap3A_2943 = arith.constant 0 : index
    %swap3A_2944 = arith.constant 0 : index
    %swap3A_2945 = vector.load %arg13[%swap3A_2943, %swap3A_2944] : memref<128x128xf32, #tpu.memory_space<vmem>>, vector<128x128xf32>
    tpu.vector_store %arg13[%swap3A_2943, %swap3A_2944], %add3A_2942 {strides = array<i32>} : memref<128x128xf32, #tpu.memory_space<vmem>>, vector<128x128xf32>,
    %scan3A_2946 = arith.constant 32 : i32
    %eq3A_2947 = arith.constant 15 : i32
    %eq3A_2948 = arith.cmpi eq, %arg0, %eq3A_2947 : i32
    %convert_element_type3A_2949 = arith.extui %eq3A_2948 : i1 to i32
    %cond3A_2950 = arith.constant 0 : i32
    %cond3A_2951 = arith.cmpi ne, %convert_element_type3A_2949, %cond3A_2950 : i32
    scf.if %cond3A_2951 {
      %get3A_2952 = arith.constant 0 : index
      %get3A_2953 = arith.constant 0 : index
      %get3A_2954 = vector.load %arg13[%get3A_2952, %get3A_2953] : memref<128x128xf32, #tpu.memory_space<vmem>>, vector<128x128xf32>
      %get3A_2955 = arith.constant 0 : index
      %get3A_2956 = arith.constant 0 : index
      %get3A_2957 = vector.load %arg12[%get3A_2955, %get3A_2956] : memref<128x1xf32, #tpu.memory_space<vmem>>, vector<128x1xf32>
      %div3A = vector.broadcast %get3A_2957 : vector<128x1xf32> to vector<128x128xf32>
      %div3A_2958 = arith.divf %get3A_2954, %div3A : vector<128x128xf32>
      %get3A_2959 = arith.constant 0 : index
      %get3A_2960 = arith.constant 0 : index
      %get3A_2961 = vector.load %arg6[%get3A_2959, %get3A_2960] : memref<128x128xf32, #tpu.memory_space<vmem>>, vector<128x128xf32>
      %dot_general3A_2962 = arith.constant dense<0.000000e+00> : vector<128x128xf32>
      %dot_general3A_2963 = tpu.matmul %div3A_2958, %get3A_2961, %dot_general3A_2962 {dimension_numbers = #tpu.dot_dimension_numbers<[1], [0], [0], [1], [0, 0, 1, 1], [], []>, transpose_lhs_hint = false} : vector<128x128xf32>, vector<128x128xf32>, vector<128x128xf32> -> vector<128x128xf32>
      %get3A_2964 = arith.constant 0 : index
      %get3A_2965 = arith.constant 0 : index
      %get3A_2966 = vector.load %arg7[%get3A_2964, %get3A_2965] : memref<1x128xf32, #tpu.memory_space<vmem>>, vector<1x128xf32>
      %add3A_2967 = vector.broadcast %get3A_2966 : vector<1x128xf32> to vector<128x128xf32>
      %add3A_2968 = arith.addf %dot_general3A_2963, %add3A_2967 : vector<128x128xf32>
      %max3A_2969 = arith.constant 0.000000e+00 : f32
      %max3A_2970 = vector.broadcast %max3A_2969 : f32 to vector<128x128xf32>
      %max3A_2971 = arith.maximumf %add3A_2968, %max3A_2970 : vector<128x128xf32>
      %swap3A_2972 = arith.constant 0 : index
      %swap3A_2973 = arith.constant 0 : index
      %swap3A_2974 = vector.load %arg8[%swap3A_2972, %swap3A_2973] : memref<128x128xf32, #tpu.memory_space<vmem>>, vector<128x128xf32>
      tpu.vector_store %arg8[%swap3A_2972, %swap3A_2973], %max3A_2971 {strides = array<i32>} : memref<128x128xf32, #tpu.memory_space<vmem>>, vector<128x128xf32>,
    } else {
    }
    return
  }
  func.func @transform_0(%arg0: i32) -> (i32, i32, i32) {
    %c0_i32 = arith.constant 0 : i32
    %c0_i32_0 = arith.constant 0 : i32
    %c0_i32_1 = arith.constant 0 : i32
    return %arg0, %c0_i32, %c0_i32_0 : i32, i32, i32
  }
  func.func @transform_1(%arg0: i32) -> (i32, i32) {
    %c0_i32 = arith.constant 0 : i32
    %c0_i32_0 = arith.constant 0 : i32
    %c0_i32_1 = arith.constant 0 : i32
    return %c0_i32, %c0_i32_0 : i32, i32
  }
  func.func @transform_2(%arg0: i32) -> (i32, i32) {
    %c0_i32 = arith.constant 0 : i32
    %c0_i32_0 = arith.constant 0 : i32
    %c0_i32_1 = arith.constant 0 : i32
    return %c0_i32, %c0_i32_0 : i32, i32
  }
  func.func @transform_3(%arg0: i32) -> (i32, i32) {
    %c0_i32 = arith.constant 0 : i32
    %c0_i32_0 = arith.constant 0 : i32
    %c0_i32_1 = arith.constant 0 : i32
    return %c0_i32, %c0_i32_0 : i32, i32
  }
  func.func @transform_4(%arg0: i32) -> (i32, i32) {
    %c0_i32 = arith.constant 0 : i32
    %c0_i32_0 = arith.constant 0 : i32
    %c0_i32_1 = arith.constant 0 : i32
    return %c0_i32, %c0_i32_0 : i32, i32
  }
  func.func @transform_5(%arg0: i32) -> (i32, i32) {
    %c0_i32 = arith.constant 0 : i32
    %c0_i32_0 = arith.constant 0 : i32
    %c0_i32_1 = arith.constant 0 : i32
    return %c0_i32, %c0_i32_0 : i32, i32
  }
  func.func @transform_6(%arg0: i32) -> (i32, i32) {
    %c0_i32 = arith.constant 0 : i32
    %c0_i32_0 = arith.constant 0 : i32
    %c0_i32_1 = arith.constant 0 : i32
    return %c0_i32, %c0_i32_0 : i32, i32
  }
  func.func @transform_7(%arg0: i32) -> (i32, i32) {
    %c0_i32 = arith.constant 0 : i32
    %c0_i32_0 = arith.constant 0 : i32
    %c0_i32_1 = arith.constant 0 : i32
    return %c0_i32, %c0_i32_0 : i32, i32
  }
}

</mosaic_0001>

<sc_bundles>
// kernel: sparse-core-data-format-call.cloned.1.call-start
scs
called_computation_lowered:
.L_overlay_start_0:
0x0: {  	s2 =	sld [smem:$0x3FD9]  }
0x1: {  	s3 =	sld [smem:$0x3FFE];
	_ =	sdelay $0x1  }
0x2: {  	s1 =	srdreg.scid  }
0x3: {  	s0 =	sand.u32 $0x1, s1  }
0x4: {  	s18 =	sshll.u32 s0, $0xA;
	s2 =	sadd.s32 s3, s2  }
0x5: {  	s2 =	sadd.s32 s2, s18  }
0x6: {  	[smem:$0x3FBD] =	sst s2  }
0x7: {  	_ = 	snop  }
0x8: {  	s2 =	sld [smem:$0x3FC9];
	(tm) =	ssettm $0x1  }
0x9: {  	s19 =	sld [smem:$0x3FFB];
	_ =	sdelay $0x3  }
0xa: {  	_ =	strace s19  }
0xb: {  	s3 =	sld [smem:$0x3FFC];
	_ =	sdelay $0x3  }
0xc: {  	_ =	strace s3  }
0xd: {  	s3 =	sld [smem:$0x3FFD];
	_ =	sdelay $0x3  }
0xe: {  	_ =	strace s3  }
0xf: {  	_ =	strace $0x8FFFFFFF  }
0x10: {  	s20 =	sld [smem:$0x3FDB];
	_ =	sdelay $0x1  }
0x11: {  	s4 =	simm.s32 $_scs_section_size  }
0x12: {  	s5 =	simm.s32 $_size__tile_overlayer_lowered;
	s6 =	simm.s32 $_tile_overlayer_lowered  }
0x13: {  	s23 =	simm.s32 $0x1BFF;
	s22 =	sshll.u32 s6, $0x1;
	s3 =	sadd.s32 s4, s20  }
0x14: {  	s7 =	simm.s32 $0x0;
	s21 =	sshll.u32 s5, $0x1;
	s5 =	sadd.s32 s22, s3  }
0x15: {  	[timem:s7], [sflag:s23] =	dma.local [hbm:s5], s21  }
0x16: {  	_ =	swait.ge [sflag:s23], s21  }
0x17: {  	s4 =	ssub.s32 $0x0, s21;
	[sflag:s23] =	ssyncset.done $0x0  }
0x18: {  	[sflag:s23] =	ssyncadd.s32 s4;
	_ =	sdelay $0x1  }
0x19: {  	s24 =	simm.s32 $0x1B8B  }
0x1a: {  	_ =	swait.ge [sflag:s24], $0x1  }
0x1b: {  	[sflag:s24] =	ssyncset.done $0x0  }
0x1c: {  	s26 =	simm.s32 $0x1B8E;
	s25 =	sld [smem:$0x3FFE];
	[sflag:s24] =	ssyncadd.s32 $0xFFFFFFFF  }
0x1d: {  	s27 =	simm.s32 $execute0_lowered;
	[smem:$0x3FD2] =	sst s26  }
0x1e: {  	s5 =	sshll.u32 s27, $0x1;
	_ =	strace $0x80000046;
	[dreg:$0x1] =	wrdreg $0xFFFFFFFF  }
0x1f: {  	s28 =	simm.s32 $_size_execute0_lowered;
	s3 =	sadd.s32 s3, s5;
	[dreg:$0x0] =	wrdreg $0x0  }
0x20: {  	s5 =	sshll.u32 s28, $0x1;
	[dreg:$0x2] =	wrdreg s3  }
0x21: {  	[dreg:$0x3] =	wrdreg s5  }
0x22: {  	[dreg:$0x4] =	wrdreg $0xC0  }
0x23: {  	_ =	task [dreg:s7], $0x5FFFF  }
0x24: {  	[dreg:$0x1] =	wrdreg $0xFFFFFFFF  }
0x25: {  	[dreg:$0x0] =	wrdreg $0x60  }
0x26: {  	[dreg:$0x2] =	wrdreg s2  }
0x27: {  	[dreg:$0x3] =	wrdreg s25  }
0x28: {  	[dreg:$0x4] =	wrdreg $0x9  }
0x29: {  	_ =	task.clear_ibuf [dreg:s7], $0x5FFFF;
	_ =	strace $0x90000046  }
0x2a: {  	s29 =	simm.s32 $0x9;
	_ =	strace $0x80000048  }
0x2b: {  	_ =	swait.ge [sflag:s29], $0x1  }
0x2c: {  	[sflag:s29] =	ssyncadd.s32 $0xFFFFFFFF  }
0x2d: {  	_ =	strace $0x90000048  }
0x2e: {  	_ =	sfence  }
0x2f: {  	s30 =	sld [smem:$0x0];
	_ =	sdelay $0x2  }
0x30: {  	s31 =	sshll.u32 s1, $0xD;
	s1 =	sshrl.u32 s1, $0x2  }
0x31: {  	s3 =	sand.u32 $0x4000, s31;
	s1 =	sadd.s32 s1, s30  }
0x32: {  	s0 =	sor.u32 s3, s0;
	s1 =	sshll.u32 s1, $0x11  }
0x33: {  	s0 =	sor.u32 s1, s0  }
0x34: {  	s0 =	sadd.s32 $0x8F2B, s0  }
0x35: {  	[sflag:s0] =	ssyncadd.remote.s32 $0x1  }
0x36: {  	_ =	sfence.sel $0xFFFF  }
0x37: {  	[dreg:$0x0] =	wrdreg $0xFFFFFFFF;
	(pc) =	sbr.abs _section_cstart, $3  }
0x38: {  	[dreg:$0x1] =	wrdreg $0xFFFFFFFF  }
0x39: {  	_ =	task.clear_ibuf [dreg:s7], $0x2FFFF;
	_ =	strace $0x9FFFFFFF  }
0x3a: {  	(tm) =	ssettm $0x7FFFFFFF  }
0x3b: {  	_ =	shalt  }
tec
execute0_lowered:
.L_overlay_start_1:
0x0: {  	(tag) =	ssettag $0x1  }
0x1: {  	s2 =	rddreg [dreg:$0x0]  }
0x2: {  	s1 =	rddreg [dreg:$0x1]  }
0x3: {  	s0 =	rddreg [dreg:$0x2];
	_ =	strace $0x80000047;
	s4 =	srdreg.scid  }
0x4: {  	s6 =	simm.s32 $0x2;
	s11 =	simm.s32 $0x0;
	p0 =	por $0x0, $0x0  }
.Ltmp0:
0x5: {  	s7 =	simm.s32 $0x4000;
	s12 =	simm.s32 $0x0;
	(pc) =	sbr.rel .LBB1_1-.Ltmp0, $4  }
0x6: {  	s9 =	simm.s32 $0x0;
	s3 =	sadd.s32 $0x1800, s1;
	s5 =	sshll.u32 s4, $0x4  }
0x7: {  	s1 =	stileid.u32;
	s4 =	simm.s32 $0x1;
	s5 =	sand.u32 $0x10, s5  }
0x8: {  	s8 =	simm.s32 $0x0;
	[sflag:s4] =	ssyncpa.u1 $0x0;
	s5 =	sor.u32 s1, s5  }
0x9: {  	[sflag:s6] =	ssyncpa.u1 $0x0;
	s6 =	simm.s32 $0x80;
	s10 =	smov.u32 s5  }
.LBB1_5:
0xa: {  	s13 =	sadd.s32 $0x80, s9  }
0xb: {  	s11 =	sadd.s32 $0x20, s10;
	s15 =	smov.u32 s10;
	p2 =	sgt.s32 s13, $0x1FF  }
0xc: {  	p1 =	slt.u32 s8, $0x2;
	s15 =	smov.u32 @p2 s11  }
0xd: {  	s8 =	sadd.s32 $0x1, s8;
	s13 =	simm.s32 @p2 $0x0;
	p2 =	sgt.s32 s15, $0x7F  }
0xe: {  	s15 =	smov.u32 @p2 s5;
	p2 =	sne.s32 s8, $0x12  }
.Ltmp1:
0xf: {  	_ = 	snop;
	(pc) =	sbr.rel @!p2 .LBB1_6-.Ltmp1, $4  }
0x10: {  	s14 =	simm.s32 @!p1 $0x2  }
0x11: {  	s12 =	smov.u32 s10;
	_ =	swait.ge @!p1 [sflag:s14], $0x4000  }
0x12: {  	p0 =	por !p0, !p0;
	s11 =	smov.u32 s9;
	[sflag:s14] =	ssyncset.done @!p1 $0x0  }
0x13: {  	s9 =	smov.u32 s13;
	[sflag:s14] =	ssyncadd.s32 @!p1 $0xFFFFC000;
	s10 =	smov.u32 s15  }
.LBB1_1:
0x14: {  	p1 =	sgt.u32 s8, $0xF  }
0x15: {  	s13 =	sxor.u32 @!p1 $0xFFFFFFFF, s8;
	s14 =	sshll.u32 @!p1 s10, $0xD;
	s15 =	sshll.u32 @!p1 s9, $0x4  }
0x16: {  	s13 =	sshll.u32 @!p1 s13, $0xE;
	s15 =	sand.u32 @!p1 $0x1FF0, s15;
	s14 =	sadd.s32 @!p1 s2, s14  }
0x17: {  	s13 =	sand.u32 @!p1 $0x4000, s13;
	s14 =	sadd.s32 @!p1 s15, s14;
	s15 =	simm.s32 @!p1 $0x0  }
0x18: {  	[tilespmem:s13], [sflag:$0x1] =	stream.linear.gather @!p1 [hbm4b:s14+s15], $0x4000, $0x38;
	[tilespmem:$0x10000] =	vst v63  }
0x19: {  	p1 =	seq.s32 s8, $0x0  }
0x1a: {  	p2 =	seq.s32 @!p1 s8, $0x11  }
0x1b: {  	p1 =	por p1, p2  }
.Ltmp2:
0x1c: {  	_ = 	snop;
	(pc) =	sbr.rel @p1 .LBB1_5-.Ltmp2, $1  }
0x1d: {  	_ =	sdelay $0x3  }
0x1e: {  	s13 =	simm.s32 $0x1  }
0x1f: {  	s13 =	simm.s32 @!p0 $0x0  }
0x20: {  	s13 =	sshll.u32 s13, $0xE  }
0x21: {  	s14 =	sor.u32 $0x40, s13  }
0x22: {  	v1 =	vmov s14;
	_ =	sdelay $0x1  }
0x23: {  	_ =	swait.ge [sflag:s4], $0x4000  }
0x24: {  	[sflag:s4] =	ssyncset.done $0x0  }
0x25: {  	[sflag:s4] =	ssyncadd.s32 $0xFFFFC000;
	s14 =	simm.s32 $0x0  }
0x26: {  	s13 =	sor.u32 $0x8070, s13;
	v7 =	vld.idx.msk [tilespmem:v1+s14+$0x30 ss:$0x1], $0xffff  }
0x27: {  	v0 =	vmov s13;
	v8 =	vld.idx.msk [tilespmem:v1+s14+$0xFFFFFFC0 ss:$0x1], $0xffff  }
0x28: {  	v6 =	vld.idx.msk [tilespmem:v1+s14+$0xFFFFFFD0 ss:$0x1], $0xffff  }
0x29: {  	v4 =	vld.idx.msk [tilespmem:v1+s14+$0xFFFFFFE0 ss:$0x1], $0xffff  }
0x2a: {  	v2 =	vld.idx.msk [tilespmem:v1+s14+$0xFFFFFFF0 ss:$0x1], $0xffff  }
0x2b: {  	s31 =	sshll.u32 s8, $0xE;
	v3 =	vld.idx.msk [tilespmem:v1+s14+$0x0 ss:$0x1], $0xffff  }
0x2c: {  	s13 =	sand.u32 $0x4000, s31;
	v5 =	vld.idx.msk [tilespmem:v1+s14+$0x10 ss:$0x1], $0xffff;
	[tilespmem:v0+s14+$0x0 ss:$0x1] =	vst.idx.msk $0xffff, v7  }
0x2d: {  	s15 =	simm.s32 $0x80;
	s16 =	simm.s32 $0x400;
	s13 =	sor.u32 $0x8000, s13;
	[tilespmem:v0+s14+$0xFFFFFF90 ss:$0x1] =	vst.idx.msk $0xffff, v8;
	v7 =	vld.idx.msk [tilespmem:v1+s14+$0x20 ss:$0x1], $0xffff  }
.LBB1_3:
0x2e: {  	p1 =	sne.s32 s16, $0xFE00;
	v8 =	vld.idx.msk [tilespmem:v1+s15+$0x30 ss:$0x1], $0xffff;
	[tilespmem:v0+s14+$0xFFFFFFA0 ss:$0x1] =	vst.idx.msk $0xffff, v6  }
0x2f: {  	v9 =	vld.idx.msk [tilespmem:v1+s15+$0xFFFFFFC0 ss:$0x1], $0xffff;
	[tilespmem:v0+s14+$0xFFFFFFB0 ss:$0x1] =	vst.idx.msk $0xffff, v4  }
0x30: {  	v6 =	vld.idx.msk [tilespmem:v1+s15+$0xFFFFFFD0 ss:$0x1], $0xffff;
	[tilespmem:v0+s14+$0xFFFFFFC0 ss:$0x1] =	vst.idx.msk $0xffff, v2  }
.Ltmp3:
0x31: {  	v4 =	vld.idx.msk [tilespmem:v1+s15+$0xFFFFFFE0 ss:$0x1], $0xffff;
	[tilespmem:v0+s14+$0xFFFFFFD0 ss:$0x1] =	vst.idx.msk $0xffff, v3;
	(pc) =	sbr.rel @p1 .LBB1_3-.Ltmp3, $4  }
0x32: {  	v2 =	vld.idx.msk [tilespmem:v1+s15+$0xFFFFFFF0 ss:$0x1], $0xffff;
	[tilespmem:v0+s14+$0xFFFFFFE0 ss:$0x1] =	vst.idx.msk $0xffff, v5  }
0x33: {  	v3 =	vld.idx.msk [tilespmem:v1+s15+$0x0 ss:$0x1], $0xffff;
	[tilespmem:v0+s14+$0xFFFFFFF0 ss:$0x1] =	vst.idx.msk $0xffff, v7;
	s14 =	smov.u32 s15  }
0x34: {  	v5 =	vld.idx.msk [tilespmem:v1+s14+$0x10 ss:$0x1], $0xffff;
	[tilespmem:v0+s14+$0x0 ss:$0x1] =	vst.idx.msk $0xffff, v8  }
0x35: {  	s15 =	sshra.s32 s16, $0x2;
	s16 =	sadd.s32 $0x200, s16;
	[tilespmem:v0+s14+$0xFFFFFF90 ss:$0x1] =	vst.idx.msk $0xffff, v9;
	v7 =	vld.idx.msk [tilespmem:v1+s14+$0x20 ss:$0x1], $0xffff  }
0x36: {  	_ =	sdelay $0x3  }
0x37: {  	[tilespmem:v0+s14+$0xFFFFFFA0 ss:$0x1] =	vst.idx.msk $0xffff, v6  }
0x38: {  	v56 =	vld.idx.msk [tilespmem:v1+s15+$0x30 ss:$0x1], $0xffff;
	[tilespmem:v0+s14+$0xFFFFFFB0 ss:$0x1] =	vst.idx.msk $0xffff, v4  }
0x39: {  	v57 =	vld.idx.msk [tilespmem:v1+s15+$0xFFFFFFC0 ss:$0x1], $0xffff;
	[tilespmem:v0+s14+$0xFFFFFFC0 ss:$0x1] =	vst.idx.msk $0xffff, v2  }
0x3a: {  	v58 =	vld.idx.msk [tilespmem:v1+s15+$0xFFFFFFD0 ss:$0x1], $0xffff;
	[tilespmem:v0+s14+$0xFFFFFFD0 ss:$0x1] =	vst.idx.msk $0xffff, v3  }
0x3b: {  	v59 =	vld.idx.msk [tilespmem:v1+s15+$0xFFFFFFE0 ss:$0x1], $0xffff;
	[tilespmem:v0+s14+$0xFFFFFFE0 ss:$0x1] =	vst.idx.msk $0xffff, v5  }
0x3c: {  	v60 =	vld.idx.msk [tilespmem:v1+s15+$0xFFFFFFF0 ss:$0x1], $0xffff;
	[tilespmem:v0+s14+$0xFFFFFFF0 ss:$0x1] =	vst.idx.msk $0xffff, v7  }
0x3d: {  	v61 =	vld.idx.msk [tilespmem:v1+s15+$0x0 ss:$0x1], $0xffff;
	[tilespmem:v0+s15+$0x0 ss:$0x1] =	vst.idx.msk $0xffff, v56  }
0x3e: {  	v62 =	vld.idx.msk [tilespmem:v1+s15+$0x10 ss:$0x1], $0xffff;
	[tilespmem:v0+s15+$0xFFFFFF90 ss:$0x1] =	vst.idx.msk $0xffff, v57  }
0x3f: {  	v63 =	vld.idx.msk [tilespmem:v1+s15+$0x20 ss:$0x1], $0xffff;
	[tilespmem:v0+s15+$0xFFFFFFA0 ss:$0x1] =	vst.idx.msk $0xffff, v58  }
0x40: {  	[tilespmem:v0+s15+$0xFFFFFFB0 ss:$0x1] =	vst.idx.msk $0xffff, v59  }
.Ltmp4:
0x41: {  	s12 =	sshll.u32 s12, $0x4;
	[tilespmem:v0+s15+$0xFFFFFFC0 ss:$0x1] =	vst.idx.msk $0xffff, v60;
	(pc) =	sbr.rel .LBB1_5-.Ltmp4, $4  }
0x42: {  	s12 =	sand.u32 $0x7F0, s12;
	[tilespmem:v0+s15+$0xFFFFFFD0 ss:$0x1] =	vst.idx.msk $0xffff, v61  }
0x43: {  	s11 =	sshll.u32 s11, $0xB;
	s12 =	sadd.s32 s3, s12;
	[tilespmem:v0+s15+$0xFFFFFFE0 ss:$0x1] =	vst.idx.msk $0xffff, v62  }
0x44: {  	s11 =	sadd.s32 s11, s12;
	[tilespmem:v0+s15+$0xFFFFFFF0 ss:$0x1] =	vst.idx.msk $0xffff, v63  }
0x45: {  	[hbm4b:s11+s6] =	stream.strided.scatter [tilespmem:s13], [sflag:$0x2], $0x4000, s7, s6, $0x38;
	[tilespmem:$0x10000] =	vst v63  }
.LBB1_6:
0x46: {  	_ =	sfence.sel $0x180000  }
0x47: {  	s2 =	simm.s32 $0x1;
	[bflag:$0x0] =	sbarrier.arrive $0xFFFF  }
0x48: {  	s31 =	simm.s32 $0x2;
	[sflag:s2] =	ssyncpa.u1 $0x1  }
0x49: {  	[sflag:s31] =	ssyncpa.u1 $0x1  }
0x4a: {  	p0 =	sne.s32 s1, $0x0;
	_ =	strace $0x90000047  }
0x4b: {  	s0 =	sadd.s32 @!p0 $0x100000, s0;
	[bflag:$0x2] =	sbarrier.arrive $0xFFFF  }
0x4c: {  	[sflag:s0] =	ssyncadd.tile.s32 @!p0 $0x1;
	_ =	shalt  }
.Lfunc_end1:
_tile_overlayer_lowered:
.L_overlay_start_2:
0x4d: {  	(tag) =	ssettag $0x2  }
0x4e: {  	s0 =	rddreg [dreg:$0x0];
	s2 =	stileid.u32  }
0x4f: {  	s1 =	rddreg [dreg:$0x1];
	p0 =	sne.s32 s2, $0x0  }
0x50: {  	s3 =	rddreg [dreg:$0x2];
	[bflag:$0x3] =	sbarrier.arrive $0xFFFF;
	s2 =	simm.s32 @!p0 $0x1C01  }
0x51: {  	[timem:s3], [sflag:s2] =	dma.local @!p0 [hbm:s0], s1  }
0x52: {  	s0 =	simm.s32 @!p0 $0x1  }
0x53: {  	_ =	swait.ge @!p0 [sflag:s0], s1  }
0x54: {  	s1 =	ssub.s32 @!p0 $0x0, s1;
	[sflag:s0] =	ssyncset.done @!p0 $0x0  }
0x55: {  	[sflag:s0] =	ssyncadd.s32 @!p0 s1  }
0x56: {  	[bflag:$0x3] =	sbarrier.arrive $0xFFFF  }
0x57: {  	_ =	shalt  }

</sc_bundles>
